<compile_context>
chip_gen: v7x
topology: tpu7x:2x2x1
jax: 0.10.2.dev20260603
libtpu: 0.0.44.dev20260713+nightly
codegen_flags: <defaults>
</compile_context>

<pallas_src>
import functools
import math

import jax
import jax.numpy as jnp
from jax import lax
from jax.experimental import pallas as pl
from jax.experimental.pallas import tpu as pltpu
from jax.experimental.pallas import tpu_sc as plsc

_IGNORE = 255
_THRESH = float(-math.log(0.7))

_B, _C, _H, _W = 8, 19, 512, 512
_HW = _H * _W
_N = _B * _HW
_K_MIN = _N // 16

_B_SC = 8
_B_TC = _B
_N_SC = _B_SC * _HW

_NC, _NS, _L = 2, 16, 16
_NW = _NC * _NS
_PIX_PER_TILE = _N_SC // _NW
_P = 1024
_CHUNKS = _PIX_PER_TILE // _P
_GROUPS = _P // _L

_BH = 64

_LN2 = 0.6931471805599453
_LNC = (5.629329952183681e-07, 0.9999574661581281, -0.49920638240556336,
        0.3269723524228364, -0.22283471747823236, 0.13076335879271853,
        -0.05262395515996885, 0.010118901693937057)


def _ln(s):
  bits = plsc.bitcast(s, jnp.int32)
  e = ((bits >> 23) - 127).astype(jnp.float32)
  m = plsc.bitcast((bits & 0x007FFFFF) | 0x3F800000, jnp.float32)
  t = m - 1.0
  p = _LNC[7]
  for c in (6, 5, 4, 3, 2, 1, 0):
    p = p * t + _LNC[c]
  return e * _LN2 + p


def _sc_ce_kernel(preds_flat, labels_flat):
  mesh = plsc.VectorSubcoreMesh(
      core_axis_name="c", subcore_axis_name="s",
      num_cores=_NC, num_subcores=_NS)

  @functools.partial(
      pl.kernel,
      out_type=jax.ShapeDtypeStruct((_NW * 128,), jnp.float32),
      mesh=mesh,
      compiler_params=pltpu.CompilerParams(
          needs_layout_passes=False, use_tc_tiling_on_sc=False),
      scratch_types=[
          pltpu.VMEM((3 * _C, _P), jnp.float32),
          pltpu.VMEM((3 * _P,), jnp.int32),
          pltpu.VMEM((128,), jnp.float32),
          pltpu.SemaphoreType.DMA,
      ],
  )
  def kern(preds_hbm, labels_hbm, acc_hbm, pbuf, lbuf, accbuf, sem):
    wid = lax.axis_index("s") * _NC + lax.axis_index("c")
    tile_base = wid * _PIX_PER_TILE
    b = tile_base >> 18
    col_base = tile_base - (b << 18)
    row0 = b * _C

    lane = lax.iota(jnp.int32, _L)
    zero = jnp.zeros((_L,), jnp.float32)

    def fire(k, d):
      col = pl.multiple_of(col_base + k * _P, _P)
      pltpu.async_copy(
          preds_hbm.at[pl.ds(row0, _C), pl.ds(col, _P)],
          pbuf.at[pl.ds(d * _C, _C), :], sem)
      pltpu.async_copy(
          labels_hbm.at[pl.ds(pl.multiple_of(tile_base + k * _P, _P), _P)],
          lbuf.at[pl.ds(d * _P, _P)], sem)

    def drain(d):
      pltpu.make_async_copy(
          preds_hbm.at[pl.ds(0, _C), pl.ds(0, _P)],
          pbuf.at[pl.ds(d * _C, _C), :], sem).wait()
      pltpu.make_async_copy(
          labels_hbm.at[pl.ds(0, _P)], lbuf.at[pl.ds(d * _P, _P)], sem).wait()

    fire(0, 0)
    fire(1, 1)

    def chunk_body(k, carry):
      cnt, hsum, vcnt = carry
      d = lax.rem(k, 3)

      drain(d)

      @pl.when(k < _CHUNKS - 2)
      def _prefetch():
        fire(k + 2, lax.rem(k + 2, 3))

      dC = d * _C
      lb = d * _P

      @plsc.parallel_loop(0, _GROUPS, carry=(cnt, hsum, vcnt), unroll=16)
      def carry(j, carry2):
        cnt2, hsum2, vcnt2 = carry2
        off = j * _L
        es = [jnp.exp(pbuf[dC + c, pl.ds(off, _L)]) for c in range(_C)]
        while len(es) > 1:
          es = [es[i] + es[i + 1] for i in range(0, len(es) - 1, 2)] + (
              [es[-1]] if len(es) % 2 else [])
        s = es[0]

        lab = lbuf[pl.ds(lb + off, _L)]
        valid = lab != _IGNORE
        validf = jnp.where(valid, 1.0, 0.0)
        safe = jnp.where(valid, lab, 0)
        xl = plsc.load_gather(pbuf, [dC + safe, off + lane])

        loss = (_ln(s) - xl) * validf

        hardf = jnp.where(loss > _THRESH, 1.0, 0.0)
        cnt2 = cnt2 + hardf
        hsum2 = hsum2 + loss * hardf
        vcnt2 = vcnt2 + validf
        return cnt2, hsum2, vcnt2
      return carry

    cnt, hsum, vcnt = lax.fori_loop(
        0, _CHUNKS, chunk_body, (zero, zero, zero))

    accbuf[pl.ds(0, _L)] = cnt
    accbuf[pl.ds(_L, _L)] = hsum
    accbuf[pl.ds(2 * _L, _L)] = vcnt
    accbuf[pl.ds(3 * _L, _L)] = zero
    accbuf[pl.ds(4 * _L, _L)] = zero
    accbuf[pl.ds(5 * _L, _L)] = zero
    accbuf[pl.ds(6 * _L, _L)] = zero
    accbuf[pl.ds(7 * _L, _L)] = zero
    pltpu.sync_copy(accbuf, acc_hbm.at[pl.ds(pl.multiple_of(wid * 128, 128), 128)])

  return kern(preds_flat.reshape(_B_SC * _C, _HW), labels_flat)


def _tc_ce_kernel(preds, labels):
  nblk = _H // _BH

  def body(x_ref, lab_ref, loss_ref, part_ref):
    x = x_ref[0]
    lab = lab_ref[0]
    m = x[0]
    for c in range(1, _C):
      m = jnp.maximum(m, x[c])
    s = jnp.exp(x[0] - m)
    for c in range(1, _C):
      s = s + jnp.exp(x[c] - m)
    valid = lab != _IGNORE
    safe = jnp.where(valid, lab, 0)
    picked = jnp.where(safe == 0, x[0], 0.0)
    for c in range(1, _C):
      picked = picked + jnp.where(safe == c, x[c], 0.0)
    loss = jnp.where(valid, m + jnp.log(s) - picked, 0.0)
    loss_ref[0] = loss
    hard = loss > _THRESH
    part_ref[0, 0, 0] = jnp.sum(hard.astype(jnp.float32))
    part_ref[0, 0, 1] = jnp.sum(jnp.where(hard, loss, 0.0))
    part_ref[0, 0, 2] = jnp.sum(valid.astype(jnp.float32))

  loss, part = pl.pallas_call(
      body,
      grid=(_B_TC * nblk,),
      in_specs=[
          pl.BlockSpec((1, _C, _BH, _W),
                       lambda i: (i // nblk, 0, i % nblk, 0)),
          pl.BlockSpec((1, _BH, _W), lambda i: (i // nblk, i % nblk, 0)),
      ],
      out_specs=[
          pl.BlockSpec((1, _BH, _W), lambda i: (i // nblk, i % nblk, 0)),
          pl.BlockSpec((1, 1, 3), lambda i: (i, 0, 0), memory_space=pltpu.SMEM),
      ],
      out_shape=[
          jax.ShapeDtypeStruct((_B_TC, _H, _W), jnp.float32),
          jax.ShapeDtypeStruct((_B_TC * nblk, 1, 3), jnp.float32),
      ],
  )(preds, labels)
  return loss.reshape(-1), part


def _topk_mean(loss):
  x2 = loss.reshape(2048, 1024)

  def body(x_ref, o_ref):
    x = x_ref[...]
    xb = lax.bitcast_convert_type(x, jnp.int32)

    def it(_, lohi):
      lo, hi = lohi
      mid = lo + (hi - lo) // 2
      c = jnp.sum((xb > mid).astype(jnp.int32))
      below = c < _K_MIN
      return jnp.where(below, lo, mid + 1), jnp.where(below, mid, hi)

    lo, _ = lax.fori_loop(
        0, 31, it, (jnp.int32(0), jnp.int32(0x7F800000)))
    t = lax.bitcast_convert_type(lo, jnp.float32)
    gt = x > t
    c_gt = jnp.sum(gt.astype(jnp.float32))
    s_gt = jnp.sum(jnp.where(gt, x, 0.0))
    o_ref[0, 0] = (s_gt + t * (_K_MIN - c_gt)) / _K_MIN

  out = pl.pallas_call(
      body,
      out_shape=jax.ShapeDtypeStruct((1, 1), jnp.float32),
      out_specs=pl.BlockSpec(memory_space=pltpu.SMEM),
  )(x2)
  return out[0, 0]


def kernel(preds, labels):
  preds_p = preds.reshape(_B, _C, _H // 8, 8, _W // 128, 128)
  preds_p = preds_p.transpose(0, 1, 2, 4, 3, 5).reshape(-1)
  labels_p = labels.reshape(_B, _H // 8, 8, _W // 128, 128)
  labels_p = labels_p.transpose(0, 1, 3, 2, 4).reshape(-1)
  acc = _sc_ce_kernel(preds_p, labels_p)

  acc = acc.reshape(_NW, 128)
  cnt = jnp.sum(acc[:, 0:_L])
  hsum = jnp.sum(acc[:, _L:2 * _L])
  vcnt = jnp.sum(acc[:, 2 * _L:3 * _L])

  n_hard = cnt.astype(jnp.int32)
  n_min = vcnt.astype(jnp.int32) // 16
  hard_mean = hsum / cnt

  def cold(args):
    p, l = args
    loss, _ = _tc_ce_kernel(p, l)
    return _topk_mean(loss)

  return lax.cond(
      n_hard < n_min,
      cold,
      lambda _: hard_mean,
      (preds, labels))

# --- scband reference (transcript-rebuilt; emitter-appended) ---
"""Pipeline reference for scband-ohem-cross-entropy-82463372083305 (READ-ONLY COPY).

The authoritative reference and input builder live on the scoring server;
editing this copy changes nothing except your own understanding.
"""

import jax, jax.numpy as jnp
import numpy as np

IGNORE_LABEL = 255
THRESH = float(-np.log(0.7))


def setup_inputs(seed: int = 0) -> dict:
    key = jax.random.key(seed)
    k1, k2 = jax.random.split(key)
    preds = jax.random.normal(k1, (8, 19, 512, 512), dtype=jnp.float32)
    labels = jax.random.randint(k2, (8, 512, 512), 0, 19, dtype=jnp.int32)
    return {"preds": preds, "labels": labels}


def _pixel_ce(preds, labels):
    # per-pixel cross entropy with ignore_index, reduction='none'
    logp = jax.nn.log_softmax(preds, axis=1)  # [B, C, H, W]
    valid = labels != IGNORE_LABEL            # [B, H, W]
    safe = jnp.where(valid, labels, 0)
    picked = jnp.take_along_axis(logp, safe[:, None, :, :].astype(jnp.int32), axis=1)[:, 0]
    return jnp.where(valid, -picked, 0.0)     # [B, H, W]


def reference(preds, labels):
    # preds spatial dims match labels, so no interpolation branch
    loss = _pixel_ce(preds, labels).reshape(-1)
    n_min = jnp.sum(labels != IGNORE_LABEL) // 16
    k_min = labels.size // 16
    mask = loss > THRESH
    n_hard = jnp.sum(mask)
    topk_mean = jnp.mean(jax.lax.top_k(loss, k_min)[0])
    hard_mean = jnp.sum(jnp.where(mask, loss, 0.0)) / n_hard
    return jnp.where(n_hard < n_min, topk_mean, hard_mean)

if __name__ == "__main__":
    import jax
    _d = setup_inputs()
    print(jax.jit(kernel)(*tuple(_d.values())))

</pallas_src>

<mosaic_0001>
#map = affine_map<(d0, d1) -> (0, 0)>
#map1 = affine_map<(d0, d1) -> (0)>
module attributes {stable_mosaic.version = 14 : i64} {
  func.func @kern(%arg0: i32, %arg1: i32, %arg2: memref<152x262144xf32, #tpu.memory_space<hbm>>, %arg3: memref<2097152xi32, #tpu.memory_space<hbm>>, %arg4: memref<4096xf32, #tpu.memory_space<hbm>>, %arg5: memref<57x1024xf32, #tpu.memory_space<vmem>>, %arg6: memref<3072xi32, #tpu.memory_space<vmem>>, %arg7: memref<128xf32, #tpu.memory_space<vmem>>, %arg8: memref<!tpu.dma_semaphore, #tpu.memory_space<semaphore_mem>>) attributes {dimension_semantics = [#tpu.dimension_semantics<core_parallel>, #tpu.dimension_semantics<subcore_parallel>], iteration_bounds = array<i64: 2, 16>, scalar_prefetch = 0 : i64, scratch_operands = 4 : i64, tpu.core_type = #tpu.core_type<sc_vector_subcore>, window_params = [{transform_indices = #map}, {transform_indices = #map1}, {transform_indices = #map1}]} {
    %mul3A = arith.constant 2 : i32
    %mul3A_0 = arith.muli %arg1, %mul3A : i32
    %add3A = arith.addi %mul3A_0, %arg0 : i32
    %mul3A_1 = arith.constant 65536 : i32
    %mul3A_2 = arith.muli %add3A, %mul3A_1 : i32
    %shift_right_arithmetic3A = arith.constant 18 : i32
    %shift_right_arithmetic3A_3 = arith.shrsi %mul3A_2, %shift_right_arithmetic3A : i32
    %shift_left3A = arith.constant 18 : i32
    %shift_left3A_4 = arith.shli %shift_right_arithmetic3A_3, %shift_left3A : i32
    %sub3A = arith.subi %mul3A_2, %shift_left3A_4 : i32
    %mul3A_5 = arith.constant 19 : i32
    %mul3A_6 = arith.muli %shift_right_arithmetic3A_3, %mul3A_5 : i32
    %iota3A = tpu.iota {dimensions = array<i32: 0>} : vector<16xi32>
    %broadcast_in_dim3A = arith.constant 0.000000e+00 : f32
    %broadcast_in_dim3A_7 = vector.broadcast %broadcast_in_dim3A : f32 to vector<16xf32>
    %add3A_8 = arith.constant 0 : i32
    %add3A_9 = arith.addi %sub3A, %add3A_8 : i32
    %multiple_of3A = tpu.assume_multiple %add3A_9, 1024 : i32
    %dma_start3A = arith.constant 0 : i32
    %dma_start3A_10 = arith.constant 0 : i32
    %dma_start3A_11 = tpu.memref_slice %arg5[%dma_start3A, %dma_start3A_10] : memref<57x1024xf32, #tpu.memory_space<vmem>> -> memref<19x1024xf32, #tpu.memory_space<vmem>>
    %dma_start3A_12 = tpu.memref_slice %arg2[%mul3A_6, %multiple_of3A] : memref<152x262144xf32, #tpu.memory_space<hbm>> -> memref<19x1024xf32, #tpu.memory_space<hbm>>
    %dma_start3A_13 = arith.constant 0 : i32
    %dma_start3A_14 = arith.constant 0 : i32
    %dma_start3A_15 = tpu.memref_slice %arg5[%dma_start3A_13, %dma_start3A_14] : memref<57x1024xf32, #tpu.memory_space<vmem>> -> memref<19x1024xf32, #tpu.memory_space<vmem>>
    %dma_start3A_16 = tpu.memref_slice %arg2[%mul3A_6, %multiple_of3A] : memref<152x262144xf32, #tpu.memory_space<hbm>> -> memref<19x1024xf32, #tpu.memory_space<hbm>>
    tpu.enqueue_dma source(%dma_start3A_16 : memref<19x1024xf32, #tpu.memory_space<hbm>>) target(%dma_start3A_15 : memref<19x1024xf32, #tpu.memory_space<vmem>>) target_semaphore(%arg8 : memref<!tpu.dma_semaphore, #tpu.memory_space<semaphore_mem>>)
    %add3A_17 = arith.constant 0 : i32
    %add3A_18 = arith.addi %mul3A_2, %add3A_17 : i32
    %multiple_of3A_19 = tpu.assume_multiple %add3A_18, 1024 : i32
    %dma_start3A_20 = arith.constant 0 : i32
    %dma_start3A_21 = tpu.memref_slice %arg6[%dma_start3A_20] : memref<3072xi32, #tpu.memory_space<vmem>> -> memref<1024xi32, #tpu.memory_space<vmem>>
    %dma_start3A_22 = tpu.memref_slice %arg3[%multiple_of3A_19] : memref<2097152xi32, #tpu.memory_space<hbm>> -> memref<1024xi32, #tpu.memory_space<hbm>>
    %dma_start3A_23 = arith.constant 0 : i32
    %dma_start3A_24 = tpu.memref_slice %arg6[%dma_start3A_23] : memref<3072xi32, #tpu.memory_space<vmem>> -> memref<1024xi32, #tpu.memory_space<vmem>>
    %dma_start3A_25 = tpu.memref_slice %arg3[%multiple_of3A_19] : memref<2097152xi32, #tpu.memory_space<hbm>> -> memref<1024xi32, #tpu.memory_space<hbm>>
    tpu.enqueue_dma source(%dma_start3A_25 : memref<1024xi32, #tpu.memory_space<hbm>>) target(%dma_start3A_24 : memref<1024xi32, #tpu.memory_space<vmem>>) target_semaphore(%arg8 : memref<!tpu.dma_semaphore, #tpu.memory_space<semaphore_mem>>)
    %add3A_26 = arith.constant 1024 : i32
    %add3A_27 = arith.addi %sub3A, %add3A_26 : i32
    %multiple_of3A_28 = tpu.assume_multiple %add3A_27, 1024 : i32
    %dma_start3A_29 = arith.constant 19 : i32
    %dma_start3A_30 = arith.constant 0 : i32
    %dma_start3A_31 = tpu.memref_slice %arg5[%dma_start3A_29, %dma_start3A_30] : memref<57x1024xf32, #tpu.memory_space<vmem>> -> memref<19x1024xf32, #tpu.memory_space<vmem>>
    %dma_start3A_32 = tpu.memref_slice %arg2[%mul3A_6, %multiple_of3A_28] : memref<152x262144xf32, #tpu.memory_space<hbm>> -> memref<19x1024xf32, #tpu.memory_space<hbm>>
    %dma_start3A_33 = arith.constant 19 : i32
    %dma_start3A_34 = arith.constant 0 : i32
    %dma_start3A_35 = tpu.memref_slice %arg5[%dma_start3A_33, %dma_start3A_34] : memref<57x1024xf32, #tpu.memory_space<vmem>> -> memref<19x1024xf32, #tpu.memory_space<vmem>>
    %dma_start3A_36 = tpu.memref_slice %arg2[%mul3A_6, %multiple_of3A_28] : memref<152x262144xf32, #tpu.memory_space<hbm>> -> memref<19x1024xf32, #tpu.memory_space<hbm>>
    tpu.enqueue_dma source(%dma_start3A_36 : memref<19x1024xf32, #tpu.memory_space<hbm>>) target(%dma_start3A_35 : memref<19x1024xf32, #tpu.memory_space<vmem>>) target_semaphore(%arg8 : memref<!tpu.dma_semaphore, #tpu.memory_space<semaphore_mem>>)
    %add3A_37 = arith.constant 1024 : i32
    %add3A_38 = arith.addi %mul3A_2, %add3A_37 : i32
    %multiple_of3A_39 = tpu.assume_multiple %add3A_38, 1024 : i32
    %dma_start3A_40 = arith.constant 1024 : i32
    %dma_start3A_41 = tpu.memref_slice %arg6[%dma_start3A_40] : memref<3072xi32, #tpu.memory_space<vmem>> -> memref<1024xi32, #tpu.memory_space<vmem>>
    %dma_start3A_42 = tpu.memref_slice %arg3[%multiple_of3A_39] : memref<2097152xi32, #tpu.memory_space<hbm>> -> memref<1024xi32, #tpu.memory_space<hbm>>
    %dma_start3A_43 = arith.constant 1024 : i32
    %dma_start3A_44 = tpu.memref_slice %arg6[%dma_start3A_43] : memref<3072xi32, #tpu.memory_space<vmem>> -> memref<1024xi32, #tpu.memory_space<vmem>>
    %dma_start3A_45 = tpu.memref_slice %arg3[%multiple_of3A_39] : memref<2097152xi32, #tpu.memory_space<hbm>> -> memref<1024xi32, #tpu.memory_space<hbm>>
    tpu.enqueue_dma source(%dma_start3A_45 : memref<1024xi32, #tpu.memory_space<hbm>>) target(%dma_start3A_44 : memref<1024xi32, #tpu.memory_space<vmem>>) target_semaphore(%arg8 : memref<!tpu.dma_semaphore, #tpu.memory_space<semaphore_mem>>)
    %scan3A = arith.constant 0 : i32
    %scan3A_46 = arith.constant 64 : i32
    %scan3A_47 = arith.addi %scan3A, %scan3A_46 : i32
    %scan3A_48 = arith.constant 1 : i32
    %scan3A_49:3 = scf.for %scan3A_69 = %scan3A to %scan3A_47 step %scan3A_48 iter_args(%scan3A_70 = %broadcast_in_dim3A_7, %scan3A_71 = %broadcast_in_dim3A_7, %scan3A_72 = %broadcast_in_dim3A_7) -> (vector<16xf32>, vector<16xf32>, vector<16xf32>)  : i32 {
      %rem3A = arith.constant 3 : i32
      %rem3A_73 = arith.remsi %scan3A_69, %rem3A : i32
      %mul3A_74 = arith.constant 19 : i32
      %mul3A_75 = arith.muli %rem3A_73, %mul3A_74 : i32
      %dma_wait3A = arith.constant 0 : i32
      %dma_wait3A_76 = tpu.memref_slice %arg5[%mul3A_75, %dma_wait3A] : memref<57x1024xf32, #tpu.memory_space<vmem>> -> memref<19x1024xf32, #tpu.memory_space<vmem>>
      %dma_wait3A_77 = arith.constant 0 : i32
      %dma_wait3A_78 = arith.constant 0 : i32
      %dma_wait3A_79 = tpu.memref_slice %arg2[%dma_wait3A_77, %dma_wait3A_78] : memref<152x262144xf32, #tpu.memory_space<hbm>> -> memref<19x1024xf32, #tpu.memory_space<hbm>>
      %dma_wait3A_80 = arith.constant 0 : i32
      %dma_wait3A_81 = tpu.memref_slice %arg5[%mul3A_75, %dma_wait3A_80] : memref<57x1024xf32, #tpu.memory_space<vmem>> -> memref<19x1024xf32, #tpu.memory_space<vmem>>
      %dma_wait3A_82 = arith.constant 0 : i32
      %dma_wait3A_83 = arith.constant 0 : i32
      %dma_wait3A_84 = tpu.memref_slice %arg2[%dma_wait3A_82, %dma_wait3A_83] : memref<152x262144xf32, #tpu.memory_space<hbm>> -> memref<19x1024xf32, #tpu.memory_space<hbm>>
      tpu.wait_dma2 semaphore(%arg8 : memref<!tpu.dma_semaphore, #tpu.memory_space<semaphore_mem>>) src(%dma_wait3A_84 : memref<19x1024xf32, #tpu.memory_space<hbm>>) dst(%dma_wait3A_81 : memref<19x1024xf32, #tpu.memory_space<vmem>>)
      %mul3A_85 = arith.constant 1024 : i32
      %mul3A_86 = arith.muli %rem3A_73, %mul3A_85 : i32
      %dma_wait3A_87 = tpu.memref_slice %arg6[%mul3A_86] : memref<3072xi32, #tpu.memory_space<vmem>> -> memref<1024xi32, #tpu.memory_space<vmem>>
      %dma_wait3A_88 = arith.constant 0 : i32
      %dma_wait3A_89 = tpu.memref_slice %arg3[%dma_wait3A_88] : memref<2097152xi32, #tpu.memory_space<hbm>> -> memref<1024xi32, #tpu.memory_space<hbm>>
      %dma_wait3A_90 = tpu.memref_slice %arg6[%mul3A_86] : memref<3072xi32, #tpu.memory_space<vmem>> -> memref<1024xi32, #tpu.memory_space<vmem>>
      %dma_wait3A_91 = arith.constant 0 : i32
      %dma_wait3A_92 = tpu.memref_slice %arg3[%dma_wait3A_91] : memref<2097152xi32, #tpu.memory_space<hbm>> -> memref<1024xi32, #tpu.memory_space<hbm>>
      tpu.wait_dma2 semaphore(%arg8 : memref<!tpu.dma_semaphore, #tpu.memory_space<semaphore_mem>>) src(%dma_wait3A_92 : memref<1024xi32, #tpu.memory_space<hbm>>) dst(%dma_wait3A_90 : memref<1024xi32, #tpu.memory_space<vmem>>)
      %lt3A = arith.constant 62 : i32
      %lt3A_93 = arith.cmpi slt, %scan3A_69, %lt3A : i32
      %convert_element_type3A = arith.extui %lt3A_93 : i1 to i32
      %cond3A = arith.constant 0 : i32
      %cond3A_94 = arith.cmpi ne, %convert_element_type3A, %cond3A : i32
      scf.if %cond3A_94 {
        %add3A_102 = arith.constant 2 : i32
        %add3A_103 = arith.addi %scan3A_69, %add3A_102 : i32
        %add3A_104 = arith.constant 2 : i32
        %add3A_105 = arith.addi %scan3A_69, %add3A_104 : i32
        %rem3A_106 = arith.constant 3 : i32
        %rem3A_107 = arith.remsi %add3A_105, %rem3A_106 : i32
        %mul3A_108 = arith.constant 1024 : i32
        %mul3A_109 = arith.muli %add3A_103, %mul3A_108 : i32
        %add3A_110 = arith.addi %sub3A, %mul3A_109 : i32
        %multiple_of3A_111 = tpu.assume_multiple %add3A_110, 1024 : i32
        %mul3A_112 = arith.constant 19 : i32
        %mul3A_113 = arith.muli %rem3A_107, %mul3A_112 : i32
        %dma_start3A_114 = arith.constant 0 : i32
        %dma_start3A_115 = tpu.memref_slice %arg5[%mul3A_113, %dma_start3A_114] : memref<57x1024xf32, #tpu.memory_space<vmem>> -> memref<19x1024xf32, #tpu.memory_space<vmem>>
        %dma_start3A_116 = tpu.memref_slice %arg2[%mul3A_6, %multiple_of3A_111] : memref<152x262144xf32, #tpu.memory_space<hbm>> -> memref<19x1024xf32, #tpu.memory_space<hbm>>
        %dma_start3A_117 = arith.constant 0 : i32
        %dma_start3A_118 = tpu.memref_slice %arg5[%mul3A_113, %dma_start3A_117] : memref<57x1024xf32, #tpu.memory_space<vmem>> -> memref<19x1024xf32, #tpu.memory_space<vmem>>
        %dma_start3A_119 = tpu.memref_slice %arg2[%mul3A_6, %multiple_of3A_111] : memref<152x262144xf32, #tpu.memory_space<hbm>> -> memref<19x1024xf32, #tpu.memory_space<hbm>>
        tpu.enqueue_dma source(%dma_start3A_119 : memref<19x1024xf32, #tpu.memory_space<hbm>>) target(%dma_start3A_118 : memref<19x1024xf32, #tpu.memory_space<vmem>>) target_semaphore(%arg8 : memref<!tpu.dma_semaphore, #tpu.memory_space<semaphore_mem>>)
        %mul3A_120 = arith.constant 1024 : i32
        %mul3A_121 = arith.muli %add3A_103, %mul3A_120 : i32
        %add3A_122 = arith.addi %mul3A_2, %mul3A_121 : i32
        %multiple_of3A_123 = tpu.assume_multiple %add3A_122, 1024 : i32
        %mul3A_124 = arith.constant 1024 : i32
        %mul3A_125 = arith.muli %rem3A_107, %mul3A_124 : i32
        %dma_start3A_126 = tpu.memref_slice %arg6[%mul3A_125] : memref<3072xi32, #tpu.memory_space<vmem>> -> memref<1024xi32, #tpu.memory_space<vmem>>
        %dma_start3A_127 = tpu.memref_slice %arg3[%multiple_of3A_123] : memref<2097152xi32, #tpu.memory_space<hbm>> -> memref<1024xi32, #tpu.memory_space<hbm>>
        %dma_start3A_128 = tpu.memref_slice %arg6[%mul3A_125] : memref<3072xi32, #tpu.memory_space<vmem>> -> memref<1024xi32, #tpu.memory_space<vmem>>
        %dma_start3A_129 = tpu.memref_slice %arg3[%multiple_of3A_123] : memref<2097152xi32, #tpu.memory_space<hbm>> -> memref<1024xi32, #tpu.memory_space<hbm>>
        tpu.enqueue_dma source(%dma_start3A_129 : memref<1024xi32, #tpu.memory_space<hbm>>) target(%dma_start3A_128 : memref<1024xi32, #tpu.memory_space<vmem>>) target_semaphore(%arg8 : memref<!tpu.dma_semaphore, #tpu.memory_space<semaphore_mem>>)
      } else {
      }
      %mul3A_95 = arith.constant 19 : i32
      %mul3A_96 = arith.muli %rem3A_73, %mul3A_95 : i32
      %mul3A_97 = arith.constant 1024 : i32
      %mul3A_98 = arith.muli %rem3A_73, %mul3A_97 : i32
      %parallel_loop3A = arith.constant 0 : i32
      %parallel_loop3A_99 = arith.constant 64 : i32
      %parallel_loop3A_100 = arith.constant 1 : i32
      %parallel_loop3A_101:3 = scf.for %parallel_loop3A_102 = %parallel_loop3A to %parallel_loop3A_99 step %parallel_loop3A_100 iter_args(%parallel_loop3A_103 = %scan3A_70, %parallel_loop3A_104 = %scan3A_71, %parallel_loop3A_105 = %scan3A_72) -> (vector<16xf32>, vector<16xf32>, vector<16xf32>)  : i32 {
        %parallel_loop3A_106 = arith.constant 16 : i32
        %parallel_loop3A_107 = arith.muli %parallel_loop3A_102, %parallel_loop3A_106 : i32
        %parallel_loop3A_108 = arith.constant 0 : i32
        %parallel_loop3A_109 = arith.addi %mul3A_96, %parallel_loop3A_108 : i32
        %parallel_loop3A_110 = arith.index_cast %parallel_loop3A_109 : i32 to index
        %parallel_loop3A_111 = arith.index_cast %parallel_loop3A_107 : i32 to index
        %parallel_loop3A_112 = tpu.vector_load %arg5[%parallel_loop3A_110, %parallel_loop3A_111] {strides = array<i32>} : memref<57x1024xf32, #tpu.memory_space<vmem>>, vector<16xf32>,
        %parallel_loop3A_113 = math.exp %parallel_loop3A_112 : vector<16xf32>
        %parallel_loop3A_114 = arith.constant 1 : i32
        %parallel_loop3A_115 = arith.addi %mul3A_96, %parallel_loop3A_114 : i32
        %parallel_loop3A_116 = arith.index_cast %parallel_loop3A_115 : i32 to index
        %parallel_loop3A_117 = arith.index_cast %parallel_loop3A_107 : i32 to index
        %parallel_loop3A_118 = tpu.vector_load %arg5[%parallel_loop3A_116, %parallel_loop3A_117] {strides = array<i32>} : memref<57x1024xf32, #tpu.memory_space<vmem>>, vector<16xf32>,
        %parallel_loop3A_119 = math.exp %parallel_loop3A_118 : vector<16xf32>
        %parallel_loop3A_120 = arith.constant 2 : i32
        %parallel_loop3A_121 = arith.addi %mul3A_96, %parallel_loop3A_120 : i32
        %parallel_loop3A_122 = arith.index_cast %parallel_loop3A_121 : i32 to index
        %parallel_loop3A_123 = arith.index_cast %parallel_loop3A_107 : i32 to index
        %parallel_loop3A_124 = tpu.vector_load %arg5[%parallel_loop3A_122, %parallel_loop3A_123] {strides = array<i32>} : memref<57x1024xf32, #tpu.memory_space<vmem>>, vector<16xf32>,
        %parallel_loop3A_125 = math.exp %parallel_loop3A_124 : vector<16xf32>
        %parallel_loop3A_126 = arith.constant 3 : i32
        %parallel_loop3A_127 = arith.addi %mul3A_96, %parallel_loop3A_126 : i32
        %parallel_loop3A_128 = arith.index_cast %parallel_loop3A_127 : i32 to index
        %parallel_loop3A_129 = arith.index_cast %parallel_loop3A_107 : i32 to index
        %parallel_loop3A_130 = tpu.vector_load %arg5[%parallel_loop3A_128, %parallel_loop3A_129] {strides = array<i32>} : memref<57x1024xf32, #tpu.memory_space<vmem>>, vector<16xf32>,
        %parallel_loop3A_131 = math.exp %parallel_loop3A_130 : vector<16xf32>
        %parallel_loop3A_132 = arith.constant 4 : i32
        %parallel_loop3A_133 = arith.addi %mul3A_96, %parallel_loop3A_132 : i32
        %parallel_loop3A_134 = arith.index_cast %parallel_loop3A_133 : i32 to index
        %parallel_loop3A_135 = arith.index_cast %parallel_loop3A_107 : i32 to index
        %parallel_loop3A_136 = tpu.vector_load %arg5[%parallel_loop3A_134, %parallel_loop3A_135] {strides = array<i32>} : memref<57x1024xf32, #tpu.memory_space<vmem>>, vector<16xf32>,
        %parallel_loop3A_137 = math.exp %parallel_loop3A_136 : vector<16xf32>
        %parallel_loop3A_138 = arith.constant 5 : i32
        %parallel_loop3A_139 = arith.addi %mul3A_96, %parallel_loop3A_138 : i32
        %parallel_loop3A_140 = arith.index_cast %parallel_loop3A_139 : i32 to index
        %parallel_loop3A_141 = arith.index_cast %parallel_loop3A_107 : i32 to index
        %parallel_loop3A_142 = tpu.vector_load %arg5[%parallel_loop3A_140, %parallel_loop3A_141] {strides = array<i32>} : memref<57x1024xf32, #tpu.memory_space<vmem>>, vector<16xf32>,
        %parallel_loop3A_143 = math.exp %parallel_loop3A_142 : vector<16xf32>
        %parallel_loop3A_144 = arith.constant 6 : i32
        %parallel_loop3A_145 = arith.addi %mul3A_96, %parallel_loop3A_144 : i32
        %parallel_loop3A_146 = arith.index_cast %parallel_loop3A_145 : i32 to index
        %parallel_loop3A_147 = arith.index_cast %parallel_loop3A_107 : i32 to index
        %parallel_loop3A_148 = tpu.vector_load %arg5[%parallel_loop3A_146, %parallel_loop3A_147] {strides = array<i32>} : memref<57x1024xf32, #tpu.memory_space<vmem>>, vector<16xf32>,
        %parallel_loop3A_149 = math.exp %parallel_loop3A_148 : vector<16xf32>
        %parallel_loop3A_150 = arith.constant 7 : i32
        %parallel_loop3A_151 = arith.addi %mul3A_96, %parallel_loop3A_150 : i32
        %parallel_loop3A_152 = arith.index_cast %parallel_loop3A_151 : i32 to index
        %parallel_loop3A_153 = arith.index_cast %parallel_loop3A_107 : i32 to index
        %parallel_loop3A_154 = tpu.vector_load %arg5[%parallel_loop3A_152, %parallel_loop3A_153] {strides = array<i32>} : memref<57x1024xf32, #tpu.memory_space<vmem>>, vector<16xf32>,
        %parallel_loop3A_155 = math.exp %parallel_loop3A_154 : vector<16xf32>
        %parallel_loop3A_156 = arith.constant 8 : i32
        %parallel_loop3A_157 = arith.addi %mul3A_96, %parallel_loop3A_156 : i32
        %parallel_loop3A_158 = arith.index_cast %parallel_loop3A_157 : i32 to index
        %parallel_loop3A_159 = arith.index_cast %parallel_loop3A_107 : i32 to index
        %parallel_loop3A_160 = tpu.vector_load %arg5[%parallel_loop3A_158, %parallel_loop3A_159] {strides = array<i32>} : memref<57x1024xf32, #tpu.memory_space<vmem>>, vector<16xf32>,
        %parallel_loop3A_161 = math.exp %parallel_loop3A_160 : vector<16xf32>
        %parallel_loop3A_162 = arith.constant 9 : i32
        %parallel_loop3A_163 = arith.addi %mul3A_96, %parallel_loop3A_162 : i32
        %parallel_loop3A_164 = arith.index_cast %parallel_loop3A_163 : i32 to index
        %parallel_loop3A_165 = arith.index_cast %parallel_loop3A_107 : i32 to index
        %parallel_loop3A_166 = tpu.vector_load %arg5[%parallel_loop3A_164, %parallel_loop3A_165] {strides = array<i32>} : memref<57x1024xf32, #tpu.memory_space<vmem>>, vector<16xf32>,
        %parallel_loop3A_167 = math.exp %parallel_loop3A_166 : vector<16xf32>
        %parallel_loop3A_168 = arith.constant 10 : i32
        %parallel_loop3A_169 = arith.addi %mul3A_96, %parallel_loop3A_168 : i32
        %parallel_loop3A_170 = arith.index_cast %parallel_loop3A_169 : i32 to index
        %parallel_loop3A_171 = arith.index_cast %parallel_loop3A_107 : i32 to index
        %parallel_loop3A_172 = tpu.vector_load %arg5[%parallel_loop3A_170, %parallel_loop3A_171] {strides = array<i32>} : memref<57x1024xf32, #tpu.memory_space<vmem>>, vector<16xf32>,
        %parallel_loop3A_173 = math.exp %parallel_loop3A_172 : vector<16xf32>
        %parallel_loop3A_174 = arith.constant 11 : i32
        %parallel_loop3A_175 = arith.addi %mul3A_96, %parallel_loop3A_174 : i32
        %parallel_loop3A_176 = arith.index_cast %parallel_loop3A_175 : i32 to index
        %parallel_loop3A_177 = arith.index_cast %parallel_loop3A_107 : i32 to index
        %parallel_loop3A_178 = tpu.vector_load %arg5[%parallel_loop3A_176, %parallel_loop3A_177] {strides = array<i32>} : memref<57x1024xf32, #tpu.memory_space<vmem>>, vector<16xf32>,
        %parallel_loop3A_179 = math.exp %parallel_loop3A_178 : vector<16xf32>
        %parallel_loop3A_180 = arith.constant 12 : i32
        %parallel_loop3A_181 = arith.addi %mul3A_96, %parallel_loop3A_180 : i32
        %parallel_loop3A_182 = arith.index_cast %parallel_loop3A_181 : i32 to index
        %parallel_loop3A_183 = arith.index_cast %parallel_loop3A_107 : i32 to index
        %parallel_loop3A_184 = tpu.vector_load %arg5[%parallel_loop3A_182, %parallel_loop3A_183] {strides = array<i32>} : memref<57x1024xf32, #tpu.memory_space<vmem>>, vector<16xf32>,
        %parallel_loop3A_185 = math.exp %parallel_loop3A_184 : vector<16xf32>
        %parallel_loop3A_186 = arith.constant 13 : i32
        %parallel_loop3A_187 = arith.addi %mul3A_96, %parallel_loop3A_186 : i32
        %parallel_loop3A_188 = arith.index_cast %parallel_loop3A_187 : i32 to index
        %parallel_loop3A_189 = arith.index_cast %parallel_loop3A_107 : i32 to index
        %parallel_loop3A_190 = tpu.vector_load %arg5[%parallel_loop3A_188, %parallel_loop3A_189] {strides = array<i32>} : memref<57x1024xf32, #tpu.memory_space<vmem>>, vector<16xf32>,
        %parallel_loop3A_191 = math.exp %parallel_loop3A_190 : vector<16xf32>
        %parallel_loop3A_192 = arith.constant 14 : i32
        %parallel_loop3A_193 = arith.addi %mul3A_96, %parallel_loop3A_192 : i32
        %parallel_loop3A_194 = arith.index_cast %parallel_loop3A_193 : i32 to index
        %parallel_loop3A_195 = arith.index_cast %parallel_loop3A_107 : i32 to index
        %parallel_loop3A_196 = tpu.vector_load %arg5[%parallel_loop3A_194, %parallel_loop3A_195] {strides = array<i32>} : memref<57x1024xf32, #tpu.memory_space<vmem>>, vector<16xf32>,
        %parallel_loop3A_197 = math.exp %parallel_loop3A_196 : vector<16xf32>
        %parallel_loop3A_198 = arith.constant 15 : i32
        %parallel_loop3A_199 = arith.addi %mul3A_96, %parallel_loop3A_198 : i32
        %parallel_loop3A_200 = arith.index_cast %parallel_loop3A_199 : i32 to index
        %parallel_loop3A_201 = arith.index_cast %parallel_loop3A_107 : i32 to index
        %parallel_loop3A_202 = tpu.vector_load %arg5[%parallel_loop3A_200, %parallel_loop3A_201] {strides = array<i32>} : memref<57x1024xf32, #tpu.memory_space<vmem>>, vector<16xf32>,
        %parallel_loop3A_203 = math.exp %parallel_loop3A_202 : vector<16xf32>
        %parallel_loop3A_204 = arith.constant 16 : i32
        %parallel_loop3A_205 = arith.addi %mul3A_96, %parallel_loop3A_204 : i32
        %parallel_loop3A_206 = arith.index_cast %parallel_loop3A_205 : i32 to index
        %parallel_loop3A_207 = arith.index_cast %parallel_loop3A_107 : i32 to index
        %parallel_loop3A_208 = tpu.vector_load %arg5[%parallel_loop3A_206, %parallel_loop3A_207] {strides = array<i32>} : memref<57x1024xf32, #tpu.memory_space<vmem>>, vector<16xf32>,
        %parallel_loop3A_209 = math.exp %parallel_loop3A_208 : vector<16xf32>
        %parallel_loop3A_210 = arith.constant 17 : i32
        %parallel_loop3A_211 = arith.addi %mul3A_96, %parallel_loop3A_210 : i32
        %parallel_loop3A_212 = arith.index_cast %parallel_loop3A_211 : i32 to index
        %parallel_loop3A_213 = arith.index_cast %parallel_loop3A_107 : i32 to index
        %parallel_loop3A_214 = tpu.vector_load %arg5[%parallel_loop3A_212, %parallel_loop3A_213] {strides = array<i32>} : memref<57x1024xf32, #tpu.memory_space<vmem>>, vector<16xf32>,
        %parallel_loop3A_215 = math.exp %parallel_loop3A_214 : vector<16xf32>
        %parallel_loop3A_216 = arith.constant 18 : i32
        %parallel_loop3A_217 = arith.addi %mul3A_96, %parallel_loop3A_216 : i32
        %parallel_loop3A_218 = arith.index_cast %parallel_loop3A_217 : i32 to index
        %parallel_loop3A_219 = arith.index_cast %parallel_loop3A_107 : i32 to index
        %parallel_loop3A_220 = tpu.vector_load %arg5[%parallel_loop3A_218, %parallel_loop3A_219] {strides = array<i32>} : memref<57x1024xf32, #tpu.memory_space<vmem>>, vector<16xf32>,
        %parallel_loop3A_221 = math.exp %parallel_loop3A_220 : vector<16xf32>
        %parallel_loop3A_222 = arith.addf %parallel_loop3A_113, %parallel_loop3A_119 : vector<16xf32>
        %parallel_loop3A_223 = arith.addf %parallel_loop3A_125, %parallel_loop3A_131 : vector<16xf32>
        %parallel_loop3A_224 = arith.addf %parallel_loop3A_137, %parallel_loop3A_143 : vector<16xf32>
        %parallel_loop3A_225 = arith.addf %parallel_loop3A_149, %parallel_loop3A_155 : vector<16xf32>
        %parallel_loop3A_226 = arith.addf %parallel_loop3A_161, %parallel_loop3A_167 : vector<16xf32>
        %parallel_loop3A_227 = arith.addf %parallel_loop3A_173, %parallel_loop3A_179 : vector<16xf32>
        %parallel_loop3A_228 = arith.addf %parallel_loop3A_185, %parallel_loop3A_191 : vector<16xf32>
        %parallel_loop3A_229 = arith.addf %parallel_loop3A_197, %parallel_loop3A_203 : vector<16xf32>
        %parallel_loop3A_230 = arith.addf %parallel_loop3A_209, %parallel_loop3A_215 : vector<16xf32>
        %parallel_loop3A_231 = arith.addf %parallel_loop3A_222, %parallel_loop3A_223 : vector<16xf32>
        %parallel_loop3A_232 = arith.addf %parallel_loop3A_224, %parallel_loop3A_225 : vector<16xf32>
        %parallel_loop3A_233 = arith.addf %parallel_loop3A_226, %parallel_loop3A_227 : vector<16xf32>
        %parallel_loop3A_234 = arith.addf %parallel_loop3A_228, %parallel_loop3A_229 : vector<16xf32>
        %parallel_loop3A_235 = arith.addf %parallel_loop3A_230, %parallel_loop3A_221 : vector<16xf32>
        %parallel_loop3A_236 = arith.addf %parallel_loop3A_231, %parallel_loop3A_232 : vector<16xf32>
        %parallel_loop3A_237 = arith.addf %parallel_loop3A_233, %parallel_loop3A_234 : vector<16xf32>
        %parallel_loop3A_238 = arith.addf %parallel_loop3A_236, %parallel_loop3A_237 : vector<16xf32>
        %parallel_loop3A_239 = arith.addf %parallel_loop3A_238, %parallel_loop3A_235 : vector<16xf32>
        %parallel_loop3A_240 = arith.addi %mul3A_98, %parallel_loop3A_107 : i32
        %parallel_loop3A_241 = arith.index_cast %parallel_loop3A_240 : i32 to index
        %parallel_loop3A_242 = tpu.vector_load %arg6[%parallel_loop3A_241] {strides = array<i32>} : memref<3072xi32, #tpu.memory_space<vmem>>, vector<16xi32>,
        %parallel_loop3A_243 = arith.constant 255 : i32
        %parallel_loop3A_244 = vector.broadcast %parallel_loop3A_243 : i32 to vector<16xi32>
        %parallel_loop3A_245 = arith.cmpi ne, %parallel_loop3A_242, %parallel_loop3A_244 : vector<16xi32>
        %parallel_loop3A_246 = arith.constant 1.000000e+00 : f32
        %parallel_loop3A_247 = arith.constant 0.000000e+00 : f32
        %parallel_loop3A_248 = vector.broadcast %parallel_loop3A_246 : f32 to vector<16xf32>
        %parallel_loop3A_249 = vector.broadcast %parallel_loop3A_247 : f32 to vector<16xf32>
        %parallel_loop3A_250 = arith.select %parallel_loop3A_245, %parallel_loop3A_248, %parallel_loop3A_249 : vector<16xi1>, vector<16xf32>
        %parallel_loop3A_251 = arith.constant 0 : i32
        %parallel_loop3A_252 = vector.broadcast %parallel_loop3A_251 : i32 to vector<16xi32>
        %parallel_loop3A_253 = arith.select %parallel_loop3A_245, %parallel_loop3A_242, %parallel_loop3A_252 : vector<16xi1>, vector<16xi32>
        %parallel_loop3A_254 = vector.broadcast %mul3A_96 : i32 to vector<16xi32>
        %parallel_loop3A_255 = arith.addi %parallel_loop3A_254, %parallel_loop3A_253 : vector<16xi32>
        %parallel_loop3A_256 = vector.broadcast %parallel_loop3A_107 : i32 to vector<16xi32>
        %parallel_loop3A_257 = arith.addi %parallel_loop3A_256, %iota3A : vector<16xi32>
        %parallel_loop3A_258 = tpu.vector_load_idx %arg5[%parallel_loop3A_255, %parallel_loop3A_257] : memref<57x1024xf32, #tpu.memory_space<vmem>>[vector<16xi32>, vector<16xi32>], vector<16xf32>,
        %parallel_loop3A_259 = vector.bitcast %parallel_loop3A_239 : vector<16xf32> to vector<16xi32>
        %parallel_loop3A_260 = arith.constant 23 : i32
        %parallel_loop3A_261 = vector.broadcast %parallel_loop3A_260 : i32 to vector<16xi32>
        %parallel_loop3A_262 = arith.shrsi %parallel_loop3A_259, %parallel_loop3A_261 : vector<16xi32>
        %parallel_loop3A_263 = arith.constant 127 : i32
        %parallel_loop3A_264 = vector.broadcast %parallel_loop3A_263 : i32 to vector<16xi32>
        %parallel_loop3A_265 = arith.subi %parallel_loop3A_262, %parallel_loop3A_264 : vector<16xi32>
        %parallel_loop3A_266 = arith.sitofp %parallel_loop3A_265 : vector<16xi32> to vector<16xf32>
        %parallel_loop3A_267 = arith.constant 8388607 : i32
        %parallel_loop3A_268 = vector.broadcast %parallel_loop3A_267 : i32 to vector<16xi32>
        %parallel_loop3A_269 = arith.andi %parallel_loop3A_259, %parallel_loop3A_268 : vector<16xi32>
        %parallel_loop3A_270 = arith.constant 1065353216 : i32
        %parallel_loop3A_271 = vector.broadcast %parallel_loop3A_270 : i32 to vector<16xi32>
        %parallel_loop3A_272 = arith.ori %parallel_loop3A_269, %parallel_loop3A_271 : vector<16xi32>
        %parallel_loop3A_273 = vector.bitcast %parallel_loop3A_272 : vector<16xi32> to vector<16xf32>
        %parallel_loop3A_274 = arith.constant 1.000000e+00 : f32
        %parallel_loop3A_275 = vector.broadcast %parallel_loop3A_274 : f32 to vector<16xf32>
        %parallel_loop3A_276 = arith.subf %parallel_loop3A_273, %parallel_loop3A_275 : vector<16xf32>
        %parallel_loop3A_277 = arith.constant 0.0101189017 : f32
        %parallel_loop3A_278 = vector.broadcast %parallel_loop3A_277 : f32 to vector<16xf32>
        %parallel_loop3A_279 = arith.mulf %parallel_loop3A_278, %parallel_loop3A_276 : vector<16xf32>
        %parallel_loop3A_280 = arith.constant -0.0526239537 : f32
        %parallel_loop3A_281 = vector.broadcast %parallel_loop3A_280 : f32 to vector<16xf32>
        %parallel_loop3A_282 = arith.addf %parallel_loop3A_279, %parallel_loop3A_281 : vector<16xf32>
        %parallel_loop3A_283 = arith.mulf %parallel_loop3A_282, %parallel_loop3A_276 : vector<16xf32>
        %parallel_loop3A_284 = arith.constant 0.130763352 : f32
        %parallel_loop3A_285 = vector.broadcast %parallel_loop3A_284 : f32 to vector<16xf32>
        %parallel_loop3A_286 = arith.addf %parallel_loop3A_283, %parallel_loop3A_285 : vector<16xf32>
        %parallel_loop3A_287 = arith.mulf %parallel_loop3A_286, %parallel_loop3A_276 : vector<16xf32>
        %parallel_loop3A_288 = arith.constant -0.222834721 : f32
        %parallel_loop3A_289 = vector.broadcast %parallel_loop3A_288 : f32 to vector<16xf32>
        %parallel_loop3A_290 = arith.addf %parallel_loop3A_287, %parallel_loop3A_289 : vector<16xf32>
        %parallel_loop3A_291 = arith.mulf %parallel_loop3A_290, %parallel_loop3A_276 : vector<16xf32>
        %parallel_loop3A_292 = arith.constant 0.326972365 : f32
        %parallel_loop3A_293 = vector.broadcast %parallel_loop3A_292 : f32 to vector<16xf32>
        %parallel_loop3A_294 = arith.addf %parallel_loop3A_291, %parallel_loop3A_293 : vector<16xf32>
        %parallel_loop3A_295 = arith.mulf %parallel_loop3A_294, %parallel_loop3A_276 : vector<16xf32>
        %parallel_loop3A_296 = arith.constant -0.499206394 : f32
        %parallel_loop3A_297 = vector.broadcast %parallel_loop3A_296 : f32 to vector<16xf32>
        %parallel_loop3A_298 = arith.addf %parallel_loop3A_295, %parallel_loop3A_297 : vector<16xf32>
        %parallel_loop3A_299 = arith.mulf %parallel_loop3A_298, %parallel_loop3A_276 : vector<16xf32>
        %parallel_loop3A_300 = arith.constant 0.999957442 : f32
        %parallel_loop3A_301 = vector.broadcast %parallel_loop3A_300 : f32 to vector<16xf32>
        %parallel_loop3A_302 = arith.addf %parallel_loop3A_299, %parallel_loop3A_301 : vector<16xf32>
        %parallel_loop3A_303 = arith.mulf %parallel_loop3A_302, %parallel_loop3A_276 : vector<16xf32>
        %parallel_loop3A_304 = arith.constant 5.62932996E-7 : f32
        %parallel_loop3A_305 = vector.broadcast %parallel_loop3A_304 : f32 to vector<16xf32>
        %parallel_loop3A_306 = arith.addf %parallel_loop3A_303, %parallel_loop3A_305 : vector<16xf32>
        %parallel_loop3A_307 = arith.constant 0.693147182 : f32
        %parallel_loop3A_308 = vector.broadcast %parallel_loop3A_307 : f32 to vector<16xf32>
        %parallel_loop3A_309 = arith.mulf %parallel_loop3A_266, %parallel_loop3A_308 : vector<16xf32>
        %parallel_loop3A_310 = arith.addf %parallel_loop3A_309, %parallel_loop3A_306 : vector<16xf32>
        %parallel_loop3A_311 = arith.subf %parallel_loop3A_310, %parallel_loop3A_258 : vector<16xf32>
        %parallel_loop3A_312 = arith.mulf %parallel_loop3A_311, %parallel_loop3A_250 : vector<16xf32>
        %parallel_loop3A_313 = arith.constant 0.356674939 : f32
        %parallel_loop3A_314 = vector.broadcast %parallel_loop3A_313 : f32 to vector<16xf32>
        %parallel_loop3A_315 = arith.cmpf ogt, %parallel_loop3A_312, %parallel_loop3A_314 : vector<16xf32>
        %parallel_loop3A_316 = arith.constant 1.000000e+00 : f32
        %parallel_loop3A_317 = arith.constant 0.000000e+00 : f32
        %parallel_loop3A_318 = vector.broadcast %parallel_loop3A_316 : f32 to vector<16xf32>
        %parallel_loop3A_319 = vector.broadcast %parallel_loop3A_317 : f32 to vector<16xf32>
        %parallel_loop3A_320 = arith.select %parallel_loop3A_315, %parallel_loop3A_318, %parallel_loop3A_319 : vector<16xi1>, vector<16xf32>
        %parallel_loop3A_321 = arith.addf %parallel_loop3A_103, %parallel_loop3A_320 : vector<16xf32>
        %parallel_loop3A_322 = arith.mulf %parallel_loop3A_312, %parallel_loop3A_320 : vector<16xf32>
        %parallel_loop3A_323 = arith.addf %parallel_loop3A_104, %parallel_loop3A_322 : vector<16xf32>
        %parallel_loop3A_324 = arith.addf %parallel_loop3A_105, %parallel_loop3A_250 : vector<16xf32>
        scf.yield %parallel_loop3A_321, %parallel_loop3A_323, %parallel_loop3A_324 : vector<16xf32>, vector<16xf32>, vector<16xf32>
      } {sc.loop_unroll_factor = 16 : i64, sc.parallel_access}
      scf.yield %parallel_loop3A_101#0, %parallel_loop3A_101#1, %parallel_loop3A_101#2 : vector<16xf32>, vector<16xf32>, vector<16xf32>
    }
    %scan3A_50 = arith.constant 64 : i32
    %swap3A = arith.constant 0 : index
    %swap3A_51 = tpu.vector_load %arg7[%swap3A] {strides = array<i32>} : memref<128xf32, #tpu.memory_space<vmem>>, vector<16xf32>,
    tpu.vector_store %arg7[%swap3A], %scan3A_49#0 {strides = array<i32>} : memref<128xf32, #tpu.memory_space<vmem>>, vector<16xf32>,
    %swap3A_52 = arith.constant 16 : index
    %swap3A_53 = tpu.vector_load %arg7[%swap3A_52] {strides = array<i32>} : memref<128xf32, #tpu.memory_space<vmem>>, vector<16xf32>,
    tpu.vector_store %arg7[%swap3A_52], %scan3A_49#1 {strides = array<i32>} : memref<128xf32, #tpu.memory_space<vmem>>, vector<16xf32>,
    %swap3A_54 = arith.constant 32 : index
    %swap3A_55 = tpu.vector_load %arg7[%swap3A_54] {strides = array<i32>} : memref<128xf32, #tpu.memory_space<vmem>>, vector<16xf32>,
    tpu.vector_store %arg7[%swap3A_54], %scan3A_49#2 {strides = array<i32>} : memref<128xf32, #tpu.memory_space<vmem>>, vector<16xf32>,
    %swap3A_56 = arith.constant 48 : index
    %swap3A_57 = tpu.vector_load %arg7[%swap3A_56] {strides = array<i32>} : memref<128xf32, #tpu.memory_space<vmem>>, vector<16xf32>,
    tpu.vector_store %arg7[%swap3A_56], %broadcast_in_dim3A_7 {strides = array<i32>} : memref<128xf32, #tpu.memory_space<vmem>>, vector<16xf32>,
    %swap3A_58 = arith.constant 64 : index
    %swap3A_59 = tpu.vector_load %arg7[%swap3A_58] {strides = array<i32>} : memref<128xf32, #tpu.memory_space<vmem>>, vector<16xf32>,
    tpu.vector_store %arg7[%swap3A_58], %broadcast_in_dim3A_7 {strides = array<i32>} : memref<128xf32, #tpu.memory_space<vmem>>, vector<16xf32>,
    %swap3A_60 = arith.constant 80 : index
    %swap3A_61 = tpu.vector_load %arg7[%swap3A_60] {strides = array<i32>} : memref<128xf32, #tpu.memory_space<vmem>>, vector<16xf32>,
    tpu.vector_store %arg7[%swap3A_60], %broadcast_in_dim3A_7 {strides = array<i32>} : memref<128xf32, #tpu.memory_space<vmem>>, vector<16xf32>,
    %swap3A_62 = arith.constant 96 : index
    %swap3A_63 = tpu.vector_load %arg7[%swap3A_62] {strides = array<i32>} : memref<128xf32, #tpu.memory_space<vmem>>, vector<16xf32>,
    tpu.vector_store %arg7[%swap3A_62], %broadcast_in_dim3A_7 {strides = array<i32>} : memref<128xf32, #tpu.memory_space<vmem>>, vector<16xf32>,
    %swap3A_64 = arith.constant 112 : index
    %swap3A_65 = tpu.vector_load %arg7[%swap3A_64] {strides = array<i32>} : memref<128xf32, #tpu.memory_space<vmem>>, vector<16xf32>,
    tpu.vector_store %arg7[%swap3A_64], %broadcast_in_dim3A_7 {strides = array<i32>} : memref<128xf32, #tpu.memory_space<vmem>>, vector<16xf32>,
    %mul3A_66 = arith.constant 128 : i32
    %mul3A_67 = arith.muli %add3A, %mul3A_66 : i32
    %multiple_of3A_68 = tpu.assume_multiple %mul3A_67, 128 : i32
    "tpu.region"() ({
      %run_scoped3A = tpu.sem_alloc : memref<!tpu.dma_semaphore, #tpu.memory_space<semaphore_mem>>
      %dma_start3A_69 = tpu.memref_slice %arg4[%multiple_of3A_68] : memref<4096xf32, #tpu.memory_space<hbm>> -> memref<128xf32, #tpu.memory_space<hbm>>
      %dma_start3A_70 = tpu.memref_slice %arg4[%multiple_of3A_68] : memref<4096xf32, #tpu.memory_space<hbm>> -> memref<128xf32, #tpu.memory_space<hbm>>
      tpu.enqueue_dma source(%arg7 : memref<128xf32, #tpu.memory_space<vmem>>) target(%dma_start3A_70 : memref<128xf32, #tpu.memory_space<hbm>>) target_semaphore(%run_scoped3A : memref<!tpu.dma_semaphore, #tpu.memory_space<semaphore_mem>>)
      %dma_wait3A = tpu.memref_slice %arg4[%multiple_of3A_68] : memref<4096xf32, #tpu.memory_space<hbm>> -> memref<128xf32, #tpu.memory_space<hbm>>
      %dma_wait3A_71 = tpu.memref_slice %arg4[%multiple_of3A_68] : memref<4096xf32, #tpu.memory_space<hbm>> -> memref<128xf32, #tpu.memory_space<hbm>>
      tpu.wait_dma2 semaphore(%run_scoped3A : memref<!tpu.dma_semaphore, #tpu.memory_space<semaphore_mem>>) src(%arg7 : memref<128xf32, #tpu.memory_space<vmem>>) dst(%dma_wait3A_71 : memref<128xf32, #tpu.memory_space<hbm>>)
      tpu.yield
    }) : () -> ()
    return
  }
}

module attributes {stable_mosaic.version = 14 : i64} {
  func.func @body(%arg0: i32, %arg1: memref<1x19x64x512xf32, #tpu.memory_space<vmem>>, %arg2: memref<1x64x512xi32, #tpu.memory_space<vmem>>, %arg3: memref<1x64x512xf32, #tpu.memory_space<vmem>>, %arg4: memref<1x1x3xf32, #tpu.memory_space<smem>>) attributes {dimension_semantics = [#tpu.dimension_semantics<arbitrary>], iteration_bounds = array<i64: 64>, scalar_prefetch = 0 : i64, scratch_operands = 0 : i64, tpu.core_type = #tpu.core_type<tc>, window_params = [{transform_indices = @transform_0, window_bounds = array<i64: 1, 19, 64, 512>}, {transform_indices = @transform_1, window_bounds = array<i64: 1, 64, 512>}, {transform_indices = @transform_2, window_bounds = array<i64: 1, 64, 512>}, {transform_indices = @transform_3, window_bounds = array<i64: 1, 1, 3>}]} {
    %get3A = arith.constant 0 : index
    %get3A_0 = arith.constant 0 : index
    %get3A_1 = arith.constant 0 : index
    %get3A_2 = arith.constant 0 : index
    %get3A_3 = vector.load %arg1[%get3A, %get3A_0, %get3A_1, %get3A_2] : memref<1x19x64x512xf32, #tpu.memory_space<vmem>>, vector<1x19x64x512xf32>
    %get3A_4 = vector.shape_cast %get3A_3 : vector<1x19x64x512xf32> to vector<19x64x512xf32>
    %get3A_5 = arith.constant 0 : index
    %get3A_6 = arith.constant 0 : index
    %get3A_7 = arith.constant 0 : index
    %get3A_8 = vector.load %arg2[%get3A_5, %get3A_6, %get3A_7] : memref<1x64x512xi32, #tpu.memory_space<vmem>>, vector<1x64x512xi32>
    %get3A_9 = vector.shape_cast %get3A_8 : vector<1x64x512xi32> to vector<64x512xi32>
    %slice3A = vector.extract_strided_slice %get3A_4 {offsets = [0, 0, 0], sizes = [1, 64, 512], strides = [1, 1, 1]} : vector<19x64x512xf32> to vector<1x64x512xf32>
    %squeeze3A = vector.shape_cast %slice3A : vector<1x64x512xf32> to vector<64x512xf32>
    %slice3A_10 = vector.extract_strided_slice %get3A_4 {offsets = [1, 0, 0], sizes = [1, 64, 512], strides = [1, 1, 1]} : vector<19x64x512xf32> to vector<1x64x512xf32>
    %squeeze3A_11 = vector.shape_cast %slice3A_10 : vector<1x64x512xf32> to vector<64x512xf32>
    %max3A = arith.maximumf %squeeze3A, %squeeze3A_11 : vector<64x512xf32>
    %slice3A_12 = vector.extract_strided_slice %get3A_4 {offsets = [2, 0, 0], sizes = [1, 64, 512], strides = [1, 1, 1]} : vector<19x64x512xf32> to vector<1x64x512xf32>
    %squeeze3A_13 = vector.shape_cast %slice3A_12 : vector<1x64x512xf32> to vector<64x512xf32>
    %max3A_14 = arith.maximumf %max3A, %squeeze3A_13 : vector<64x512xf32>
    %slice3A_15 = vector.extract_strided_slice %get3A_4 {offsets = [3, 0, 0], sizes = [1, 64, 512], strides = [1, 1, 1]} : vector<19x64x512xf32> to vector<1x64x512xf32>
    %squeeze3A_16 = vector.shape_cast %slice3A_15 : vector<1x64x512xf32> to vector<64x512xf32>
    %max3A_17 = arith.maximumf %max3A_14, %squeeze3A_16 : vector<64x512xf32>
    %slice3A_18 = vector.extract_strided_slice %get3A_4 {offsets = [4, 0, 0], sizes = [1, 64, 512], strides = [1, 1, 1]} : vector<19x64x512xf32> to vector<1x64x512xf32>
    %squeeze3A_19 = vector.shape_cast %slice3A_18 : vector<1x64x512xf32> to vector<64x512xf32>
    %max3A_20 = arith.maximumf %max3A_17, %squeeze3A_19 : vector<64x512xf32>
    %slice3A_21 = vector.extract_strided_slice %get3A_4 {offsets = [5, 0, 0], sizes = [1, 64, 512], strides = [1, 1, 1]} : vector<19x64x512xf32> to vector<1x64x512xf32>
    %squeeze3A_22 = vector.shape_cast %slice3A_21 : vector<1x64x512xf32> to vector<64x512xf32>
    %max3A_23 = arith.maximumf %max3A_20, %squeeze3A_22 : vector<64x512xf32>
    %slice3A_24 = vector.extract_strided_slice %get3A_4 {offsets = [6, 0, 0], sizes = [1, 64, 512], strides = [1, 1, 1]} : vector<19x64x512xf32> to vector<1x64x512xf32>
    %squeeze3A_25 = vector.shape_cast %slice3A_24 : vector<1x64x512xf32> to vector<64x512xf32>
    %max3A_26 = arith.maximumf %max3A_23, %squeeze3A_25 : vector<64x512xf32>
    %slice3A_27 = vector.extract_strided_slice %get3A_4 {offsets = [7, 0, 0], sizes = [1, 64, 512], strides = [1, 1, 1]} : vector<19x64x512xf32> to vector<1x64x512xf32>
    %squeeze3A_28 = vector.shape_cast %slice3A_27 : vector<1x64x512xf32> to vector<64x512xf32>
    %max3A_29 = arith.maximumf %max3A_26, %squeeze3A_28 : vector<64x512xf32>
    %slice3A_30 = vector.extract_strided_slice %get3A_4 {offsets = [8, 0, 0], sizes = [1, 64, 512], strides = [1, 1, 1]} : vector<19x64x512xf32> to vector<1x64x512xf32>
    %squeeze3A_31 = vector.shape_cast %slice3A_30 : vector<1x64x512xf32> to vector<64x512xf32>
    %max3A_32 = arith.maximumf %max3A_29, %squeeze3A_31 : vector<64x512xf32>
    %slice3A_33 = vector.extract_strided_slice %get3A_4 {offsets = [9, 0, 0], sizes = [1, 64, 512], strides = [1, 1, 1]} : vector<19x64x512xf32> to vector<1x64x512xf32>
    %squeeze3A_34 = vector.shape_cast %slice3A_33 : vector<1x64x512xf32> to vector<64x512xf32>
    %max3A_35 = arith.maximumf %max3A_32, %squeeze3A_34 : vector<64x512xf32>
    %slice3A_36 = vector.extract_strided_slice %get3A_4 {offsets = [10, 0, 0], sizes = [1, 64, 512], strides = [1, 1, 1]} : vector<19x64x512xf32> to vector<1x64x512xf32>
    %squeeze3A_37 = vector.shape_cast %slice3A_36 : vector<1x64x512xf32> to vector<64x512xf32>
    %max3A_38 = arith.maximumf %max3A_35, %squeeze3A_37 : vector<64x512xf32>
    %slice3A_39 = vector.extract_strided_slice %get3A_4 {offsets = [11, 0, 0], sizes = [1, 64, 512], strides = [1, 1, 1]} : vector<19x64x512xf32> to vector<1x64x512xf32>
    %squeeze3A_40 = vector.shape_cast %slice3A_39 : vector<1x64x512xf32> to vector<64x512xf32>
    %max3A_41 = arith.maximumf %max3A_38, %squeeze3A_40 : vector<64x512xf32>
    %slice3A_42 = vector.extract_strided_slice %get3A_4 {offsets = [12, 0, 0], sizes = [1, 64, 512], strides = [1, 1, 1]} : vector<19x64x512xf32> to vector<1x64x512xf32>
    %squeeze3A_43 = vector.shape_cast %slice3A_42 : vector<1x64x512xf32> to vector<64x512xf32>
    %max3A_44 = arith.maximumf %max3A_41, %squeeze3A_43 : vector<64x512xf32>
    %slice3A_45 = vector.extract_strided_slice %get3A_4 {offsets = [13, 0, 0], sizes = [1, 64, 512], strides = [1, 1, 1]} : vector<19x64x512xf32> to vector<1x64x512xf32>
    %squeeze3A_46 = vector.shape_cast %slice3A_45 : vector<1x64x512xf32> to vector<64x512xf32>
    %max3A_47 = arith.maximumf %max3A_44, %squeeze3A_46 : vector<64x512xf32>
    %slice3A_48 = vector.extract_strided_slice %get3A_4 {offsets = [14, 0, 0], sizes = [1, 64, 512], strides = [1, 1, 1]} : vector<19x64x512xf32> to vector<1x64x512xf32>
    %squeeze3A_49 = vector.shape_cast %slice3A_48 : vector<1x64x512xf32> to vector<64x512xf32>
    %max3A_50 = arith.maximumf %max3A_47, %squeeze3A_49 : vector<64x512xf32>
    %slice3A_51 = vector.extract_strided_slice %get3A_4 {offsets = [15, 0, 0], sizes = [1, 64, 512], strides = [1, 1, 1]} : vector<19x64x512xf32> to vector<1x64x512xf32>
    %squeeze3A_52 = vector.shape_cast %slice3A_51 : vector<1x64x512xf32> to vector<64x512xf32>
    %max3A_53 = arith.maximumf %max3A_50, %squeeze3A_52 : vector<64x512xf32>
    %slice3A_54 = vector.extract_strided_slice %get3A_4 {offsets = [16, 0, 0], sizes = [1, 64, 512], strides = [1, 1, 1]} : vector<19x64x512xf32> to vector<1x64x512xf32>
    %squeeze3A_55 = vector.shape_cast %slice3A_54 : vector<1x64x512xf32> to vector<64x512xf32>
    %max3A_56 = arith.maximumf %max3A_53, %squeeze3A_55 : vector<64x512xf32>
    %slice3A_57 = vector.extract_strided_slice %get3A_4 {offsets = [17, 0, 0], sizes = [1, 64, 512], strides = [1, 1, 1]} : vector<19x64x512xf32> to vector<1x64x512xf32>
    %squeeze3A_58 = vector.shape_cast %slice3A_57 : vector<1x64x512xf32> to vector<64x512xf32>
    %max3A_59 = arith.maximumf %max3A_56, %squeeze3A_58 : vector<64x512xf32>
    %slice3A_60 = vector.extract_strided_slice %get3A_4 {offsets = [18, 0, 0], sizes = [1, 64, 512], strides = [1, 1, 1]} : vector<19x64x512xf32> to vector<1x64x512xf32>
    %squeeze3A_61 = vector.shape_cast %slice3A_60 : vector<1x64x512xf32> to vector<64x512xf32>
    %max3A_62 = arith.maximumf %max3A_59, %squeeze3A_61 : vector<64x512xf32>
    %slice3A_63 = vector.extract_strided_slice %get3A_4 {offsets = [0, 0, 0], sizes = [1, 64, 512], strides = [1, 1, 1]} : vector<19x64x512xf32> to vector<1x64x512xf32>
    %squeeze3A_64 = vector.shape_cast %slice3A_63 : vector<1x64x512xf32> to vector<64x512xf32>
    %sub3A = arith.subf %squeeze3A_64, %max3A_62 : vector<64x512xf32>
    %exp3A = math.exp %sub3A : vector<64x512xf32>
    %slice3A_65 = vector.extract_strided_slice %get3A_4 {offsets = [1, 0, 0], sizes = [1, 64, 512], strides = [1, 1, 1]} : vector<19x64x512xf32> to vector<1x64x512xf32>
    %squeeze3A_66 = vector.shape_cast %slice3A_65 : vector<1x64x512xf32> to vector<64x512xf32>
    %sub3A_67 = arith.subf %squeeze3A_66, %max3A_62 : vector<64x512xf32>
    %exp3A_68 = math.exp %sub3A_67 : vector<64x512xf32>
    %add3A = arith.addf %exp3A, %exp3A_68 : vector<64x512xf32>
    %slice3A_69 = vector.extract_strided_slice %get3A_4 {offsets = [2, 0, 0], sizes = [1, 64, 512], strides = [1, 1, 1]} : vector<19x64x512xf32> to vector<1x64x512xf32>
    %squeeze3A_70 = vector.shape_cast %slice3A_69 : vector<1x64x512xf32> to vector<64x512xf32>
    %sub3A_71 = arith.subf %squeeze3A_70, %max3A_62 : vector<64x512xf32>
    %exp3A_72 = math.exp %sub3A_71 : vector<64x512xf32>
    %add3A_73 = arith.addf %add3A, %exp3A_72 : vector<64x512xf32>
    %slice3A_74 = vector.extract_strided_slice %get3A_4 {offsets = [3, 0, 0], sizes = [1, 64, 512], strides = [1, 1, 1]} : vector<19x64x512xf32> to vector<1x64x512xf32>
    %squeeze3A_75 = vector.shape_cast %slice3A_74 : vector<1x64x512xf32> to vector<64x512xf32>
    %sub3A_76 = arith.subf %squeeze3A_75, %max3A_62 : vector<64x512xf32>
    %exp3A_77 = math.exp %sub3A_76 : vector<64x512xf32>
    %add3A_78 = arith.addf %add3A_73, %exp3A_77 : vector<64x512xf32>
    %slice3A_79 = vector.extract_strided_slice %get3A_4 {offsets = [4, 0, 0], sizes = [1, 64, 512], strides = [1, 1, 1]} : vector<19x64x512xf32> to vector<1x64x512xf32>
    %squeeze3A_80 = vector.shape_cast %slice3A_79 : vector<1x64x512xf32> to vector<64x512xf32>
    %sub3A_81 = arith.subf %squeeze3A_80, %max3A_62 : vector<64x512xf32>
    %exp3A_82 = math.exp %sub3A_81 : vector<64x512xf32>
    %add3A_83 = arith.addf %add3A_78, %exp3A_82 : vector<64x512xf32>
    %slice3A_84 = vector.extract_strided_slice %get3A_4 {offsets = [5, 0, 0], sizes = [1, 64, 512], strides = [1, 1, 1]} : vector<19x64x512xf32> to vector<1x64x512xf32>
    %squeeze3A_85 = vector.shape_cast %slice3A_84 : vector<1x64x512xf32> to vector<64x512xf32>
    %sub3A_86 = arith.subf %squeeze3A_85, %max3A_62 : vector<64x512xf32>
    %exp3A_87 = math.exp %sub3A_86 : vector<64x512xf32>
    %add3A_88 = arith.addf %add3A_83, %exp3A_87 : vector<64x512xf32>
    %slice3A_89 = vector.extract_strided_slice %get3A_4 {offsets = [6, 0, 0], sizes = [1, 64, 512], strides = [1, 1, 1]} : vector<19x64x512xf32> to vector<1x64x512xf32>
    %squeeze3A_90 = vector.shape_cast %slice3A_89 : vector<1x64x512xf32> to vector<64x512xf32>
    %sub3A_91 = arith.subf %squeeze3A_90, %max3A_62 : vector<64x512xf32>
    %exp3A_92 = math.exp %sub3A_91 : vector<64x512xf32>
    %add3A_93 = arith.addf %add3A_88, %exp3A_92 : vector<64x512xf32>
    %slice3A_94 = vector.extract_strided_slice %get3A_4 {offsets = [7, 0, 0], sizes = [1, 64, 512], strides = [1, 1, 1]} : vector<19x64x512xf32> to vector<1x64x512xf32>
    %squeeze3A_95 = vector.shape_cast %slice3A_94 : vector<1x64x512xf32> to vector<64x512xf32>
    %sub3A_96 = arith.subf %squeeze3A_95, %max3A_62 : vector<64x512xf32>
    %exp3A_97 = math.exp %sub3A_96 : vector<64x512xf32>
    %add3A_98 = arith.addf %add3A_93, %exp3A_97 : vector<64x512xf32>
    %slice3A_99 = vector.extract_strided_slice %get3A_4 {offsets = [8, 0, 0], sizes = [1, 64, 512], strides = [1, 1, 1]} : vector<19x64x512xf32> to vector<1x64x512xf32>
    %squeeze3A_100 = vector.shape_cast %slice3A_99 : vector<1x64x512xf32> to vector<64x512xf32>
    %sub3A_101 = arith.subf %squeeze3A_100, %max3A_62 : vector<64x512xf32>
    %exp3A_102 = math.exp %sub3A_101 : vector<64x512xf32>
    %add3A_103 = arith.addf %add3A_98, %exp3A_102 : vector<64x512xf32>
    %slice3A_104 = vector.extract_strided_slice %get3A_4 {offsets = [9, 0, 0], sizes = [1, 64, 512], strides = [1, 1, 1]} : vector<19x64x512xf32> to vector<1x64x512xf32>
    %squeeze3A_105 = vector.shape_cast %slice3A_104 : vector<1x64x512xf32> to vector<64x512xf32>
    %sub3A_106 = arith.subf %squeeze3A_105, %max3A_62 : vector<64x512xf32>
    %exp3A_107 = math.exp %sub3A_106 : vector<64x512xf32>
    %add3A_108 = arith.addf %add3A_103, %exp3A_107 : vector<64x512xf32>
    %slice3A_109 = vector.extract_strided_slice %get3A_4 {offsets = [10, 0, 0], sizes = [1, 64, 512], strides = [1, 1, 1]} : vector<19x64x512xf32> to vector<1x64x512xf32>
    %squeeze3A_110 = vector.shape_cast %slice3A_109 : vector<1x64x512xf32> to vector<64x512xf32>
    %sub3A_111 = arith.subf %squeeze3A_110, %max3A_62 : vector<64x512xf32>
    %exp3A_112 = math.exp %sub3A_111 : vector<64x512xf32>
    %add3A_113 = arith.addf %add3A_108, %exp3A_112 : vector<64x512xf32>
    %slice3A_114 = vector.extract_strided_slice %get3A_4 {offsets = [11, 0, 0], sizes = [1, 64, 512], strides = [1, 1, 1]} : vector<19x64x512xf32> to vector<1x64x512xf32>
    %squeeze3A_115 = vector.shape_cast %slice3A_114 : vector<1x64x512xf32> to vector<64x512xf32>
    %sub3A_116 = arith.subf %squeeze3A_115, %max3A_62 : vector<64x512xf32>
    %exp3A_117 = math.exp %sub3A_116 : vector<64x512xf32>
    %add3A_118 = arith.addf %add3A_113, %exp3A_117 : vector<64x512xf32>
    %slice3A_119 = vector.extract_strided_slice %get3A_4 {offsets = [12, 0, 0], sizes = [1, 64, 512], strides = [1, 1, 1]} : vector<19x64x512xf32> to vector<1x64x512xf32>
    %squeeze3A_120 = vector.shape_cast %slice3A_119 : vector<1x64x512xf32> to vector<64x512xf32>
    %sub3A_121 = arith.subf %squeeze3A_120, %max3A_62 : vector<64x512xf32>
    %exp3A_122 = math.exp %sub3A_121 : vector<64x512xf32>
    %add3A_123 = arith.addf %add3A_118, %exp3A_122 : vector<64x512xf32>
    %slice3A_124 = vector.extract_strided_slice %get3A_4 {offsets = [13, 0, 0], sizes = [1, 64, 512], strides = [1, 1, 1]} : vector<19x64x512xf32> to vector<1x64x512xf32>
    %squeeze3A_125 = vector.shape_cast %slice3A_124 : vector<1x64x512xf32> to vector<64x512xf32>
    %sub3A_126 = arith.subf %squeeze3A_125, %max3A_62 : vector<64x512xf32>
    %exp3A_127 = math.exp %sub3A_126 : vector<64x512xf32>
    %add3A_128 = arith.addf %add3A_123, %exp3A_127 : vector<64x512xf32>
    %slice3A_129 = vector.extract_strided_slice %get3A_4 {offsets = [14, 0, 0], sizes = [1, 64, 512], strides = [1, 1, 1]} : vector<19x64x512xf32> to vector<1x64x512xf32>
    %squeeze3A_130 = vector.shape_cast %slice3A_129 : vector<1x64x512xf32> to vector<64x512xf32>
    %sub3A_131 = arith.subf %squeeze3A_130, %max3A_62 : vector<64x512xf32>
    %exp3A_132 = math.exp %sub3A_131 : vector<64x512xf32>
    %add3A_133 = arith.addf %add3A_128, %exp3A_132 : vector<64x512xf32>
    %slice3A_134 = vector.extract_strided_slice %get3A_4 {offsets = [15, 0, 0], sizes = [1, 64, 512], strides = [1, 1, 1]} : vector<19x64x512xf32> to vector<1x64x512xf32>
    %squeeze3A_135 = vector.shape_cast %slice3A_134 : vector<1x64x512xf32> to vector<64x512xf32>
    %sub3A_136 = arith.subf %squeeze3A_135, %max3A_62 : vector<64x512xf32>
    %exp3A_137 = math.exp %sub3A_136 : vector<64x512xf32>
    %add3A_138 = arith.addf %add3A_133, %exp3A_137 : vector<64x512xf32>
    %slice3A_139 = vector.extract_strided_slice %get3A_4 {offsets = [16, 0, 0], sizes = [1, 64, 512], strides = [1, 1, 1]} : vector<19x64x512xf32> to vector<1x64x512xf32>
    %squeeze3A_140 = vector.shape_cast %slice3A_139 : vector<1x64x512xf32> to vector<64x512xf32>
    %sub3A_141 = arith.subf %squeeze3A_140, %max3A_62 : vector<64x512xf32>
    %exp3A_142 = math.exp %sub3A_141 : vector<64x512xf32>
    %add3A_143 = arith.addf %add3A_138, %exp3A_142 : vector<64x512xf32>
    %slice3A_144 = vector.extract_strided_slice %get3A_4 {offsets = [17, 0, 0], sizes = [1, 64, 512], strides = [1, 1, 1]} : vector<19x64x512xf32> to vector<1x64x512xf32>
    %squeeze3A_145 = vector.shape_cast %slice3A_144 : vector<1x64x512xf32> to vector<64x512xf32>
    %sub3A_146 = arith.subf %squeeze3A_145, %max3A_62 : vector<64x512xf32>
    %exp3A_147 = math.exp %sub3A_146 : vector<64x512xf32>
    %add3A_148 = arith.addf %add3A_143, %exp3A_147 : vector<64x512xf32>
    %slice3A_149 = vector.extract_strided_slice %get3A_4 {offsets = [18, 0, 0], sizes = [1, 64, 512], strides = [1, 1, 1]} : vector<19x64x512xf32> to vector<1x64x512xf32>
    %squeeze3A_150 = vector.shape_cast %slice3A_149 : vector<1x64x512xf32> to vector<64x512xf32>
    %sub3A_151 = arith.subf %squeeze3A_150, %max3A_62 : vector<64x512xf32>
    %exp3A_152 = math.exp %sub3A_151 : vector<64x512xf32>
    %add3A_153 = arith.addf %add3A_148, %exp3A_152 : vector<64x512xf32>
    %ne3A = arith.constant 255 : i32
    %ne3A_154 = vector.broadcast %ne3A : i32 to vector<64x512xi32>
    %ne3A_155 = arith.cmpi ne, %get3A_9, %ne3A_154 : vector<64x512xi32>
    %jit3A = arith.constant 0 : i32
    %broadcast_in_dim3A = vector.broadcast %jit3A : i32 to vector<64x512xi32>
    %select_n3A = arith.select %ne3A_155, %get3A_9, %broadcast_in_dim3A : vector<64x512xi1>, vector<64x512xi32>
    %eq3A = arith.constant 0 : i32
    %eq3A_156 = vector.broadcast %eq3A : i32 to vector<64x512xi32>
    %eq3A_157 = arith.cmpi eq, %select_n3A, %eq3A_156 : vector<64x512xi32>
    %slice3A_158 = vector.extract_strided_slice %get3A_4 {offsets = [0, 0, 0], sizes = [1, 64, 512], strides = [1, 1, 1]} : vector<19x64x512xf32> to vector<1x64x512xf32>
    %squeeze3A_159 = vector.shape_cast %slice3A_158 : vector<1x64x512xf32> to vector<64x512xf32>
    %jit3A_160 = arith.constant 0.000000e+00 : f32
    %broadcast_in_dim3A_161 = vector.broadcast %jit3A_160 : f32 to vector<64x512xf32>
    %select_n3A_162 = arith.select %eq3A_157, %squeeze3A_159, %broadcast_in_dim3A_161 : vector<64x512xi1>, vector<64x512xf32>
    %eq3A_163 = arith.constant 1 : i32
    %eq3A_164 = vector.broadcast %eq3A_163 : i32 to vector<64x512xi32>
    %eq3A_165 = arith.cmpi eq, %select_n3A, %eq3A_164 : vector<64x512xi32>
    %slice3A_166 = vector.extract_strided_slice %get3A_4 {offsets = [1, 0, 0], sizes = [1, 64, 512], strides = [1, 1, 1]} : vector<19x64x512xf32> to vector<1x64x512xf32>
    %squeeze3A_167 = vector.shape_cast %slice3A_166 : vector<1x64x512xf32> to vector<64x512xf32>
    %jit3A_168 = arith.constant 0.000000e+00 : f32
    %broadcast_in_dim3A_169 = vector.broadcast %jit3A_168 : f32 to vector<64x512xf32>
    %select_n3A_170 = arith.select %eq3A_165, %squeeze3A_167, %broadcast_in_dim3A_169 : vector<64x512xi1>, vector<64x512xf32>
    %add3A_171 = arith.addf %select_n3A_162, %select_n3A_170 : vector<64x512xf32>
    %eq3A_172 = arith.constant 2 : i32
    %eq3A_173 = vector.broadcast %eq3A_172 : i32 to vector<64x512xi32>
    %eq3A_174 = arith.cmpi eq, %select_n3A, %eq3A_173 : vector<64x512xi32>
    %slice3A_175 = vector.extract_strided_slice %get3A_4 {offsets = [2, 0, 0], sizes = [1, 64, 512], strides = [1, 1, 1]} : vector<19x64x512xf32> to vector<1x64x512xf32>
    %squeeze3A_176 = vector.shape_cast %slice3A_175 : vector<1x64x512xf32> to vector<64x512xf32>
    %jit3A_177 = arith.constant 0.000000e+00 : f32
    %broadcast_in_dim3A_178 = vector.broadcast %jit3A_177 : f32 to vector<64x512xf32>
    %select_n3A_179 = arith.select %eq3A_174, %squeeze3A_176, %broadcast_in_dim3A_178 : vector<64x512xi1>, vector<64x512xf32>
    %add3A_180 = arith.addf %add3A_171, %select_n3A_179 : vector<64x512xf32>
    %eq3A_181 = arith.constant 3 : i32
    %eq3A_182 = vector.broadcast %eq3A_181 : i32 to vector<64x512xi32>
    %eq3A_183 = arith.cmpi eq, %select_n3A, %eq3A_182 : vector<64x512xi32>
    %slice3A_184 = vector.extract_strided_slice %get3A_4 {offsets = [3, 0, 0], sizes = [1, 64, 512], strides = [1, 1, 1]} : vector<19x64x512xf32> to vector<1x64x512xf32>
    %squeeze3A_185 = vector.shape_cast %slice3A_184 : vector<1x64x512xf32> to vector<64x512xf32>
    %jit3A_186 = arith.constant 0.000000e+00 : f32
    %broadcast_in_dim3A_187 = vector.broadcast %jit3A_186 : f32 to vector<64x512xf32>
    %select_n3A_188 = arith.select %eq3A_183, %squeeze3A_185, %broadcast_in_dim3A_187 : vector<64x512xi1>, vector<64x512xf32>
    %add3A_189 = arith.addf %add3A_180, %select_n3A_188 : vector<64x512xf32>
    %eq3A_190 = arith.constant 4 : i32
    %eq3A_191 = vector.broadcast %eq3A_190 : i32 to vector<64x512xi32>
    %eq3A_192 = arith.cmpi eq, %select_n3A, %eq3A_191 : vector<64x512xi32>
    %slice3A_193 = vector.extract_strided_slice %get3A_4 {offsets = [4, 0, 0], sizes = [1, 64, 512], strides = [1, 1, 1]} : vector<19x64x512xf32> to vector<1x64x512xf32>
    %squeeze3A_194 = vector.shape_cast %slice3A_193 : vector<1x64x512xf32> to vector<64x512xf32>
    %jit3A_195 = arith.constant 0.000000e+00 : f32
    %broadcast_in_dim3A_196 = vector.broadcast %jit3A_195 : f32 to vector<64x512xf32>
    %select_n3A_197 = arith.select %eq3A_192, %squeeze3A_194, %broadcast_in_dim3A_196 : vector<64x512xi1>, vector<64x512xf32>
    %add3A_198 = arith.addf %add3A_189, %select_n3A_197 : vector<64x512xf32>
    %eq3A_199 = arith.constant 5 : i32
    %eq3A_200 = vector.broadcast %eq3A_199 : i32 to vector<64x512xi32>
    %eq3A_201 = arith.cmpi eq, %select_n3A, %eq3A_200 : vector<64x512xi32>
    %slice3A_202 = vector.extract_strided_slice %get3A_4 {offsets = [5, 0, 0], sizes = [1, 64, 512], strides = [1, 1, 1]} : vector<19x64x512xf32> to vector<1x64x512xf32>
    %squeeze3A_203 = vector.shape_cast %slice3A_202 : vector<1x64x512xf32> to vector<64x512xf32>
    %jit3A_204 = arith.constant 0.000000e+00 : f32
    %broadcast_in_dim3A_205 = vector.broadcast %jit3A_204 : f32 to vector<64x512xf32>
    %select_n3A_206 = arith.select %eq3A_201, %squeeze3A_203, %broadcast_in_dim3A_205 : vector<64x512xi1>, vector<64x512xf32>
    %add3A_207 = arith.addf %add3A_198, %select_n3A_206 : vector<64x512xf32>
    %eq3A_208 = arith.constant 6 : i32
    %eq3A_209 = vector.broadcast %eq3A_208 : i32 to vector<64x512xi32>
    %eq3A_210 = arith.cmpi eq, %select_n3A, %eq3A_209 : vector<64x512xi32>
    %slice3A_211 = vector.extract_strided_slice %get3A_4 {offsets = [6, 0, 0], sizes = [1, 64, 512], strides = [1, 1, 1]} : vector<19x64x512xf32> to vector<1x64x512xf32>
    %squeeze3A_212 = vector.shape_cast %slice3A_211 : vector<1x64x512xf32> to vector<64x512xf32>
    %jit3A_213 = arith.constant 0.000000e+00 : f32
    %broadcast_in_dim3A_214 = vector.broadcast %jit3A_213 : f32 to vector<64x512xf32>
    %select_n3A_215 = arith.select %eq3A_210, %squeeze3A_212, %broadcast_in_dim3A_214 : vector<64x512xi1>, vector<64x512xf32>
    %add3A_216 = arith.addf %add3A_207, %select_n3A_215 : vector<64x512xf32>
    %eq3A_217 = arith.constant 7 : i32
    %eq3A_218 = vector.broadcast %eq3A_217 : i32 to vector<64x512xi32>
    %eq3A_219 = arith.cmpi eq, %select_n3A, %eq3A_218 : vector<64x512xi32>
    %slice3A_220 = vector.extract_strided_slice %get3A_4 {offsets = [7, 0, 0], sizes = [1, 64, 512], strides = [1, 1, 1]} : vector<19x64x512xf32> to vector<1x64x512xf32>
    %squeeze3A_221 = vector.shape_cast %slice3A_220 : vector<1x64x512xf32> to vector<64x512xf32>
    %jit3A_222 = arith.constant 0.000000e+00 : f32
    %broadcast_in_dim3A_223 = vector.broadcast %jit3A_222 : f32 to vector<64x512xf32>
    %select_n3A_224 = arith.select %eq3A_219, %squeeze3A_221, %broadcast_in_dim3A_223 : vector<64x512xi1>, vector<64x512xf32>
    %add3A_225 = arith.addf %add3A_216, %select_n3A_224 : vector<64x512xf32>
    %eq3A_226 = arith.constant 8 : i32
    %eq3A_227 = vector.broadcast %eq3A_226 : i32 to vector<64x512xi32>
    %eq3A_228 = arith.cmpi eq, %select_n3A, %eq3A_227 : vector<64x512xi32>
    %slice3A_229 = vector.extract_strided_slice %get3A_4 {offsets = [8, 0, 0], sizes = [1, 64, 512], strides = [1, 1, 1]} : vector<19x64x512xf32> to vector<1x64x512xf32>
    %squeeze3A_230 = vector.shape_cast %slice3A_229 : vector<1x64x512xf32> to vector<64x512xf32>
    %jit3A_231 = arith.constant 0.000000e+00 : f32
    %broadcast_in_dim3A_232 = vector.broadcast %jit3A_231 : f32 to vector<64x512xf32>
    %select_n3A_233 = arith.select %eq3A_228, %squeeze3A_230, %broadcast_in_dim3A_232 : vector<64x512xi1>, vector<64x512xf32>
    %add3A_234 = arith.addf %add3A_225, %select_n3A_233 : vector<64x512xf32>
    %eq3A_235 = arith.constant 9 : i32
    %eq3A_236 = vector.broadcast %eq3A_235 : i32 to vector<64x512xi32>
    %eq3A_237 = arith.cmpi eq, %select_n3A, %eq3A_236 : vector<64x512xi32>
    %slice3A_238 = vector.extract_strided_slice %get3A_4 {offsets = [9, 0, 0], sizes = [1, 64, 512], strides = [1, 1, 1]} : vector<19x64x512xf32> to vector<1x64x512xf32>
    %squeeze3A_239 = vector.shape_cast %slice3A_238 : vector<1x64x512xf32> to vector<64x512xf32>
    %jit3A_240 = arith.constant 0.000000e+00 : f32
    %broadcast_in_dim3A_241 = vector.broadcast %jit3A_240 : f32 to vector<64x512xf32>
    %select_n3A_242 = arith.select %eq3A_237, %squeeze3A_239, %broadcast_in_dim3A_241 : vector<64x512xi1>, vector<64x512xf32>
    %add3A_243 = arith.addf %add3A_234, %select_n3A_242 : vector<64x512xf32>
    %eq3A_244 = arith.constant 10 : i32
    %eq3A_245 = vector.broadcast %eq3A_244 : i32 to vector<64x512xi32>
    %eq3A_246 = arith.cmpi eq, %select_n3A, %eq3A_245 : vector<64x512xi32>
    %slice3A_247 = vector.extract_strided_slice %get3A_4 {offsets = [10, 0, 0], sizes = [1, 64, 512], strides = [1, 1, 1]} : vector<19x64x512xf32> to vector<1x64x512xf32>
    %squeeze3A_248 = vector.shape_cast %slice3A_247 : vector<1x64x512xf32> to vector<64x512xf32>
    %jit3A_249 = arith.constant 0.000000e+00 : f32
    %broadcast_in_dim3A_250 = vector.broadcast %jit3A_249 : f32 to vector<64x512xf32>
    %select_n3A_251 = arith.select %eq3A_246, %squeeze3A_248, %broadcast_in_dim3A_250 : vector<64x512xi1>, vector<64x512xf32>
    %add3A_252 = arith.addf %add3A_243, %select_n3A_251 : vector<64x512xf32>
    %eq3A_253 = arith.constant 11 : i32
    %eq3A_254 = vector.broadcast %eq3A_253 : i32 to vector<64x512xi32>
    %eq3A_255 = arith.cmpi eq, %select_n3A, %eq3A_254 : vector<64x512xi32>
    %slice3A_256 = vector.extract_strided_slice %get3A_4 {offsets = [11, 0, 0], sizes = [1, 64, 512], strides = [1, 1, 1]} : vector<19x64x512xf32> to vector<1x64x512xf32>
    %squeeze3A_257 = vector.shape_cast %slice3A_256 : vector<1x64x512xf32> to vector<64x512xf32>
    %jit3A_258 = arith.constant 0.000000e+00 : f32
    %broadcast_in_dim3A_259 = vector.broadcast %jit3A_258 : f32 to vector<64x512xf32>
    %select_n3A_260 = arith.select %eq3A_255, %squeeze3A_257, %broadcast_in_dim3A_259 : vector<64x512xi1>, vector<64x512xf32>
    %add3A_261 = arith.addf %add3A_252, %select_n3A_260 : vector<64x512xf32>
    %eq3A_262 = arith.constant 12 : i32
    %eq3A_263 = vector.broadcast %eq3A_262 : i32 to vector<64x512xi32>
    %eq3A_264 = arith.cmpi eq, %select_n3A, %eq3A_263 : vector<64x512xi32>
    %slice3A_265 = vector.extract_strided_slice %get3A_4 {offsets = [12, 0, 0], sizes = [1, 64, 512], strides = [1, 1, 1]} : vector<19x64x512xf32> to vector<1x64x512xf32>
    %squeeze3A_266 = vector.shape_cast %slice3A_265 : vector<1x64x512xf32> to vector<64x512xf32>
    %jit3A_267 = arith.constant 0.000000e+00 : f32
    %broadcast_in_dim3A_268 = vector.broadcast %jit3A_267 : f32 to vector<64x512xf32>
    %select_n3A_269 = arith.select %eq3A_264, %squeeze3A_266, %broadcast_in_dim3A_268 : vector<64x512xi1>, vector<64x512xf32>
    %add3A_270 = arith.addf %add3A_261, %select_n3A_269 : vector<64x512xf32>
    %eq3A_271 = arith.constant 13 : i32
    %eq3A_272 = vector.broadcast %eq3A_271 : i32 to vector<64x512xi32>
    %eq3A_273 = arith.cmpi eq, %select_n3A, %eq3A_272 : vector<64x512xi32>
    %slice3A_274 = vector.extract_strided_slice %get3A_4 {offsets = [13, 0, 0], sizes = [1, 64, 512], strides = [1, 1, 1]} : vector<19x64x512xf32> to vector<1x64x512xf32>
    %squeeze3A_275 = vector.shape_cast %slice3A_274 : vector<1x64x512xf32> to vector<64x512xf32>
    %jit3A_276 = arith.constant 0.000000e+00 : f32
    %broadcast_in_dim3A_277 = vector.broadcast %jit3A_276 : f32 to vector<64x512xf32>
    %select_n3A_278 = arith.select %eq3A_273, %squeeze3A_275, %broadcast_in_dim3A_277 : vector<64x512xi1>, vector<64x512xf32>
    %add3A_279 = arith.addf %add3A_270, %select_n3A_278 : vector<64x512xf32>
    %eq3A_280 = arith.constant 14 : i32
    %eq3A_281 = vector.broadcast %eq3A_280 : i32 to vector<64x512xi32>
    %eq3A_282 = arith.cmpi eq, %select_n3A, %eq3A_281 : vector<64x512xi32>
    %slice3A_283 = vector.extract_strided_slice %get3A_4 {offsets = [14, 0, 0], sizes = [1, 64, 512], strides = [1, 1, 1]} : vector<19x64x512xf32> to vector<1x64x512xf32>
    %squeeze3A_284 = vector.shape_cast %slice3A_283 : vector<1x64x512xf32> to vector<64x512xf32>
    %jit3A_285 = arith.constant 0.000000e+00 : f32
    %broadcast_in_dim3A_286 = vector.broadcast %jit3A_285 : f32 to vector<64x512xf32>
    %select_n3A_287 = arith.select %eq3A_282, %squeeze3A_284, %broadcast_in_dim3A_286 : vector<64x512xi1>, vector<64x512xf32>
    %add3A_288 = arith.addf %add3A_279, %select_n3A_287 : vector<64x512xf32>
    %eq3A_289 = arith.constant 15 : i32
    %eq3A_290 = vector.broadcast %eq3A_289 : i32 to vector<64x512xi32>
    %eq3A_291 = arith.cmpi eq, %select_n3A, %eq3A_290 : vector<64x512xi32>
    %slice3A_292 = vector.extract_strided_slice %get3A_4 {offsets = [15, 0, 0], sizes = [1, 64, 512], strides = [1, 1, 1]} : vector<19x64x512xf32> to vector<1x64x512xf32>
    %squeeze3A_293 = vector.shape_cast %slice3A_292 : vector<1x64x512xf32> to vector<64x512xf32>
    %jit3A_294 = arith.constant 0.000000e+00 : f32
    %broadcast_in_dim3A_295 = vector.broadcast %jit3A_294 : f32 to vector<64x512xf32>
    %select_n3A_296 = arith.select %eq3A_291, %squeeze3A_293, %broadcast_in_dim3A_295 : vector<64x512xi1>, vector<64x512xf32>
    %add3A_297 = arith.addf %add3A_288, %select_n3A_296 : vector<64x512xf32>
    %eq3A_298 = arith.constant 16 : i32
    %eq3A_299 = vector.broadcast %eq3A_298 : i32 to vector<64x512xi32>
    %eq3A_300 = arith.cmpi eq, %select_n3A, %eq3A_299 : vector<64x512xi32>
    %slice3A_301 = vector.extract_strided_slice %get3A_4 {offsets = [16, 0, 0], sizes = [1, 64, 512], strides = [1, 1, 1]} : vector<19x64x512xf32> to vector<1x64x512xf32>
    %squeeze3A_302 = vector.shape_cast %slice3A_301 : vector<1x64x512xf32> to vector<64x512xf32>
    %jit3A_303 = arith.constant 0.000000e+00 : f32
    %broadcast_in_dim3A_304 = vector.broadcast %jit3A_303 : f32 to vector<64x512xf32>
    %select_n3A_305 = arith.select %eq3A_300, %squeeze3A_302, %broadcast_in_dim3A_304 : vector<64x512xi1>, vector<64x512xf32>
    %add3A_306 = arith.addf %add3A_297, %select_n3A_305 : vector<64x512xf32>
    %eq3A_307 = arith.constant 17 : i32
    %eq3A_308 = vector.broadcast %eq3A_307 : i32 to vector<64x512xi32>
    %eq3A_309 = arith.cmpi eq, %select_n3A, %eq3A_308 : vector<64x512xi32>
    %slice3A_310 = vector.extract_strided_slice %get3A_4 {offsets = [17, 0, 0], sizes = [1, 64, 512], strides = [1, 1, 1]} : vector<19x64x512xf32> to vector<1x64x512xf32>
    %squeeze3A_311 = vector.shape_cast %slice3A_310 : vector<1x64x512xf32> to vector<64x512xf32>
    %jit3A_312 = arith.constant 0.000000e+00 : f32
    %broadcast_in_dim3A_313 = vector.broadcast %jit3A_312 : f32 to vector<64x512xf32>
    %select_n3A_314 = arith.select %eq3A_309, %squeeze3A_311, %broadcast_in_dim3A_313 : vector<64x512xi1>, vector<64x512xf32>
    %add3A_315 = arith.addf %add3A_306, %select_n3A_314 : vector<64x512xf32>
    %eq3A_316 = arith.constant 18 : i32
    %eq3A_317 = vector.broadcast %eq3A_316 : i32 to vector<64x512xi32>
    %eq3A_318 = arith.cmpi eq, %select_n3A, %eq3A_317 : vector<64x512xi32>
    %slice3A_319 = vector.extract_strided_slice %get3A_4 {offsets = [18, 0, 0], sizes = [1, 64, 512], strides = [1, 1, 1]} : vector<19x64x512xf32> to vector<1x64x512xf32>
    %squeeze3A_320 = vector.shape_cast %slice3A_319 : vector<1x64x512xf32> to vector<64x512xf32>
    %jit3A_321 = arith.constant 0.000000e+00 : f32
    %broadcast_in_dim3A_322 = vector.broadcast %jit3A_321 : f32 to vector<64x512xf32>
    %select_n3A_323 = arith.select %eq3A_318, %squeeze3A_320, %broadcast_in_dim3A_322 : vector<64x512xi1>, vector<64x512xf32>
    %add3A_324 = arith.addf %add3A_315, %select_n3A_323 : vector<64x512xf32>
    %log3A = math.log %add3A_153 : vector<64x512xf32>
    %add3A_325 = arith.addf %max3A_62, %log3A : vector<64x512xf32>
    %sub3A_326 = arith.subf %add3A_325, %add3A_324 : vector<64x512xf32>
    %jit3A_327 = arith.constant 0.000000e+00 : f32
    %broadcast_in_dim3A_328 = vector.broadcast %jit3A_327 : f32 to vector<64x512xf32>
    %select_n3A_329 = arith.select %ne3A_155, %sub3A_326, %broadcast_in_dim3A_328 : vector<64x512xi1>, vector<64x512xf32>
    %swap3A = arith.constant 0 : index
    %swap3A_330 = arith.constant 0 : index
    %swap3A_331 = arith.constant 0 : index
    %swap3A_332 = vector.load %arg3[%swap3A, %swap3A_330, %swap3A_331] : memref<1x64x512xf32, #tpu.memory_space<vmem>>, vector<1x64x512xf32>
    %swap3A_333 = vector.shape_cast %swap3A_332 : vector<1x64x512xf32> to vector<64x512xf32>
    %swap3A_334 = vector.shape_cast %select_n3A_329 : vector<64x512xf32> to vector<1x64x512xf32>
    tpu.vector_store %arg3[%swap3A, %swap3A_330, %swap3A_331], %swap3A_334 {strides = array<i32>} : memref<1x64x512xf32, #tpu.memory_space<vmem>>, vector<1x64x512xf32>,
    %gt3A = arith.constant 0.356674939 : f32
    %gt3A_335 = vector.broadcast %gt3A : f32 to vector<64x512xf32>
    %gt3A_336 = arith.cmpf ogt, %select_n3A_329, %gt3A_335 : vector<64x512xf32>
    %convert_element_type3A = arith.extui %gt3A_336 : vector<64x512xi1> to vector<64x512xi32>
    %convert_element_type3A_337 = arith.sitofp %convert_element_type3A : vector<64x512xi32> to vector<64x512xf32>
    %reduce_sum3A = vector.shape_cast %convert_element_type3A_337 : vector<64x512xf32> to vector<1x64x512xf32>
    %reduce_sum3A_338 = arith.constant dense<0.000000e+00> : vector<1xf32>
    %reduce_sum3A_339 = vector.multi_reduction <add>, %reduce_sum3A, %reduce_sum3A_338 [1, 2] : vector<1x64x512xf32> to vector<1xf32>
    %reduce_sum3A_340 = vector.shape_cast %reduce_sum3A_339 : vector<1xf32> to vector<1x1x1xf32>
    %reduce_sum3A_341 = vector.extract %reduce_sum3A_340[0, 0, 0] : f32 from vector<1x1x1xf32>
    %swap3A_342 = arith.constant 0 : index
    %swap3A_343 = arith.constant 0 : index
    %swap3A_344 = arith.constant 0 : index
    %swap3A_345 = memref.load %arg4[%swap3A_342, %swap3A_343, %swap3A_344] : memref<1x1x3xf32, #tpu.memory_space<smem>>
    memref.store %reduce_sum3A_341, %arg4[%swap3A_342, %swap3A_343, %swap3A_344] : memref<1x1x3xf32, #tpu.memory_space<smem>>
    %jit3A_346 = arith.constant 0.000000e+00 : f32
    %broadcast_in_dim3A_347 = vector.broadcast %jit3A_346 : f32 to vector<64x512xf32>
    %select_n3A_348 = arith.select %gt3A_336, %select_n3A_329, %broadcast_in_dim3A_347 : vector<64x512xi1>, vector<64x512xf32>
    %reduce_sum3A_349 = vector.shape_cast %select_n3A_348 : vector<64x512xf32> to vector<1x64x512xf32>
    %reduce_sum3A_350 = arith.constant dense<0.000000e+00> : vector<1xf32>
    %reduce_sum3A_351 = vector.multi_reduction <add>, %reduce_sum3A_349, %reduce_sum3A_350 [1, 2] : vector<1x64x512xf32> to vector<1xf32>
    %reduce_sum3A_352 = vector.shape_cast %reduce_sum3A_351 : vector<1xf32> to vector<1x1x1xf32>
    %reduce_sum3A_353 = vector.extract %reduce_sum3A_352[0, 0, 0] : f32 from vector<1x1x1xf32>
    %swap3A_354 = arith.constant 0 : index
    %swap3A_355 = arith.constant 0 : index
    %swap3A_356 = arith.constant 1 : index
    %swap3A_357 = memref.load %arg4[%swap3A_354, %swap3A_355, %swap3A_356] : memref<1x1x3xf32, #tpu.memory_space<smem>>
    memref.store %reduce_sum3A_353, %arg4[%swap3A_354, %swap3A_355, %swap3A_356] : memref<1x1x3xf32, #tpu.memory_space<smem>>
    %convert_element_type3A_358 = arith.extui %ne3A_155 : vector<64x512xi1> to vector<64x512xi32>
    %convert_element_type3A_359 = arith.sitofp %convert_element_type3A_358 : vector<64x512xi32> to vector<64x512xf32>
    %reduce_sum3A_360 = vector.shape_cast %convert_element_type3A_359 : vector<64x512xf32> to vector<1x64x512xf32>
    %reduce_sum3A_361 = arith.constant dense<0.000000e+00> : vector<1xf32>
    %reduce_sum3A_362 = vector.multi_reduction <add>, %reduce_sum3A_360, %reduce_sum3A_361 [1, 2] : vector<1x64x512xf32> to vector<1xf32>
    %reduce_sum3A_363 = vector.shape_cast %reduce_sum3A_362 : vector<1xf32> to vector<1x1x1xf32>
    %reduce_sum3A_364 = vector.extract %reduce_sum3A_363[0, 0, 0] : f32 from vector<1x1x1xf32>
    %swap3A_365 = arith.constant 0 : index
    %swap3A_366 = arith.constant 0 : index
    %swap3A_367 = arith.constant 2 : index
    %swap3A_368 = memref.load %arg4[%swap3A_365, %swap3A_366, %swap3A_367] : memref<1x1x3xf32, #tpu.memory_space<smem>>
    memref.store %reduce_sum3A_364, %arg4[%swap3A_365, %swap3A_366, %swap3A_367] : memref<1x1x3xf32, #tpu.memory_space<smem>>
    return
  }
  func.func @transform_0(%arg0: i32) -> (i32, i32, i32, i32) {
    %jit3A = arith.constant 8 : i32
    %div3A = arith.divsi %arg0, %jit3A : i32
    %sign3A = arith.constant 0 : i32
    %sign3A_0 = arith.cmpi sgt, %arg0, %sign3A : i32
    %sign3A_1 = arith.extui %sign3A_0 : i1 to i32
    %sign3A_2 = arith.constant 0 : i32
    %sign3A_3 = arith.cmpi slt, %arg0, %sign3A_2 : i32
    %sign3A_4 = arith.extui %sign3A_3 : i1 to i32
    %sign3A_5 = arith.subi %sign3A_1, %sign3A_4 : i32
    %sign3A_6 = arith.constant 0 : i32
    %sign3A_7 = arith.cmpi sgt, %jit3A, %sign3A_6 : i32
    %sign3A_8 = arith.extui %sign3A_7 : i1 to i32
    %sign3A_9 = arith.constant 0 : i32
    %sign3A_10 = arith.cmpi slt, %jit3A, %sign3A_9 : i32
    %sign3A_11 = arith.extui %sign3A_10 : i1 to i32
    %sign3A_12 = arith.subi %sign3A_8, %sign3A_11 : i32
    %ne3A = arith.cmpi ne, %sign3A_5, %sign3A_12 : i32
    %rem3A = arith.remsi %arg0, %jit3A : i32
    %ne3A_13 = arith.constant 0 : i32
    %ne3A_14 = arith.cmpi ne, %rem3A, %ne3A_13 : i32
    %and3A = arith.andi %ne3A, %ne3A_14 : i1
    %sub3A = arith.constant 1 : i32
    %sub3A_15 = arith.subi %div3A, %sub3A : i32
    %select_n3A = arith.select %and3A, %sub3A_15, %div3A : i32
    %jit3A_16 = arith.constant 8 : i32
    %eq3A = arith.constant 0 : i32
    %eq3A_17 = arith.cmpi eq, %jit3A_16, %eq3A : i32
    %jit3A_18 = arith.constant 1 : i32
    %select_n3A_19 = arith.select %eq3A_17, %jit3A_18, %jit3A_16 : i32
    %rem3A_20 = arith.remsi %arg0, %select_n3A_19 : i32
    %ne3A_21 = arith.constant 0 : i32
    %ne3A_22 = arith.cmpi ne, %rem3A_20, %ne3A_21 : i32
    %lt3A = arith.constant 0 : i32
    %lt3A_23 = arith.cmpi slt, %rem3A_20, %lt3A : i32
    %lt3A_24 = arith.constant 0 : i32
    %lt3A_25 = arith.cmpi slt, %select_n3A_19, %lt3A_24 : i32
    %ne3A_26 = arith.xori %lt3A_23, %lt3A_25 : i1
    %and3A_27 = arith.andi %ne3A_26, %ne3A_22 : i1
    %add3A = arith.addi %rem3A_20, %select_n3A_19 : i32
    %select_n3A_28 = arith.select %and3A_27, %add3A, %rem3A_20 : i32
    %c0_i32 = arith.constant 0 : i32
    %c0_i32_29 = arith.constant 0 : i32
    %c0_i32_30 = arith.constant 0 : i32
    return %select_n3A, %c0_i32, %select_n3A_28, %c0_i32_29 : i32, i32, i32, i32
  }
  func.func @transform_1(%arg0: i32) -> (i32, i32, i32) {
    %jit3A = arith.constant 8 : i32
    %div3A = arith.divsi %arg0, %jit3A : i32
    %sign3A = arith.constant 0 : i32
    %sign3A_0 = arith.cmpi sgt, %arg0, %sign3A : i32
    %sign3A_1 = arith.extui %sign3A_0 : i1 to i32
    %sign3A_2 = arith.constant 0 : i32
    %sign3A_3 = arith.cmpi slt, %arg0, %sign3A_2 : i32
    %sign3A_4 = arith.extui %sign3A_3 : i1 to i32
    %sign3A_5 = arith.subi %sign3A_1, %sign3A_4 : i32
    %sign3A_6 = arith.constant 0 : i32
    %sign3A_7 = arith.cmpi sgt, %jit3A, %sign3A_6 : i32
    %sign3A_8 = arith.extui %sign3A_7 : i1 to i32
    %sign3A_9 = arith.constant 0 : i32
    %sign3A_10 = arith.cmpi slt, %jit3A, %sign3A_9 : i32
    %sign3A_11 = arith.extui %sign3A_10 : i1 to i32
    %sign3A_12 = arith.subi %sign3A_8, %sign3A_11 : i32
    %ne3A = arith.cmpi ne, %sign3A_5, %sign3A_12 : i32
    %rem3A = arith.remsi %arg0, %jit3A : i32
    %ne3A_13 = arith.constant 0 : i32
    %ne3A_14 = arith.cmpi ne, %rem3A, %ne3A_13 : i32
    %and3A = arith.andi %ne3A, %ne3A_14 : i1
    %sub3A = arith.constant 1 : i32
    %sub3A_15 = arith.subi %div3A, %sub3A : i32
    %select_n3A = arith.select %and3A, %sub3A_15, %div3A : i32
    %jit3A_16 = arith.constant 8 : i32
    %eq3A = arith.constant 0 : i32
    %eq3A_17 = arith.cmpi eq, %jit3A_16, %eq3A : i32
    %jit3A_18 = arith.constant 1 : i32
    %select_n3A_19 = arith.select %eq3A_17, %jit3A_18, %jit3A_16 : i32
    %rem3A_20 = arith.remsi %arg0, %select_n3A_19 : i32
    %ne3A_21 = arith.constant 0 : i32
    %ne3A_22 = arith.cmpi ne, %rem3A_20, %ne3A_21 : i32
    %lt3A = arith.constant 0 : i32
    %lt3A_23 = arith.cmpi slt, %rem3A_20, %lt3A : i32
    %lt3A_24 = arith.constant 0 : i32
    %lt3A_25 = arith.cmpi slt, %select_n3A_19, %lt3A_24 : i32
    %ne3A_26 = arith.xori %lt3A_23, %lt3A_25 : i1
    %and3A_27 = arith.andi %ne3A_26, %ne3A_22 : i1
    %add3A = arith.addi %rem3A_20, %select_n3A_19 : i32
    %select_n3A_28 = arith.select %and3A_27, %add3A, %rem3A_20 : i32
    %c0_i32 = arith.constant 0 : i32
    %c0_i32_29 = arith.constant 0 : i32
    return %select_n3A, %select_n3A_28, %c0_i32 : i32, i32, i32
  }
  func.func @transform_2(%arg0: i32) -> (i32, i32, i32) {
    %jit3A = arith.constant 8 : i32
    %div3A = arith.divsi %arg0, %jit3A : i32
    %sign3A = arith.constant 0 : i32
    %sign3A_0 = arith.cmpi sgt, %arg0, %sign3A : i32
    %sign3A_1 = arith.extui %sign3A_0 : i1 to i32
    %sign3A_2 = arith.constant 0 : i32
    %sign3A_3 = arith.cmpi slt, %arg0, %sign3A_2 : i32
    %sign3A_4 = arith.extui %sign3A_3 : i1 to i32
    %sign3A_5 = arith.subi %sign3A_1, %sign3A_4 : i32
    %sign3A_6 = arith.constant 0 : i32
    %sign3A_7 = arith.cmpi sgt, %jit3A, %sign3A_6 : i32
    %sign3A_8 = arith.extui %sign3A_7 : i1 to i32
    %sign3A_9 = arith.constant 0 : i32
    %sign3A_10 = arith.cmpi slt, %jit3A, %sign3A_9 : i32
    %sign3A_11 = arith.extui %sign3A_10 : i1 to i32
    %sign3A_12 = arith.subi %sign3A_8, %sign3A_11 : i32
    %ne3A = arith.cmpi ne, %sign3A_5, %sign3A_12 : i32
    %rem3A = arith.remsi %arg0, %jit3A : i32
    %ne3A_13 = arith.constant 0 : i32
    %ne3A_14 = arith.cmpi ne, %rem3A, %ne3A_13 : i32
    %and3A = arith.andi %ne3A, %ne3A_14 : i1
    %sub3A = arith.constant 1 : i32
    %sub3A_15 = arith.subi %div3A, %sub3A : i32
    %select_n3A = arith.select %and3A, %sub3A_15, %div3A : i32
    %jit3A_16 = arith.constant 8 : i32
    %eq3A = arith.constant 0 : i32
    %eq3A_17 = arith.cmpi eq, %jit3A_16, %eq3A : i32
    %jit3A_18 = arith.constant 1 : i32
    %select_n3A_19 = arith.select %eq3A_17, %jit3A_18, %jit3A_16 : i32
    %rem3A_20 = arith.remsi %arg0, %select_n3A_19 : i32
    %ne3A_21 = arith.constant 0 : i32
    %ne3A_22 = arith.cmpi ne, %rem3A_20, %ne3A_21 : i32
    %lt3A = arith.constant 0 : i32
    %lt3A_23 = arith.cmpi slt, %rem3A_20, %lt3A : i32
    %lt3A_24 = arith.constant 0 : i32
    %lt3A_25 = arith.cmpi slt, %select_n3A_19, %lt3A_24 : i32
    %ne3A_26 = arith.xori %lt3A_23, %lt3A_25 : i1
    %and3A_27 = arith.andi %ne3A_26, %ne3A_22 : i1
    %add3A = arith.addi %rem3A_20, %select_n3A_19 : i32
    %select_n3A_28 = arith.select %and3A_27, %add3A, %rem3A_20 : i32
    %c0_i32 = arith.constant 0 : i32
    %c0_i32_29 = arith.constant 0 : i32
    return %select_n3A, %select_n3A_28, %c0_i32 : i32, i32, i32
  }
  func.func @transform_3(%arg0: i32) -> (i32, i32, i32) {
    %c0_i32 = arith.constant 0 : i32
    %c0_i32_0 = arith.constant 0 : i32
    %c0_i32_1 = arith.constant 0 : i32
    return %arg0, %c0_i32, %c0_i32_0 : i32, i32, i32
  }
}

module attributes {stable_mosaic.version = 14 : i64} {
  func.func @body(%arg0: memref<2048x1024xf32, #tpu.memory_space<vmem>>, %arg1: memref<1x1xf32, #tpu.memory_space<smem>>) attributes {dimension_semantics = [], scalar_prefetch = 0 : i64, scratch_operands = 0 : i64, tpu.core_type = #tpu.core_type<tc>} {
    %get3A = arith.constant 0 : index
    %get3A_0 = arith.constant 0 : index
    %get3A_1 = vector.load %arg0[%get3A, %get3A_0] : memref<2048x1024xf32, #tpu.memory_space<vmem>>, vector<2048x1024xf32>
    %bitcast_convert_type3A = tpu.bitcast %get3A_1 : vector<2048x1024xf32> -> vector<2048x1024xi32>
    %scan3A = arith.constant 0 : i32
    %scan3A_2 = arith.constant 2139095040 : i32
    %scan3A_3 = arith.constant 0 : i32
    %scan3A_4 = arith.constant 31 : i32
    %scan3A_5 = arith.addi %scan3A_3, %scan3A_4 : i32
    %scan3A_6 = arith.constant 1 : i32
    %scan3A_7:2 = scf.for %scan3A_24 = %scan3A_3 to %scan3A_5 step %scan3A_6 iter_args(%scan3A_25 = %scan3A, %scan3A_26 = %scan3A_2) -> (i32, i32)  : i32 {
      %sub3A_27 = arith.subi %scan3A_26, %scan3A_25 : i32
      %jit3A_28 = arith.constant 2 : i32
      %div3A_29 = arith.divsi %sub3A_27, %jit3A_28 : i32
      %sign3A = arith.constant 0 : i32
      %sign3A_30 = arith.cmpi sgt, %sub3A_27, %sign3A : i32
      %sign3A_31 = arith.extui %sign3A_30 : i1 to i32
      %sign3A_32 = arith.constant 0 : i32
      %sign3A_33 = arith.cmpi slt, %sub3A_27, %sign3A_32 : i32
      %sign3A_34 = arith.extui %sign3A_33 : i1 to i32
      %sign3A_35 = arith.subi %sign3A_31, %sign3A_34 : i32
      %sign3A_36 = arith.constant 0 : i32
      %sign3A_37 = arith.cmpi sgt, %jit3A_28, %sign3A_36 : i32
      %sign3A_38 = arith.extui %sign3A_37 : i1 to i32
      %sign3A_39 = arith.constant 0 : i32
      %sign3A_40 = arith.cmpi slt, %jit3A_28, %sign3A_39 : i32
      %sign3A_41 = arith.extui %sign3A_40 : i1 to i32
      %sign3A_42 = arith.subi %sign3A_38, %sign3A_41 : i32
      %ne3A = arith.cmpi ne, %sign3A_35, %sign3A_42 : i32
      %rem3A = arith.remsi %sub3A_27, %jit3A_28 : i32
      %ne3A_43 = arith.constant 0 : i32
      %ne3A_44 = arith.cmpi ne, %rem3A, %ne3A_43 : i32
      %and3A = arith.andi %ne3A, %ne3A_44 : i1
      %sub3A_45 = arith.constant 1 : i32
      %sub3A_46 = arith.subi %div3A_29, %sub3A_45 : i32
      %select_n3A_47 = arith.select %and3A, %sub3A_46, %div3A_29 : i32
      %add3A_48 = arith.addi %scan3A_25, %select_n3A_47 : i32
      %gt3A_49 = vector.broadcast %add3A_48 : i32 to vector<2048x1024xi32>
      %gt3A_50 = arith.cmpi sgt, %bitcast_convert_type3A, %gt3A_49 : vector<2048x1024xi32>
      %convert_element_type3A_51 = arith.extui %gt3A_50 : vector<2048x1024xi1> to vector<2048x1024xi32>
      %reduce_sum3A_52 = vector.shape_cast %convert_element_type3A_51 : vector<2048x1024xi32> to vector<1x2048x1024xi32>
      %reduce_sum3A_53 = arith.constant dense<0> : vector<1xi32>
      %reduce_sum3A_54 = vector.multi_reduction <add>, %reduce_sum3A_52, %reduce_sum3A_53 [1, 2] : vector<1x2048x1024xi32> to vector<1xi32>
      %reduce_sum3A_55 = vector.shape_cast %reduce_sum3A_54 : vector<1xi32> to vector<1x1x1xi32>
      %reduce_sum3A_56 = vector.extract %reduce_sum3A_55[0, 0, 0] : i32 from vector<1x1x1xi32>
      %lt3A = arith.constant 131072 : i32
      %lt3A_57 = arith.cmpi slt, %reduce_sum3A_56, %lt3A : i32
      %add3A_58 = arith.constant 1 : i32
      %add3A_59 = arith.addi %add3A_48, %add3A_58 : i32
      %select_n3A_60 = arith.select %lt3A_57, %scan3A_25, %add3A_59 : i32
      %select_n3A_61 = arith.select %lt3A_57, %add3A_48, %scan3A_26 : i32
      scf.yield %select_n3A_60, %select_n3A_61 : i32, i32
    }
    %bitcast_convert_type3A_8 = arith.bitcast %scan3A_7#0 : i32 to f32
    %gt3A = vector.broadcast %bitcast_convert_type3A_8 : f32 to vector<2048x1024xf32>
    %gt3A_9 = arith.cmpf ogt, %get3A_1, %gt3A : vector<2048x1024xf32>
    %convert_element_type3A = arith.extui %gt3A_9 : vector<2048x1024xi1> to vector<2048x1024xi32>
    %convert_element_type3A_10 = arith.sitofp %convert_element_type3A : vector<2048x1024xi32> to vector<2048x1024xf32>
    %reduce_sum3A = vector.shape_cast %convert_element_type3A_10 : vector<2048x1024xf32> to vector<1x2048x1024xf32>
    %reduce_sum3A_11 = arith.constant dense<0.000000e+00> : vector<1xf32>
    %reduce_sum3A_12 = vector.multi_reduction <add>, %reduce_sum3A, %reduce_sum3A_11 [1, 2] : vector<1x2048x1024xf32> to vector<1xf32>
    %reduce_sum3A_13 = vector.shape_cast %reduce_sum3A_12 : vector<1xf32> to vector<1x1x1xf32>
    %reduce_sum3A_14 = vector.extract %reduce_sum3A_13[0, 0, 0] : f32 from vector<1x1x1xf32>
    %jit3A = arith.constant 0.000000e+00 : f32
    %broadcast_in_dim3A = vector.broadcast %jit3A : f32 to vector<2048x1024xf32>
    %select_n3A = arith.select %gt3A_9, %get3A_1, %broadcast_in_dim3A : vector<2048x1024xi1>, vector<2048x1024xf32>
    %reduce_sum3A_15 = vector.shape_cast %select_n3A : vector<2048x1024xf32> to vector<1x2048x1024xf32>
    %reduce_sum3A_16 = arith.constant dense<0.000000e+00> : vector<1xf32>
    %reduce_sum3A_17 = vector.multi_reduction <add>, %reduce_sum3A_15, %reduce_sum3A_16 [1, 2] : vector<1x2048x1024xf32> to vector<1xf32>
    %reduce_sum3A_18 = vector.shape_cast %reduce_sum3A_17 : vector<1xf32> to vector<1x1x1xf32>
    %reduce_sum3A_19 = vector.extract %reduce_sum3A_18[0, 0, 0] : f32 from vector<1x1x1xf32>
    %sub3A = arith.constant 1.310720e+05 : f32
    %sub3A_20 = arith.subf %sub3A, %reduce_sum3A_14 : f32
    %mul3A = arith.mulf %bitcast_convert_type3A_8, %sub3A_20 : f32
    %add3A = arith.addf %reduce_sum3A_19, %mul3A : f32
    %div3A = arith.constant 1.310720e+05 : f32
    %div3A_21 = arith.divf %add3A, %div3A : f32
    %swap3A = arith.constant 0 : index
    %swap3A_22 = arith.constant 0 : index
    %swap3A_23 = memref.load %arg1[%swap3A, %swap3A_22] : memref<1x1xf32, #tpu.memory_space<smem>>
    memref.store %div3A_21, %arg1[%swap3A, %swap3A_22] : memref<1x1xf32, #tpu.memory_space<smem>>
    return
  }
}

</mosaic_0001>

<sc_bundles>
// kernel: kernel.3.cloned.1.call-start
scs
__scs_entry_jumppad:
0x0: {  	(pc) =	sbr.rel $0x88, $3  }
0x1: {  	(tag) =	ssettag $0x0;
	lr =	simm.s32 $0x1  }
0x2: {  	[smem:$0x3F9F] =	sst lr;
	_ =	strace $0xD0000000  }
0x3: {  	_ = 	snop  }
0x4: {  	_ = 	snop  }
0x5: {  	_ = 	snop  }
0x6: {  	_ = 	snop  }
0x7: {  	_ = 	snop  }
__scs_overlays_trampoline_lowered:
0x8: {  	[smem:$0x3FAE] =	sst s0  }
0x9: {  	[smem:$0x3FAF] =	sst s1  }
0xa: {  	[smem:$0x3FB0] =	sst s2  }
0xb: {  	[smem:$0x3FB1] =	sst s3  }
0xc: {  	[smem:$0x3FB2] =	sst s4  }
0xd: {  	[smem:$0x3FB3] =	sst s5  }
0xe: {  	[smem:$0x3FB4] =	sst s6  }
0xf: {  	[smem:$0x3FB5] =	sst s7  }
0x10: {  	[smem:$0x3FB6] =	sst s8  }
0x11: {  	[smem:$0x3FB7] =	sst s9;
	s0 =	simm.s32 @!p0 $0x0  }
0x12: {  	s1 =	sld [smem:$0x3F9D];
	s0 =	simm.s32 @p0 $0x1  }
0x13: {  	[smem:$0x3FB8] =	sst s0;
	s0 =	simm.s32 @!p1 $0x0  }
0x14: {  	s2 =	sld [smem:$0x3F9C];
	s0 =	simm.s32 @p1 $0x1  }
0x15: {  	[smem:$0x3FB9] =	sst s0;
	s0 =	simm.s32 @!p2 $0x0  }
0x16: {  	s3 =	sld [smem:$0x3FDB];
	s0 =	simm.s32 @p2 $0x1  }
0x17: {  	s4 =	simm.s32 $0x1BF5;
	[smem:$0x3FBB] =	sst s0  }
0x18: {  	s0 =	sld [smem:$0x3F9E];
	_ =	swait.ge [sflag:s4], $0x0  }
0x19: {  	s7 =	sld [smem:$0x3F9F]  }
0x1a: {  	s8 =	sadd.s32 $0xFFFFE003, lr  }
0x1b: {  	s9 =	sadd.s32 $0xFFFFFEF7, lr;
	s5 =	simm.s32 $0xFFFFFFFF;
	p2 =	slt.u32 s8, $0xFFFFF086  }
0x1c: {  	p1 =	slt.u32 s9, $0xF7A;
	s5 =	simm.s32 @!p2 $0x0  }
0x1d: {  	s5 =	simm.s32 @p1 $0x1;
	p0 =	seq.s32 s7, s2  }
0x1e: {  	s7 =	smul.u32 @!p0 $0xF7A, s2;
	p2 =	seq.s32 @!p0 s5, $0x0  }
0x1f: {  	s9 =	smul.u32 $0xF7A, s1;
	s8 =	simm.s32 @!p0 $0x1BF5;
	p2 =	por !p2, p0  }
0x20: {  	[sflag:s8] =	ssyncset.s32 @!p0 $0xFFFFF086;
	s6 =	sadd.s32 @!p0 s3, s7;
	s7 =	simm.s32 @!p0 $0x108  }
0x21: {  	s3 =	sadd.s32 s3, s9;
	s6 =	sadd.s32 @!p0 $0x88, s6;
	s7 =	simm.s32 @p2 $0x1082  }
0x22: {  	[simem:s7], [sflag:s8] =	dma.local @!p0 [hbm:s6], $0xF7A  }
0x23: {  	s9 =	sor.u32 $0xD0000000, s2;
	s6 =	simm.s32 $0x108;
	_ =	swait.ge @!p0 [sflag:s8], $0x0  }
0x24: {  	s3 =	sadd.s32 $0x88, s3;
	s6 =	simm.s32 @!p1 $0x1082;
	[sflag:s4] =	ssyncset.s32 $0xFFFFF086  }
0x25: {  	[simem:s6], [sflag:s4] =	dma.local [hbm:s3], $0xF7A  }
0x26: {  	[smem:$0x3F9F] =	sst s1;
	(tag) =	ssettag s2;
	_ =	strace s9  }
0x27: {  	s1 =	sld [smem:$0x3FAF]  }
0x28: {  	s2 =	sld [smem:$0x3FB0]  }
0x29: {  	s4 =	sld [smem:$0x3FB2]  }
0x2a: {  	p0 =	seq.s32 s5, $0x0;
	s5 =	sld [smem:$0x3FB3]  }
0x2b: {  	s6 =	sld [smem:$0x3FB4]  }
0x2c: {  	s7 =	sld [smem:$0x3FB5]  }
0x2d: {  	s3 =	simm.s32 $0x108;
	s8 =	sld [smem:$0x3FB6]  }
0x2e: {  	s3 =	simm.s32 @!p0 $0x1082;
	s9 =	sld [smem:$0x3FB7]  }
0x2f: {  	lr =	sadd.s32 s0, s3;
	s0 =	sld [smem:$0x3FAE]  }
0x30: {  	s3 =	sld [smem:$0x3FB1]  }
0x31: {  	[smem:$0x3FBA] =	sst s10  }
0x32: {  	s10 =	sld [smem:$0x3FB8];
	_ =	sdelay $0x3  }
0x33: {  	p0 =	seq.s32 s10, $0x1;
	s10 =	sld [smem:$0x3FBA];
	_ =	sdelay $0x3  }
0x34: {  	[smem:$0x3FBA] =	sst s10  }
0x35: {  	s10 =	sld [smem:$0x3FB9];
	_ =	sdelay $0x3  }
0x36: {  	p1 =	seq.s32 s10, $0x1;
	s10 =	sld [smem:$0x3FBA];
	_ =	sdelay $0x3  }
0x37: {  	[smem:$0x3FBA] =	sst s10  }
0x38: {  	s10 =	sld [smem:$0x3FBB]  }
0x39: {  	_ = 	snop;
	(pc) =	sbr.ind lr, $3  }
0x3a: {  	_ = 	snop  }
0x3b: {  	_ = 	snop  }
0x3c: {  	p2 =	seq.s32 s10, $0x1;
	s10 =	sld [smem:$0x3FBA]  }
0x3d: {  	_ =	shalt  }
0x3e: {  	_ =	shalt  }
0x3f: {  	_ =	shalt  }
0x40: {  	_ =	shalt  }
0x41: {  	_ =	shalt  }
0x42: {  	_ =	shalt  }
0x43: {  	_ =	shalt  }
0x44: {  	_ =	shalt  }
0x45: {  	_ =	shalt  }
0x46: {  	_ =	shalt  }
0x47: {  	_ =	shalt  }
0x48: {  	_ =	shalt  }
0x49: {  	_ =	shalt  }
0x4a: {  	_ =	shalt  }
0x4b: {  	_ =	shalt  }
0x4c: {  	_ =	shalt  }
0x4d: {  	_ =	shalt  }
0x4e: {  	_ =	shalt  }
0x4f: {  	_ =	shalt  }
0x50: {  	_ =	shalt  }
0x51: {  	_ =	shalt  }
0x52: {  	_ =	shalt  }
0x53: {  	_ =	shalt  }
0x54: {  	_ =	shalt  }
0x55: {  	_ =	shalt  }
0x56: {  	_ =	shalt  }
0x57: {  	_ =	shalt  }
0x58: {  	_ =	shalt  }
0x59: {  	_ =	shalt  }
0x5a: {  	_ =	shalt  }
0x5b: {  	_ =	shalt  }
0x5c: {  	_ =	shalt  }
0x5d: {  	_ =	shalt  }
0x5e: {  	_ =	shalt  }
0x5f: {  	_ =	shalt  }
0x60: {  	_ =	shalt  }
0x61: {  	_ =	shalt  }
0x62: {  	_ =	shalt  }
0x63: {  	_ =	shalt  }
0x64: {  	_ =	shalt  }
0x65: {  	_ =	shalt  }
0x66: {  	_ =	shalt  }
0x67: {  	_ =	shalt  }
0x68: {  	_ =	shalt  }
0x69: {  	_ =	shalt  }
0x6a: {  	_ =	shalt  }
0x6b: {  	_ =	shalt  }
0x6c: {  	_ =	shalt  }
0x6d: {  	_ =	shalt  }
0x6e: {  	_ =	shalt  }
0x6f: {  	_ =	shalt  }
0x70: {  	_ =	shalt  }
0x71: {  	_ =	shalt  }
0x72: {  	_ =	shalt  }
0x73: {  	_ =	shalt  }
0x74: {  	_ =	shalt  }
0x75: {  	_ =	shalt  }
0x76: {  	_ =	shalt  }
0x77: {  	_ =	shalt  }
0x78: {  	_ =	shalt  }
0x79: {  	_ =	shalt  }
0x7a: {  	_ =	shalt  }
0x7b: {  	_ =	shalt  }
0x7c: {  	_ =	shalt  }
0x7d: {  	_ =	shalt  }
0x7e: {  	_ =	shalt  }
0x7f: {  	_ =	shalt  }
0x80: {  	_ =	shalt  }
0x81: {  	_ =	shalt  }
0x82: {  	_ =	shalt  }
0x83: {  	_ =	shalt  }
0x84: {  	_ =	shalt  }
0x85: {  	_ =	shalt  }
0x86: {  	_ =	shalt  }
0x87: {  	_ =	shalt  }
.Lfunc_end0:
.L_simem_size_0:
called_computation_lowered:
.L_overlay_start_0:
0x88: {  	s2 =	sld [smem:$0x3FD9]  }
0x89: {  	s3 =	sld [smem:$0x3FFE];
	_ =	sdelay $0x1  }
0x8a: {  	s1 =	srdreg.scid  }
0x8b: {  	s0 =	sand.u32 $0x1, s1  }
0x8c: {  	s17 =	sshll.u32 s0, $0xA;
	s2 =	sadd.s32 s3, s2  }
0x8d: {  	s2 =	sadd.s32 s2, s17  }
0x8e: {  	[smem:$0x3FC6] =	sst s2  }
0x8f: {  	_ = 	snop  }
0x90: {  	s2 =	sld [smem:$0x3FC9]  }
0x91: {  	s18 =	sld [smem:$0x3FC8];
	(tm) =	ssettm $0x1  }
0x92: {  	s4 =	sld [smem:$0x3FFB];
	_ =	sdelay $0x3  }
0x93: {  	_ =	strace s4  }
0x94: {  	s4 =	sld [smem:$0x3FFC];
	_ =	sdelay $0x3  }
0x95: {  	_ =	strace s4  }
0x96: {  	s4 =	sld [smem:$0x3FFD];
	_ =	sdelay $0x3  }
0x97: {  	_ =	strace s4  }
0x98: {  	_ =	strace $0x8FFFFFFF  }
0x99: {  	s19 =	sld [smem:$0x3FDB];
	_ =	sdelay $0x1  }
0x9a: {  	s5 =	simm.s32 $_scs_section_size  }
0x9b: {  	s6 =	simm.s32 $_size__tile_overlayer_lowered;
	s7 =	simm.s32 $_tile_overlayer_lowered  }
0x9c: {  	s22 =	simm.s32 $0x1BFF;
	s21 =	sshll.u32 s7, $0x1;
	s4 =	sadd.s32 s5, s19  }
0x9d: {  	s8 =	simm.s32 $0x0;
	s20 =	sshll.u32 s6, $0x1;
	s6 =	sadd.s32 s21, s4  }
0x9e: {  	[timem:s8], [sflag:s22] =	dma.local [hbm:s6], s20  }
0x9f: {  	_ =	swait.ge [sflag:s22], s20  }
0xa0: {  	s5 =	ssub.s32 $0x0, s20;
	[sflag:s22] =	ssyncset.done $0x0  }
0xa1: {  	[sflag:s22] =	ssyncadd.s32 s5;
	_ =	sdelay $0x1  }
0xa2: {  	s23 =	simm.s32 $0x1B8B  }
0xa3: {  	_ =	swait.ge [sflag:s23], $0x1  }
0xa4: {  	[sflag:s23] =	ssyncset.done $0x0  }
0xa5: {  	s25 =	simm.s32 $0x1B8E;
	s24 =	sld [smem:$0x3FFE];
	[sflag:s23] =	ssyncadd.s32 $0xFFFFFFFF  }
0xa6: {  	s26 =	simm.s32 $execute0_lowered;
	[smem:$0x3FD2] =	sst s25  }
0xa7: {  	s6 =	sshll.u32 s26, $0x1;
	_ =	strace $0x80000046;
	[dreg:$0x1] =	wrdreg $0xFFFFFFFF  }
0xa8: {  	s28 =	simm.s32 $_size_execute0_lowered;
	s4 =	sadd.s32 s4, s6;
	[dreg:$0x0] =	wrdreg $0x0  }
0xa9: {  	s6 =	sshll.u32 s28, $0x1;
	[dreg:$0x2] =	wrdreg s4  }
0xaa: {  	[dreg:$0x3] =	wrdreg s6  }
0xab: {  	[dreg:$0x4] =	wrdreg $0xC0  }
0xac: {  	_ =	task [dreg:s8], $0x5FFFF  }
0xad: {  	[dreg:$0x1] =	wrdreg $0xFFFFFFFF  }
0xae: {  	[dreg:$0x0] =	wrdreg $0x60  }
0xaf: {  	[dreg:$0x2] =	wrdreg s2  }
0xb0: {  	[dreg:$0x3] =	wrdreg s18  }
0xb1: {  	[dreg:$0x4] =	wrdreg s24  }
0xb2: {  	[dreg:$0x5] =	wrdreg $0x9  }
0xb3: {  	_ =	task.clear_ibuf [dreg:s8], $0x6FFFF;
	_ =	strace $0x90000046  }
0xb4: {  	s29 =	simm.s32 $0x9;
	_ =	strace $0x80000048  }
0xb5: {  	_ =	swait.ge [sflag:s29], $0x1  }
0xb6: {  	[sflag:s29] =	ssyncadd.s32 $0xFFFFFFFF  }
0xb7: {  	_ =	strace $0x90000048  }
0xb8: {  	_ =	sfence  }
0xb9: {  	s30 =	sld [smem:$0x0];
	_ =	sdelay $0x2  }
0xba: {  	s31 =	sshll.u32 s1, $0xD;
	s1 =	sshrl.u32 s1, $0x2  }
0xbb: {  	s3 =	sand.u32 $0x4000, s31;
	s1 =	sadd.s32 s1, s30  }
0xbc: {  	s0 =	sor.u32 s3, s0;
	s1 =	sshll.u32 s1, $0x11  }
0xbd: {  	s0 =	sor.u32 s1, s0  }
0xbe: {  	s0 =	sadd.s32 $0x8F2B, s0  }
0xbf: {  	[sflag:s0] =	ssyncadd.remote.s32 $0x1  }
0xc0: {  	_ =	sfence.sel $0xFFFF  }
0xc1: {  	[dreg:$0x0] =	wrdreg $0xFFFFFFFF;
	(pc) =	sbr.abs _section_cstart, $3  }
0xc2: {  	[dreg:$0x1] =	wrdreg $0xFFFFFFFF  }
0xc3: {  	_ =	task.clear_ibuf [dreg:s8], $0x2FFFF;
	_ =	strace $0x9FFFFFFF  }
0xc4: {  	(tm) =	ssettm $0x7FFFFFFF  }
0xc5: {  	_ =	shalt  }
tec
execute0_lowered:
.L_overlay_start_1:
0x0: {  	(tag) =	ssettag $0x1  }
0x1: {  	s1 =	rddreg [dreg:$0x0]  }
0x2: {  	s2 =	srdreg.scid;
	s3 =	rddreg [dreg:$0x1]  }
0x3: {  	s0 =	stileid.u32;
	s11 =	rddreg [dreg:$0x2]  }
0x4: {  	s5 =	simm.s32 $0x0;
	s14 =	simm.s32 $0x40000;
	s15 =	simm.s32 $0xE400  }
0x5: {  	s16 =	simm.s32 $0x4C00;
	s17 =	simm.s32 $0xE800;
	s18 =	simm.s32 $0x1  }
0x6: {  	s19 =	simm.s32 $0xF000;
	s20 =	simm.s32 $0x2;
	s21 =	simm.s32 $0x0  }
0x7: {  	s6 =	sand.u32 $0x1, s2;
	s28 =	sshll.u32 s0, $0x1;
	s2 =	rddreg [dreg:$0x3]  }
0x8: {  	s29 =	sshrl.u32 s0, $0x1;
	[smem:$0x7FF] =	sst s5;
	s10 =	sor.u32 s6, s28  }
0x9: {  	s7 =	smul.u32 $0x4C0000, s29;
	s9 =	ssub.s32 $0x2, s6;
	s4 =	sshll.u32 s10, $0x10  }
0xa: {  	_ =	strace $0x80000047;
	s30 =	sshrl.u32 s9, $0x1;
	s8 =	sand.u32 $0x30000, s4  }
0xb: {  	s31 =	sshll.u32 s10, $0xD;
	s13 =	sshll.u32 s10, $0x4;
	s6 =	sor.u32 s7, s8  }
0xc: {  	v0 =	vlaneseq.u32;
	s12 =	ssub.s32 s9, s30;
	s11 =	sadd.s32 s11, s13;
	s8 =	sshrl.u32 s6, $0x3  }
0xd: {  	v1 =	vimm.f32 $1.000000000e+00;
	v3 =	vshrl.u32 v0, $0x3;
	s13 =	simm.s32 $0x400;
	s7 =	sadd.s32 s1, s8;
	s8 =	sadd.s32 s3, s31  }
0xe: {  	v2 =	vimm.f32 $0.0e+00;
	v4 =	vand.u32 $0x7, v0;
	v3 =	vmul.u32 $0x8, v3;
	s12 =	smax.u32 s12, $0x1;
	s9 =	sadd.s32 $0x80, s7;
	s10 =	sadd.s32 $0x80, s8  }
.LBB2_1:
0xf: {  	[tilespmem:s5], [sflag:$0x1] =	stream.strided.gather [hbm4b:s7+s13], $0x4C00, s14, s13, $0x38;
	[tilespmem:$0xF080] =	vst v63  }
0x10: {  	_ = 	snop  }
0x11: {  	[tilespmem:s15], [sflag:$0x1] =	stream.linear.gather [hbm4b:s8+s5], $0x400, $0x38;
	[tilespmem:$0xF080] =	vst v63  }
0x12: {  	_ = 	snop  }
0x13: {  	[tilespmem:s16], [sflag:$0x1] =	stream.strided.gather [hbm4b:s9+s13], $0x4C00, s14, s13, $0x38;
	[tilespmem:$0xF080] =	vst v63  }
0x14: {  	s22 =	simm.s32 $0x0  }
0x15: {  	v26 =	vimm.f32 $0.0e+00;
	v27 =	vimm.f32 $0.0e+00;
	v28 =	vimm.f32 $0.0e+00;
	[tilespmem:s17], [sflag:$0x1] =	stream.linear.gather [hbm4b:s10+s5], $0x400, $0x38;
	[tilespmem:$0xF080] =	vst v63  }
.LBB2_2:
0x16: {  	p0 =	sgt.u32 s22, $0x3D  }
0x17: {  	s23 =	sadd.s32 @!p0 $0x2, s22  }
0x18: {  	s24 =	smul.u32 @!p0 $0xAB, s23  }
0x19: {  	s25 =	smul.u32 $0xAB, s22;
	_ =	swait.ge [sflag:s18], $0x4C00  }
0x1a: {  	[sflag:s18] =	ssyncset.done $0x0;
	s24 =	sshrl.u32 @!p0 s24, $0x9  }
0x1b: {  	s25 =	sshrl.u32 s25, $0x9;
	[sflag:s18] =	ssyncadd.s32 $0xFFFFB400;
	s24 =	sand.u32 @!p0 $0x7F, s24  }
0x1c: {  	s25 =	sand.u32 $0x7F, s25;
	_ =	swait.ge [sflag:s18], $0x400;
	s24 =	smul.u32 @!p0 $0x3, s24  }
0x1d: {  	s29 =	simm.s32 @!p0 $0x400;
	s25 =	smul.u32 $0x3, s25;
	[sflag:s18] =	ssyncset.done $0x0  }
0x1e: {  	s30 =	simm.s32 @!p0 $0x40000;
	[sflag:s18] =	ssyncadd.s32 $0xFFFFFC00;
	s24 =	ssub.s32 @!p0 s23, s24  }
0x1f: {  	s25 =	ssub.s32 s22, s25;
	s23 =	sshll.u32 @!p0 s23, $0xA;
	s24 =	sand.u32 @!p0 $0xFF, s24  }
0x20: {  	s25 =	sand.u32 $0xFF, s25;
	s28 =	sadd.s32 @!p0 s23, s6;
	s26 =	smul.u32 @!p0 $0x13000, s24  }
0x21: {  	s23 =	sadd.s32 @!p0 s4, s23;
	s28 =	sshrl.u32 @!p0 s28, $0x3;
	s24 =	sshll.u32 @!p0 s24, $0xA  }
0x22: {  	s23 =	sshrl.u32 @!p0 s23, $0x3;
	s28 =	sadd.s32 @!p0 s1, s28;
	s26 =	sshrl.u32 @!p0 s26, $0x2  }
0x23: {  	[tilespmem:s26], [sflag:$0x1] =	stream.strided.gather @!p0 [hbm4b:s28+s29], $0x4C00, s30, s29, $0x38;
	[tilespmem:$0xF080] =	vst v63  }
0x24: {  	s24 =	sadd.s32 @!p0 $0xE400, s24;
	s23 =	sadd.s32 @!p0 s3, s23;
	s29 =	smul.u32 $0x13000, s25  }
0x25: {  	s26 =	simm.s32 @!p0 $0x0;
	s30 =	smul.u32 $0x13, s25;
	s25 =	sshll.u32 s25, $0xA  }
0x26: {  	[tilespmem:s24], [sflag:$0x1] =	stream.linear.gather @!p0 [hbm4b:s23+s26], $0x400, $0x38;
	[tilespmem:$0xF080] =	vst v63  }
0x27: {  	s25 =	sadd.s32 $0xE400, s25;
	s24 =	sshrl.u32 s29, $0x2  }
0x28: {  	v5 =	vmov s30;
	v25 =	vmov s25;
	s31 =	sadd.s32 $0x400, s24;
	s28 =	sadd.s32 $0x800, s24;
	s29 =	sadd.s32 $0xC00, s24;
	v22 =	vmov s24  }
0x29: {  	s30 =	sadd.s32 $0x1000, s24;
	v6 =	vmov s31;
	v7 =	vmov s28;
	s31 =	sadd.s32 $0x1400, s24;
	v8 =	vmov s29;
	s29 =	sadd.s32 $0x1800, s24  }
0x2a: {  	v9 =	vmov s30;
	s30 =	sadd.s32 $0x1C00, s24;
	v10 =	vmov s31;
	s31 =	sadd.s32 $0x2000, s24;
	v11 =	vmov s29;
	s29 =	sadd.s32 $0x2400, s24  }
0x2b: {  	v12 =	vmov s30;
	s30 =	sadd.s32 $0x2800, s24;
	v13 =	vmov s31;
	s31 =	sadd.s32 $0x2C00, s24;
	v14 =	vmov s29;
	s29 =	sadd.s32 $0x3000, s24  }
0x2c: {  	v15 =	vmov s30;
	s30 =	sadd.s32 $0x3400, s24;
	v16 =	vmov s31;
	s31 =	sadd.s32 $0x3800, s24;
	v17 =	vmov s29;
	s29 =	sadd.s32 $0x3C00, s24  }
0x2d: {  	v18 =	vmov s30;
	s30 =	sadd.s32 $0x4000, s24;
	v19 =	vmov s31;
	v20 =	vmov s29;
	s31 =	sadd.s32 $0x4400, s24;
	s24 =	sadd.s32 $0x4800, s24  }
0x2e: {  	s23 =	simm.s32 $0x0;
	v21 =	vmov s30;
	v23 =	vmov s31;
	v24 =	vmov s24  }
.LBB2_3:
0x2f: {  	s24 =	sshll.u32 s23, $0x4  }
0x30: {  	v29 =	vld.idx.msk [tilespmem:v22+s24+$0x0 ss:$0x1], $0xffff  }
0x31: {  	v30 =	vld.idx.msk [tilespmem:v6+s24+$0x0 ss:$0x1], $0xffff  }
0x32: {  	v31 =	vld.idx.msk [tilespmem:v7+s24+$0x0 ss:$0x1], $0xffff  }
0x33: {  	v32 =	vld.idx.msk [tilespmem:v8+s24+$0x0 ss:$0x1], $0xffff  }
0x34: {  	v33 =	vld.idx.msk [tilespmem:v9+s24+$0x0 ss:$0x1], $0xffff  }
0x35: {  	v34 =	vld.idx.msk [tilespmem:v10+s24+$0x0 ss:$0x1], $0xffff;
	v29 =	vmul.f32 $1.442695020e+00, v29  }
0x36: {  	v35 =	vld.idx.msk [tilespmem:v11+s24+$0x0 ss:$0x1], $0xffff;
	v30 =	vmul.f32 $1.442695020e+00, v30  }
0x37: {  	(erf) = vpow2.f32 v29;
	v29 =	vmul.f32 $1.442695020e+00, v31;
	v31 =	vld.idx.msk [tilespmem:v12+s24+$0x0 ss:$0x1], $0xffff  }
0x38: {  	v53 =	vld.idx.msk [tilespmem:v13+s24+$0x0 ss:$0x1], $0xffff;
	(erf) = vpow2.f32 v30;
	v30 =	vmul.f32 $1.442695020e+00, v32  }
0x39: {  	v54 =	vld.idx.msk [tilespmem:v14+s24+$0x0 ss:$0x1], $0xffff;
	(erf) = vpow2.f32 v29;
	v29 =	vmul.f32 $1.442695020e+00, v33  }
0x3a: {  	v55 =	vld.idx.msk [tilespmem:v15+s24+$0x0 ss:$0x1], $0xffff;
	(erf) = vpow2.f32 v30;
	v30 =	vmul.f32 $1.442695020e+00, v34  }
0x3b: {  	v56 =	vld.idx.msk [tilespmem:v16+s24+$0x0 ss:$0x1], $0xffff;
	(erf) = vpow2.f32 v29;
	v29 =	vmul.f32 $1.442695020e+00, v35  }
0x3c: {  	(erf) = vpow2.f32 v30;
	v30 =	vmul.f32 $1.442695020e+00, v31;
	v31 =	vld.idx.msk [tilespmem:v17+s24+$0x0 ss:$0x1], $0xffff  }
0x3d: {  	v57 =	vld.idx.msk [tilespmem:v18+s24+$0x0 ss:$0x1], $0xffff;
	(erf) = vpow2.f32 v29;
	v29 =	vmul.f32 $1.442695020e+00, v53  }
0x3e: {  	v58 =	vld.idx.msk [tilespmem:v19+s24+$0x0 ss:$0x1], $0xffff;
	(erf) = vpow2.f32 v30;
	v30 =	vmul.f32 $1.442695020e+00, v54  }
0x3f: {  	v59 =	vld.idx.msk [tilespmem:v20+s24+$0x0 ss:$0x1], $0xffff;
	(erf) = vpow2.f32 v29;
	v29 =	vmul.f32 $1.442695020e+00, v55  }
0x40: {  	(erf) = vpow2.f32 v30;
	v30 =	vmul.f32 $1.442695020e+00, v56  }
0x41: {  	v36 =	vpop (erf);
	(erf) = vpow2.f32 v29;
	v29 =	vmul.f32 $1.442695020e+00, v31;
	v31 =	vld.idx.msk [tilespmem:v21+s24+$0x0 ss:$0x1], $0xffff  }
0x42: {  	v60 =	vpop (erf);
	(erf) = vpow2.f32 v30;
	v30 =	vmul.f32 $1.442695020e+00, v57  }
0x43: {  	v37 =	vpop (erf);
	(erf) = vpow2.f32 v29;
	v29 =	vmul.f32 $1.442695020e+00, v58  }
0x44: {  	v61 =	vld.idx.msk [tilespmem:v23+s24+$0x0 ss:$0x1], $0xffff;
	v38 =	vpop (erf);
	(erf) = vpow2.f32 v30;
	v30 =	vmul.f32 $1.442695020e+00, v59  }
0x45: {  	v62 =	vpop (erf);
	(erf) = vpow2.f32 v29;
	v29 =	vld.idx.msk [tilespmem:v24+s24+$0x0 ss:$0x1], $0xffff  }
0x46: {  	v63 =	vpop (erf);
	(erf) = vpow2.f32 v30;
	v30 =	vmul.f32 $1.442695020e+00, v31  }
0x47: {  	v39 =	vpop (erf)  }
0x48: {  	v31 =	vpop (erf)  }
0x49: {  	v32 =	vmul.f32 $1.442695020e+00, v61;
	v40 =	vpop (erf)  }
0x4a: {  	(erf) = vpow2.f32 v30;
	v30 =	vpop (erf);
	v29 =	vmul.f32 $1.442695020e+00, v29  }
0x4b: {  	(erf) = vpow2.f32 v32;
	v45 =	vpop (erf)  }
0x4c: {  	v41 =	vpop (erf)  }
0x4d: {  	v35 =	vadd.f32 v60, v36;
	v46 =	vadd.f32 v38, v37;
	(erf) = vpow2.f32 v29;
	v42 =	vpop (erf)  }
0x4e: {  	v33 =	vadd.f32 v63, v62;
	v29 =	vpop (erf)  }
0x4f: {  	v35 =	vadd.f32 v46, v35;
	v31 =	vadd.f32 v31, v39;
	v47 =	vpop (erf)  }
0x50: {  	v30 =	vadd.f32 v30, v40;
	v32 =	vadd.f32 v41, v45;
	v48 =	vpop (erf)  }
0x51: {  	v29 =	vadd.f32 v29, v42;
	v34 =	vadd.f32 v48, v47  }
0x52: {  	v31 =	vadd.f32 v31, v33;
	v30 =	vadd.f32 v32, v30  }
0x53: {  	v49 =	vpop (erf);
	v29 =	vadd.f32 v34, v29  }
0x54: {  	s29 =	sor.u32 $0x10, s24;
	v31 =	vadd.f32 v31, v35;
	v50 =	vpop (erf)  }
0x55: {  	v55 =	vld.idx.msk [tilespmem:v8+s29+$0x0 ss:$0x1], $0xffff;
	v51 =	vadd.f32 v50, v49;
	v29 =	vadd.f32 v29, v30  }
0x56: {  	v56 =	vld.idx.msk [tilespmem:v9+s29+$0x0 ss:$0x1], $0xffff;
	v30 =	vpop (erf)  }
0x57: {  	v60 =	vld.idx.msk [tilespmem:v12+s29+$0x0 ss:$0x1], $0xffff;
	v30 =	vadd.f32 v30, v51;
	v29 =	vadd.f32 v29, v31  }
0x58: {  	v62 =	vld.idx.msk [tilespmem:v13+s29+$0x0 ss:$0x1], $0xffff  }
0x59: {  	v31 =	vadd.f32 v30, v29;
	v30 =	vld.idx.msk [tilespmem:v22+s29+$0x0 ss:$0x1], $0xffff  }
0x5a: {  	v52 =	vld.idx.msk [tilespmem:v6+s29+$0x0 ss:$0x1], $0xffff  }
0x5b: {  	v54 =	vld.idx.msk [tilespmem:v7+s29+$0x0 ss:$0x1], $0xffff;
	v29 =	vand.u32 $0x7FFFFF, v31  }
0x5c: {  	v58 =	vld.idx.msk [tilespmem:v10+s29+$0x0 ss:$0x1], $0xffff;
	v61 =	vmul.f32 $1.442695020e+00, v55;
	v29 =	vor.u32 $0x3F800000, v29  }
0x5d: {  	v43 =	vld.idx.msk [tilespmem:v16+s29+$0x0 ss:$0x1], $0xffff;
	v63 =	vmul.f32 $1.442695020e+00, v56;
	v44 =	vmul.f32 $1.442695020e+00, v60;
	v29 =	vadd.f32 $-1.000000000e+00, v29  }
0x5e: {  	v46 =	vmul.f32 $1.442695020e+00, v62;
	v57 =	vmul.f32 $1.442695020e+00, v30  }
0x5f: {  	v59 =	vld.idx.msk [tilespmem:v11+s29+$0x0 ss:$0x1], $0xffff;
	v32 =	vmul.f32 $1.442695020e+00, v52;
	v53 =	vmul.f32 $1.011890170e-02, v29  }
0x60: {  	v40 =	vld.idx.msk [tilespmem:v14+s29+$0x0 ss:$0x1], $0xffff;
	v34 =	vmul.f32 $1.442695020e+00, v54;
	(erf) = vpow2.f32 v57  }
0x61: {  	v41 =	vmul.f32 $1.442695020e+00, v58;
	v45 =	vld.idx.msk [tilespmem:v17+s29+$0x0 ss:$0x1], $0xffff;
	v33 =	vadd.f32 $-5.262395370e-02, v53;
	(erf) = vpow2.f32 v32  }
0x62: {  	v42 =	vld.idx.msk [tilespmem:v15+s29+$0x0 ss:$0x1], $0xffff;
	v52 =	vmul.f32 $1.442695020e+00, v43;
	(erf) = vpow2.f32 v34  }
0x63: {  	v47 =	vld.idx.msk [tilespmem:v18+s29+$0x0 ss:$0x1], $0xffff;
	v30 =	vmul.f32 v33, v29;
	(erf) = vpow2.f32 v61  }
0x64: {  	v49 =	vld.idx.msk [tilespmem:v19+s29+$0x0 ss:$0x1], $0xffff;
	v33 =	vmul.f32 $1.442695020e+00, v59;
	(erf) = vpow2.f32 v63  }
0x65: {  	v48 =	vmul.f32 $1.442695020e+00, v40;
	v51 =	vld.idx.msk [tilespmem:v20+s29+$0x0 ss:$0x1], $0xffff;
	(erf) = vpow2.f32 v41  }
0x66: {  	v55 =	vld.idx.msk [tilespmem:v23+s29+$0x0 ss:$0x1], $0xffff;
	v54 =	vmul.f32 $1.442695020e+00, v45;
	(erf) = vpow2.f32 v33  }
0x67: {  	v50 =	vmul.f32 $1.442695020e+00, v42;
	v53 =	vld.idx.msk [tilespmem:v21+s29+$0x0 ss:$0x1], $0xffff;
	(erf) = vpow2.f32 v44  }
0x68: {  	v56 =	vmul.f32 $1.442695020e+00, v47;
	v57 =	vld.idx.msk [tilespmem:v24+s29+$0x0 ss:$0x1], $0xffff;
	(erf) = vpow2.f32 v46  }
0x69: {  	s25 =	sor.u32 $0x20, s24;
	v58 =	vmul.f32 $1.442695020e+00, v49;
	v39 =	vpop (erf);
	(erf) = vpow2.f32 v48  }
0x6a: {  	v60 =	vmul.f32 $1.442695020e+00, v51;
	v59 =	vld.idx.msk [tilespmem:v22+s25+$0x0 ss:$0x1], $0xffff;
	v40 =	vpop (erf);
	(erf) = vpow2.f32 v50  }
0x6b: {  	v51 =	vmul.f32 $1.442695020e+00, v55;
	v61 =	vld.idx.msk [tilespmem:v6+s25+$0x0 ss:$0x1], $0xffff;
	v41 =	vpop (erf);
	(erf) = vpow2.f32 v52  }
0x6c: {  	v63 =	vld.idx.msk [tilespmem:v7+s25+$0x0 ss:$0x1], $0xffff;
	v30 =	vadd.f32 $1.307633520e-01, v30;
	v62 =	vmul.f32 $1.442695020e+00, v53;
	v42 =	vpop (erf);
	(erf) = vpow2.f32 v54  }
0x6d: {  	v53 =	vmul.f32 $1.442695020e+00, v57;
	v43 =	vpop (erf);
	(erf) = vpow2.f32 v56  }
0x6e: {  	v30 =	vmul.f32 v30, v29;
	v52 =	vld.idx.msk [tilespmem:v8+s25+$0x0 ss:$0x1], $0xffff;
	v44 =	vpop (erf);
	(erf) = vpow2.f32 v58  }
0x6f: {  	v55 =	vmul.f32 $1.442695020e+00, v59;
	v54 =	vld.idx.msk [tilespmem:v9+s25+$0x0 ss:$0x1], $0xffff;
	v45 =	vpop (erf);
	(erf) = vpow2.f32 v60  }
0x70: {  	v57 =	vmul.f32 $1.442695020e+00, v61;
	v30 =	vadd.f32 $-2.228347210e-01, v30;
	v56 =	vld.idx.msk [tilespmem:v10+s25+$0x0 ss:$0x1], $0xffff;
	v46 =	vpop (erf);
	(erf) = vpow2.f32 v62  }
0x71: {  	v59 =	vmul.f32 $1.442695020e+00, v63;
	v58 =	vld.idx.msk [tilespmem:v11+s25+$0x0 ss:$0x1], $0xffff;
	v47 =	vpop (erf);
	(erf) = vpow2.f32 v51  }
0x72: {  	v30 =	vmul.f32 v30, v29;
	v60 =	vld.idx.msk [tilespmem:v12+s25+$0x0 ss:$0x1], $0xffff;
	v48 =	vpop (erf);
	(erf) = vpow2.f32 v53  }
0x73: {  	v37 =	vld.idx.msk [tilespmem:v13+s25+$0x0 ss:$0x1], $0xffff;
	v61 =	vmul.f32 $1.442695020e+00, v52;
	v49 =	vpop (erf);
	(erf) = vpow2.f32 v55  }
0x74: {  	v35 =	vld.idx.msk [tilespmem:v14+s25+$0x0 ss:$0x1], $0xffff;
	v62 =	vmul.f32 $1.442695020e+00, v54;
	v50 =	vpop (erf);
	(erf) = vpow2.f32 v57  }
0x75: {  	v39 =	vadd.f32 v40, v39;
	v63 =	vmul.f32 $1.442695020e+00, v56;
	v57 =	vld.idx.msk [tilespmem:v15+s25+$0x0 ss:$0x1], $0xffff;
	v51 =	vpop (erf);
	(erf) = vpow2.f32 v59  }
0x76: {  	v41 =	vadd.f32 v42, v41;
	v58 =	vmul.f32 $1.442695020e+00, v58;
	v59 =	vld.idx.msk [tilespmem:v16+s25+$0x0 ss:$0x1], $0xffff;
	v52 =	vpop (erf);
	(erf) = vpow2.f32 v61  }
0x77: {  	v30 =	vadd.f32 $3.269723650e-01, v30;
	v60 =	vmul.f32 $1.442695020e+00, v60;
	v61 =	vld.idx.msk [tilespmem:v17+s25+$0x0 ss:$0x1], $0xffff;
	v53 =	vpop (erf);
	(erf) = vpow2.f32 v62  }
0x78: {  	v43 =	vadd.f32 v44, v43;
	v62 =	vmul.f32 $1.442695020e+00, v37;
	v37 =	vld.idx.msk [tilespmem:v23+s25+$0x0 ss:$0x1], $0xffff;
	v54 =	vpop (erf);
	(erf) = vpow2.f32 v63  }
0x79: {  	v45 =	vadd.f32 v46, v45;
	v55 =	vmul.f32 $1.442695020e+00, v35;
	v63 =	vld.idx.msk [tilespmem:v18+s25+$0x0 ss:$0x1], $0xffff;
	v40 =	vpop (erf);
	(erf) = vpow2.f32 v58  }
0x7a: {  	v35 =	vld.idx.msk [tilespmem:v19+s25+$0x0 ss:$0x1], $0xffff;
	v46 =	vadd.f32 v48, v47;
	v56 =	vmul.f32 $1.442695020e+00, v57;
	v42 =	vpop (erf);
	(erf) = vpow2.f32 v60  }
0x7b: {  	v57 =	vld.idx.msk [tilespmem:v20+s25+$0x0 ss:$0x1], $0xffff;
	v58 =	vmul.f32 $1.442695020e+00, v59;
	v59 =	vadd.f32 v50, v49;
	v44 =	vpop (erf);
	(erf) = vpow2.f32 v62  }
0x7c: {  	v34 =	vld.idx.msk [tilespmem:v21+s25+$0x0 ss:$0x1], $0xffff;
	v60 =	vmul.f32 $1.442695020e+00, v61;
	v61 =	vadd.f32 v52, v51;
	v47 =	vpop (erf);
	(erf) = vpow2.f32 v55  }
0x7d: {  	v55 =	vadd.f32 v41, v39;
	v37 =	vmul.f32 $1.442695020e+00, v37;
	v48 =	vpop (erf);
	(erf) = vpow2.f32 v56  }
0x7e: {  	v38 =	vadd.f32 v59, v46;
	v59 =	vld.idx.msk [tilespmem:v25+s24+$0x0 ss:$0x1], $0xffff;
	v62 =	vmul.f32 $1.442695020e+00, v63;
	v50 =	vpop (erf);
	(erf) = vpow2.f32 v58  }
0x7f: {  	v63 =	vadd.f32 v54, v53;
	v54 =	vmul.f32 $1.442695020e+00, v35;
	v52 =	vpop (erf);
	(erf) = vpow2.f32 v60  }
0x80: {  	v56 =	vmul.f32 $1.442695020e+00, v57;
	v57 =	vadd.f32 v45, v43;
	v58 =	vld.idx.msk [tilespmem:v24+s25+$0x0 ss:$0x1], $0xffff;
	v39 =	vpop (erf);
	(erf) = vpow2.f32 v62  }
0x81: {  	v60 =	vadd.f32 v63, v61;
	v61 =	vmul.f32 $1.442695020e+00, v34;
	v41 =	vpop (erf);
	(erf) = vpow2.f32 v54  }
0x82: {  	v62 =	vadd.f32 v42, v40;
	v35 =	vadd.f32 v57, v55;
	v46 =	vpop (erf);
	(erf) = vpow2.f32 v56  }
0x83: {  	v49 =	vadd.f32 v60, v38;
	vm0 =	veq.s32 v59, $0xFF;
	v63 =	vpop (erf);
	(erf) = vpow2.f32 v61  }
0x84: {  	v60 =	vadd.f32 v52, v50;
	v34 =	vadd.f32 v44, v62;
	v51 =	vpop (erf);
	(erf) = vpow2.f32 v37  }
0x85: {  	v57 =	vsel vm0, $0x0, v59;
	v59 =	vadd.f32 v48, v47;
	v32 =	vmul.f32 $1.442695020e+00, v58;
	v53 =	vpop (erf)  }
0x86: {  	v39 =	vadd.f32 v41, v39;
	v35 =	vadd.f32 v49, v35;
	v54 =	vpop (erf)  }
0x87: {  	v40 =	vadd.f32 v63, v46;
	v50 =	vadd.f32 v60, v59;
	(erf) = vpow2.f32 v32;
	v55 =	vpop (erf)  }
0x88: {  	v34 =	vadd.f32 v34, v35;
	v32 =	vadd.s32 v5, v57;
	v57 =	vmul.f32 v30, v29;
	v56 =	vpop (erf)  }
0x89: {  	s28 =	sor.u32 $0x30, s24;
	v32 =	vshll.u32 v32, $0xA;
	v33 =	vadd.f32 v53, v51;
	v39 =	vadd.f32 v40, v39;
	v58 =	vpop (erf)  }
0x8a: {  	v63 =	vadd.s32 s24, v32;
	v48 =	vand.u32 $0x7FFFFF, v34;
	v59 =	vadd.f32 $-4.992063940e-01, v57;
	v57 =	vld.idx.msk [tilespmem:v13+s28+$0x0 ss:$0x1], $0xffff;
	v61 =	vpop (erf)  }
0x8b: {  	v36 =	vadd.f32 v55, v54;
	v37 =	vor.u32 v4, v63;
	v53 =	vadd.f32 v39, v50;
	v63 =	vld.idx.msk [tilespmem:v6+s28+$0x0 ss:$0x1], $0xffff;
	v62 =	vpop (erf)  }
0x8c: {  	v38 =	vor.u32 $0x3F800000, v48;
	v48 =	vld.idx.msk [tilespmem:v7+s28+$0x0 ss:$0x1], $0xffff;
	v46 =	vadd.f32 v58, v56;
	v47 =	vadd.f32 v62, v61;
	v49 =	vpop (erf)  }
0x8d: {  	v32 =	vadd.f32 $-1.000000000e+00, v38;
	v33 =	vadd.f32 v36, v33;
	v62 =	vld.idx.msk [tilespmem:v22+s28+$0x0 ss:$0x1], $0xffff;
	v51 =	vpop (erf)  }
0x8e: {  	v61 =	vshra.s32 v31, $0x17;
	v35 =	vadd.f32 v47, v46;
	v52 =	vadd.f32 v51, v49;
	v49 =	vld.idx.msk [tilespmem:v8+s28+$0x0 ss:$0x1], $0xffff  }
0x8f: {  	v54 =	vor.u32 v3, v37;
	v55 =	vmul.f32 $1.011890170e-02, v32;
	v39 =	vadd.s32 $0xFFFFFF81, v61;
	v61 =	vld.idx.msk [tilespmem:v15+s28+$0x0 ss:$0x1], $0xffff  }
0x90: {  	v56 =	vpop (erf);
	v51 =	vld.idx.msk [tilespmem:v9+s28+$0x0 ss:$0x1], $0xffff;
	v33 =	vadd.f32 v35, v33;
	v35 =	vmul.f32 v59, v29  }
0x91: {  	v37 =	vadd.f32 $-5.262395370e-02, v55;
	v40 =	vmul.f32 $1.442695020e+00, v63;
	v36 =	vadd.f32 v56, v52;
	v59 =	vld.idx.msk [tilespmem:v14+s28+$0x0 ss:$0x1], $0xffff  }
0x92: {  	v39 =	vcvt.s32.f32 v39;
	v52 =	vld.idx.msk [tilespmem:v10+s28+$0x0 ss:$0x1], $0xffff;
	v33 =	vadd.f32 v33, v53;
	v35 =	vadd.f32 $9.999574420e-01, v35  }
0x93: {  	v58 =	vmul.f32 v37, v32;
	v53 =	vld.idx.msk [tilespmem:v11+s28+$0x0 ss:$0x1], $0xffff;
	v56 =	vmul.f32 $1.442695020e+00, v49  }
0x94: {  	v49 =	vmul.f32 $1.442695020e+00, v57;
	v30 =	vadd.f32 v36, v33;
	v36 =	vld.idx.msk [tilespmem:v54+s5+$0x0], $0xffff;
	v29 =	vmul.f32 v35, v29  }
0x95: {  	v33 =	vadd.f32 $1.307633520e-01, v58;
	v35 =	vmul.f32 $6.931471820e-01, v39;
	v54 =	vmul.f32 $1.442695020e+00, v48;
	v48 =	vld.idx.msk [tilespmem:v17+s28+$0x0 ss:$0x1], $0xffff  }
0x96: {  	v58 =	vmul.f32 $1.442695020e+00, v51;
	v51 =	vmul.f32 $1.442695020e+00, v59;
	v60 =	vand.u32 $0x7FFFFF, v30  }
0x97: {  	v33 =	vmul.f32 v33, v32;
	v30 =	vshra.s32 v30, $0x17;
	v37 =	vor.u32 $0x3F800000, v60  }
0x98: {  	v55 =	vld.idx.msk [tilespmem:v12+s28+$0x0 ss:$0x1], $0xffff;
	v60 =	vmul.f32 $1.442695020e+00, v52;
	v31 =	vadd.f32 $-1.000000000e+00, v37;
	v37 =	vmul.f32 $1.442695020e+00, v62  }
0x99: {  	v63 =	vld.idx.msk [tilespmem:v16+s28+$0x0 ss:$0x1], $0xffff;
	v30 =	vadd.s32 $0xFFFFFF81, v30;
	v62 =	vmul.f32 $1.442695020e+00, v53;
	v53 =	vmul.f32 $1.442695020e+00, v61  }
0x9a: {  	v38 =	vld.idx.msk [tilespmem:v25+s29+$0x0 ss:$0x1], $0xffff;
	v33 =	vadd.f32 $-2.228347210e-01, v33;
	v30 =	vcvt.s32.f32 v30;
	v57 =	vmul.f32 $1.442695020e+00, v48  }
0x9b: {  	v47 =	vmul.f32 $1.011890170e-02, v31;
	(erf) = vpow2.f32 v37  }
0x9c: {  	v52 =	vld.idx.msk [tilespmem:v19+s28+$0x0 ss:$0x1], $0xffff;
	v33 =	vmul.f32 v33, v32;
	(erf) = vpow2.f32 v40  }
0x9d: {  	v50 =	vadd.f32 $-5.262395370e-02, v47;
	(erf) = vpow2.f32 v54;
	v47 =	vmul.f32 $1.442695020e+00, v55;
	v54 =	vld.idx.msk [tilespmem:v20+s28+$0x0 ss:$0x1], $0xffff  }
0x9e: {  	v55 =	vmul.f32 $1.442695020e+00, v63;
	v63 =	vld.idx.msk [tilespmem:v24+s28+$0x0 ss:$0x1], $0xffff;
	(erf) = vpow2.f32 v56  }
0x9f: {  	vm8 =	veq.s32 v38, $0xFF;
	v30 =	vmul.f32 $6.931471820e-01, v30;
	v56 =	vld.idx.msk [tilespmem:v21+s28+$0x0 ss:$0x1], $0xffff;
	(erf) = vpow2.f32 v58  }
0xa0: {  	v29 =	vadd.f32 $5.629329960e-07, v29;
	v39 =	vmul.f32 v50, v31;
	v50 =	vld.idx.msk [tilespmem:v18+s28+$0x0 ss:$0x1], $0xffff;
	(erf) = vpow2.f32 v60  }
0xa1: {  	v38 =	vsel vm8, $0x0, v38;
	v58 =	vld.idx.msk [tilespmem:v23+s28+$0x0 ss:$0x1], $0xffff;
	v60 =	vmul.f32 $1.442695020e+00, v52;
	(erf) = vpow2.f32 v62  }
0xa2: {  	v29 =	vadd.f32 v29, v35;
	(erf) = vpow2.f32 v47;
	v61 =	vmul.f32 $1.442695020e+00, v54  }
0xa3: {  	s26 =	sor.u32 $0x40, s24;
	v35 =	vsel vm0, $0x0, v1;
	v45 =	vmul.f32 $1.442695020e+00, v63;
	(erf) = vpow2.f32 v49  }
0xa4: {  	v29 =	vsub.f32 v29, v36;
	v63 =	vld.idx.msk [tilespmem:v8+s26+$0x0 ss:$0x1], $0xffff;
	v62 =	vmul.f32 $1.442695020e+00, v56;
	(erf) = vpow2.f32 v51  }
0xa5: {  	v33 =	vadd.f32 $3.269723650e-01, v33;
	v59 =	vmul.f32 $1.442695020e+00, v50;
	(erf) = vpow2.f32 v53  }
0xa6: {  	v39 =	vadd.f32 $1.307633520e-01, v39;
	v46 =	vpop (erf);
	v54 =	vmul.f32 $1.442695020e+00, v58;
	(erf) = vpow2.f32 v55  }
0xa7: {  	v38 =	vadd.s32 v5, v38;
	v47 =	vpop (erf);
	v55 =	vmul.f32 v33, v32;
	v33 =	vmul.f32 v29, v35  }
0xa8: {  	v56 =	vshll.u32 v38, $0xA;
	v36 =	vpop (erf);
	(erf) = vpow2.f32 v57;
	v57 =	vmul.f32 v39, v31  }
0xa9: {  	v58 =	vadd.s32 s29, v56;
	v43 =	vpop (erf);
	v63 =	vmul.f32 $1.442695020e+00, v63;
	(erf) = vpow2.f32 v59  }
0xaa: {  	v39 =	vld.idx.msk [tilespmem:v22+s26+$0x0 ss:$0x1], $0xffff;
	v41 =	vpop (erf);
	v29 =	vadd.f32 $-4.992063940e-01, v55;
	v36 =	vadd.f32 v43, v36;
	vm2 =	vgt.f32 v33, $3.566749390e-01  }
0xab: {  	v59 =	vld.idx.msk [tilespmem:v6+s26+$0x0 ss:$0x1], $0xffff;
	v44 =	vpop (erf);
	(erf) = vpow2.f32 v60;
	v60 =	vshra.s32 v34, $0x17;
	v37 =	vadd.f32 $-2.228347210e-01, v57  }
0xac: {  	v34 =	vor.u32 v0, v58;
	v48 =	vpop (erf);
	(erf) = vpow2.f32 v61;
	v29 =	vmul.f32 v29, v32  }
0xad: {  	v61 =	vld.idx.msk [tilespmem:v7+s26+$0x0 ss:$0x1], $0xffff;
	v40 =	vadd.s32 $0xFFFFFF81, v60;
	v49 =	vpop (erf);
	(erf) = vpow2.f32 v62;
	v37 =	vmul.f32 v37, v31  }
0xae: {  	v41 =	vadd.f32 v44, v41;
	v40 =	vcvt.s32.f32 v40;
	v38 =	vpop (erf);
	(erf) = vpow2.f32 v54  }
0xaf: {  	v43 =	vld.idx.msk [tilespmem:v10+s26+$0x0 ss:$0x1], $0xffff;
	v39 =	vmul.f32 $1.442695020e+00, v39;
	v48 =	vadd.f32 v49, v48;
	v29 =	vadd.f32 $9.999574420e-01, v29;
	v42 =	vpop (erf)  }
0xb0: {  	v54 =	vld.idx.msk [tilespmem:v13+s26+$0x0 ss:$0x1], $0xffff;
	(erf) = vpow2.f32 v45;
	v59 =	vmul.f32 $1.442695020e+00, v59;
	v37 =	vadd.f32 $3.269723650e-01, v37;
	v52 =	vpop (erf)  }
0xb1: {  	v45 =	vadd.f32 v47, v46;
	v46 =	vld.idx.msk [tilespmem:v9+s26+$0x0 ss:$0x1], $0xffff;
	v40 =	vmul.f32 $6.931471820e-01, v40;
	(erf) = vpow2.f32 v39;
	v62 =	vpop (erf)  }
0xb2: {  	v49 =	vld.idx.msk [tilespmem:v11+s26+$0x0 ss:$0x1], $0xffff;
	v38 =	vadd.f32 v42, v38;
	v61 =	vmul.f32 $1.442695020e+00, v61;
	v37 =	vmul.f32 v37, v31;
	v55 =	vpop (erf)  }
0xb3: {  	v41 =	vadd.f32 v48, v41;
	(erf) = vpow2.f32 v59;
	v51 =	vadd.f32 v62, v52;
	v52 =	vld.idx.msk [tilespmem:v12+s26+$0x0 ss:$0x1], $0xffff;
	v57 =	vpop (erf)  }
0xb4: {  	v32 =	vmul.f32 v29, v32;
	v59 =	vld.idx.msk [tilespmem:v14+s26+$0x0 ss:$0x1], $0xffff;
	(erf) = vpow2.f32 v61;
	v37 =	vadd.f32 $-4.992063940e-01, v37;
	v58 =	vpop (erf)  }
0xb5: {  	v36 =	vadd.f32 v36, v45;
	v61 =	vld.idx.msk [tilespmem:v15+s26+$0x0 ss:$0x1], $0xffff;
	v56 =	vmul.f32 $1.442695020e+00, v54;
	(erf) = vpow2.f32 v63;
	v60 =	vpop (erf)  }
0xb6: {  	v63 =	vld.idx.msk [tilespmem:v16+s26+$0x0 ss:$0x1], $0xffff;
	v37 =	vmul.f32 v37, v31;
	v44 =	vadd.f32 v60, v58;
	v58 =	vmul.f32 $1.442695020e+00, v46  }
0xb7: {  	v47 =	vadd.f32 v57, v55;
	v38 =	vadd.f32 v51, v38;
	v62 =	vpop (erf);
	v60 =	vmul.f32 $1.442695020e+00, v43  }
0xb8: {  	v55 =	vld.idx.msk [tilespmem:v17+s26+$0x0 ss:$0x1], $0xffff;
	v57 =	vpop (erf);
	v53 =	vmul.f32 $1.442695020e+00, v52;
	v37 =	vadd.f32 $9.999574420e-01, v37;
	(erf) = vpow2.f32 v58  }
0xb9: {  	v54 =	vld.idx.msk [tilespmem:v21+s26+$0x0 ss:$0x1], $0xffff;
	v50 =	vadd.f32 v57, v62;
	v62 =	vmul.f32 $1.442695020e+00, v49;
	v58 =	vmul.f32 $1.442695020e+00, v59  }
0xba: {  	v57 =	vld.idx.msk [tilespmem:v18+s26+$0x0 ss:$0x1], $0xffff;
	v44 =	vadd.f32 v44, v47;
	v61 =	vmul.f32 $1.442695020e+00, v61;
	(erf) = vpow2.f32 v60  }
0xbb: {  	v36 =	vadd.f32 v41, v36;
	v59 =	vld.idx.msk [tilespmem:v19+s26+$0x0 ss:$0x1], $0xffff;
	v63 =	vmul.f32 $1.442695020e+00, v63;
	(erf) = vpow2.f32 v62  }
0xbc: {  	v31 =	vmul.f32 v37, v31;
	v60 =	vpop (erf);
	v38 =	vadd.f32 v44, v38;
	(erf) = vpow2.f32 v53  }
0xbd: {  	v62 =	vld.idx.msk [tilespmem:v20+s26+$0x0 ss:$0x1], $0xffff;
	v52 =	vadd.f32 v60, v50;
	v53 =	vmul.f32 $1.442695020e+00, v55;
	(erf) = vpow2.f32 v56  }
0xbe: {  	v43 =	vpop (erf);
	v60 =	vmul.f32 $1.442695020e+00, v54;
	v36 =	vadd.f32 v38, v36;
	v56 =	vld.idx.msk [tilespmem:v23+s26+$0x0 ss:$0x1], $0xffff;
	(erf) = vpow2.f32 v58  }
0xbf: {  	v32 =	vadd.f32 $5.629329960e-07, v32;
	v45 =	vpop (erf);
	v55 =	vmul.f32 $1.442695020e+00, v57;
	v58 =	vld.idx.msk [tilespmem:v25+s25+$0x0 ss:$0x1], $0xffff;
	(erf) = vpow2.f32 v61  }
0xc0: {  	v48 =	vpop (erf);
	v57 =	vmul.f32 $1.442695020e+00, v59;
	v59 =	vld.idx.msk [tilespmem:v24+s26+$0x0 ss:$0x1], $0xffff;
	v38 =	vadd.f32 v52, v36;
	(erf) = vpow2.f32 v63  }
0xc1: {  	v31 =	vadd.f32 $5.629329960e-07, v31;
	v43 =	vadd.f32 v45, v43;
	v50 =	vpop (erf);
	(erf) = vpow2.f32 v53  }
0xc2: {  	v41 =	vmul.f32 $1.442695020e+00, v62;
	v44 =	vand.u32 $0x7FFFFF, v38;
	v36 =	vpop (erf);
	(erf) = vpow2.f32 v55  }
0xc3: {  	v44 =	vor.u32 $0x3F800000, v44;
	v49 =	vmul.f32 $1.442695020e+00, v56;
	v42 =	vpop (erf);
	(erf) = vpow2.f32 v57  }
0xc4: {  	v29 =	vadd.f32 $-1.000000000e+00, v44;
	vm1 =	veq.s32 v58, $0xFF;
	v51 =	vpop (erf);
	(erf) = vpow2.f32 v41  }
0xc5: {  	v39 =	vmul.f32 $1.442695020e+00, v59;
	v59 =	vadd.f32 v50, v48;
	v46 =	vsel vm1, $0x0, v58;
	v61 =	vpop (erf)  }
0xc6: {  	v36 =	vadd.f32 v42, v36;
	(erf) = vpow2.f32 v60;
	v62 =	vmul.f32 $1.011890170e-02, v29;
	v44 =	vpop (erf)  }
0xc7: {  	s30 =	sor.u32 $0x50, s24;
	v46 =	vadd.s32 v5, v46;
	v43 =	vadd.f32 v59, v43;
	(erf) = vpow2.f32 v49;
	v41 =	vpop (erf)  }
0xc8: {  	v59 =	vld.idx.msk [tilespmem:v22+s30+$0x0 ss:$0x1], $0xffff;
	v57 =	vshll.u32 v46, $0xA;
	v61 =	vadd.f32 v61, v51;
	v49 =	vadd.f32 $-5.262395370e-02, v62;
	v52 =	vpop (erf)  }
0xc9: {  	v30 =	vadd.f32 v31, v30;
	(erf) = vpow2.f32 v39;
	v39 =	vadd.s32 s25, v57;
	v63 =	vpop (erf)  }
0xca: {  	v34 =	vld.idx.msk [tilespmem:v34+s5+$0x0], $0xffff;
	v36 =	vadd.f32 v61, v36;
	v54 =	vpop (erf);
	v63 =	vadd.f32 v63, v52;
	v52 =	vmul.f32 v49, v29  }
0xcb: {  	v31 =	vsel vm8, $0x0, v1;
	v39 =	vor.u32 v0, v39;
	v41 =	vadd.f32 v41, v44;
	v44 =	vld.idx.msk [tilespmem:v25+s28+$0x0 ss:$0x1], $0xffff;
	v58 =	vpop (erf)  }
0xcc: {  	v38 =	vshra.s32 v38, $0x17;
	v61 =	vld.idx.msk [tilespmem:v6+s30+$0x0 ss:$0x1], $0xffff;
	v36 =	vadd.f32 v36, v43;
	v60 =	vpop (erf);
	v56 =	vadd.f32 $1.307633520e-01, v52  }
0xcd: {  	v45 =	vmul.f32 $1.442695020e+00, v59;
	v46 =	vadd.f32 v58, v54;
	v58 =	vadd.f32 v32, v40;
	v40 =	vld.idx.msk [tilespmem:v25+s26+$0x0 ss:$0x1], $0xffff;
	v62 =	vpop (erf)  }
0xce: {  	v43 =	vsel vm2, $0x3F800000, v2;
	v47 =	vadd.f32 v62, v60;
	v37 =	vmul.f32 v56, v29;
	v62 =	vld.idx.msk [tilespmem:v7+s30+$0x0 ss:$0x1], $0xffff  }
0xcf: {  	v28 =	vadd.f32 v43, v28;
	v41 =	vadd.f32 v63, v41;
	v52 =	vld.idx.msk [tilespmem:v8+s30+$0x0 ss:$0x1], $0xffff;
	(erf) = vpow2.f32 v45;
	v53 =	vpop (erf)  }
0xd0: {  	v39 =	vld.idx.msk [tilespmem:v39+s5+$0x0], $0xffff;
	vm9 =	veq.s32 v44, $0xFF;
	v54 =	vpop (erf);
	v55 =	vadd.f32 v47, v46;
	v37 =	vadd.f32 $-2.228347210e-01, v37  }
0xd1: {  	v34 =	vsub.f32 v58, v34;
	v44 =	vsel vm9, $0x0, v44;
	v42 =	vadd.f32 v54, v53;
	v54 =	vld.idx.msk [tilespmem:v10+s30+$0x0 ss:$0x1], $0xffff  }
0xd2: {  	v46 =	vmul.f32 v43, v33;
	v43 =	vld.idx.msk [tilespmem:v24+s30+$0x0 ss:$0x1], $0xffff;
	v41 =	vadd.f32 v55, v41;
	v60 =	vmul.f32 v37, v29  }
0xd3: {  	v44 =	vadd.s32 v5, v44;
	v57 =	vpop (erf);
	v37 =	vmul.f32 $1.442695020e+00, v61;
	v56 =	vmul.f32 $1.442695020e+00, v62;
	v62 =	vld.idx.msk [tilespmem:v15+s30+$0x0 ss:$0x1], $0xffff  }
0xd4: {  	v53 =	vld.idx.msk [tilespmem:v9+s30+$0x0 ss:$0x1], $0xffff;
	v44 =	vshll.u32 v44, $0xA;
	v42 =	vadd.f32 v57, v42;
	v36 =	vadd.f32 v41, v36  }
0xd5: {  	v58 =	vmul.f32 $1.442695020e+00, v52;
	v39 =	vsub.f32 v30, v39;
	v57 =	vld.idx.msk [tilespmem:v12+s30+$0x0 ss:$0x1], $0xffff;
	(erf) = vpow2.f32 v37  }
0xd6: {  	v63 =	vadd.f32 $3.269723650e-01, v60;
	v60 =	vld.idx.msk [tilespmem:v14+s30+$0x0 ss:$0x1], $0xffff;
	(erf) = vpow2.f32 v56;
	v32 =	vadd.f32 v42, v36  }
0xd7: {  	v30 =	vsel vm1, $0x0, v1;
	v55 =	vld.idx.msk [tilespmem:v11+s30+$0x0 ss:$0x1], $0xffff;
	v61 =	vmul.f32 $1.442695020e+00, v54;
	v43 =	vmul.f32 $1.442695020e+00, v43  }
0xd8: {  	v52 =	vld.idx.msk [tilespmem:v16+s30+$0x0 ss:$0x1], $0xffff;
	(erf) = vpow2.f32 v58;
	v36 =	vand.u32 $0x7FFFFF, v32;
	v62 =	vmul.f32 $1.442695020e+00, v62  }
0xd9: {  	v59 =	vld.idx.msk [tilespmem:v13+s30+$0x0 ss:$0x1], $0xffff;
	v42 =	vor.u32 $0x3F800000, v36;
	v36 =	vmul.f32 v34, v31;
	v34 =	vmul.f32 v39, v30  }
0xda: {  	v44 =	vadd.s32 s28, v44;
	v54 =	vld.idx.msk [tilespmem:v17+s30+$0x0 ss:$0x1], $0xffff;
	v39 =	vmul.f32 $1.442695020e+00, v53;
	v53 =	vmul.f32 $1.442695020e+00, v57  }
0xdb: {  	v60 =	vmul.f32 $1.442695020e+00, v60;
	v33 =	vadd.f32 $-1.000000000e+00, v42;
	v42 =	vmul.f32 v63, v29  }
0xdc: {  	vm12 =	veq.s32 v40, $0xFF;
	v63 =	vmul.f32 $1.442695020e+00, v55;
	(erf) = vpow2.f32 v39  }
0xdd: {  	v40 =	vsel vm12, $0x0, v40;
	v57 =	vmul.f32 $1.442695020e+00, v52;
	(erf) = vpow2.f32 v61  }
0xde: {  	v56 =	vld.idx.msk [tilespmem:v18+s30+$0x0 ss:$0x1], $0xffff;
	v32 =	vshra.s32 v32, $0x17;
	v55 =	vmul.f32 $1.442695020e+00, v59;
	(erf) = vpow2.f32 v63  }
0xdf: {  	v32 =	vadd.s32 $0xFFFFFF81, v32;
	v47 =	vmul.f32 $1.442695020e+00, v54;
	v61 =	vld.idx.msk [tilespmem:v19+s30+$0x0 ss:$0x1], $0xffff;
	(erf) = vpow2.f32 v53  }
0xe0: {  	v40 =	vadd.s32 v5, v40;
	v32 =	vcvt.s32.f32 v32;
	v63 =	vld.idx.msk [tilespmem:v20+s30+$0x0 ss:$0x1], $0xffff;
	(erf) = vpow2.f32 v55  }
0xe1: {  	v40 =	vshll.u32 v40, $0xA;
	v58 =	vld.idx.msk [tilespmem:v21+s30+$0x0 ss:$0x1], $0xffff;
	v41 =	vmul.f32 $1.011890170e-02, v33;
	(erf) = vpow2.f32 v60  }
0xe2: {  	v49 =	vpop (erf);
	v40 =	vadd.s32 s26, v40;
	v59 =	vld.idx.msk [tilespmem:v23+s30+$0x0 ss:$0x1], $0xffff;
	v32 =	vmul.f32 $6.931471820e-01, v32;
	(erf) = vpow2.f32 v62  }
0xe3: {  	s31 =	sor.u32 $0x60, s24;
	v39 =	vadd.f32 v46, v27;
	v51 =	vpop (erf);
	v60 =	vmul.f32 $1.442695020e+00, v56;
	(erf) = vpow2.f32 v57  }
0xe4: {  	v27 =	vadd.f32 v35, v26;
	v53 =	vpop (erf);
	v45 =	vmul.f32 $1.442695020e+00, v61;
	v61 =	vld.idx.msk [tilespmem:v22+s31+$0x0 ss:$0x1], $0xffff;
	(erf) = vpow2.f32 v47  }
0xe5: {  	v48 =	vld.idx.msk [tilespmem:v6+s31+$0x0 ss:$0x1], $0xffff;
	vm10 =	vgt.f32 v36, $3.566749390e-01;
	v46 =	vpop (erf);
	v62 =	vmul.f32 $1.442695020e+00, v63;
	(erf) = vpow2.f32 v60  }
0xe6: {  	vm11 =	vgt.f32 v34, $3.566749390e-01;
	v63 =	vmul.f32 $1.442695020e+00, v58;
	v54 =	vpop (erf);
	(erf) = vpow2.f32 v45;
	v45 =	vld.idx.msk [tilespmem:v7+s31+$0x0 ss:$0x1], $0xffff  }
0xe7: {  	v52 =	vld.idx.msk [tilespmem:v8+s31+$0x0 ss:$0x1], $0xffff;
	v26 =	vsel vm10, $0x3F800000, v2;
	v60 =	vmul.f32 $1.442695020e+00, v59;
	v55 =	vpop (erf);
	(erf) = vpow2.f32 v62  }
0xe8: {  	v28 =	vadd.f32 v26, v28;
	v26 =	vmul.f32 v26, v36;
	v57 =	vld.idx.msk [tilespmem:v9+s31+$0x0 ss:$0x1], $0xffff;
	v50 =	vpop (erf);
	(erf) = vpow2.f32 v63  }
0xe9: {  	v35 =	vor.u32 v0, v44;
	v59 =	vld.idx.msk [tilespmem:v10+s31+$0x0 ss:$0x1], $0xffff;
	v47 =	vmul.f32 $1.442695020e+00, v61;
	v56 =	vpop (erf);
	(erf) = vpow2.f32 v60  }
0xea: {  	v37 =	vsel vm11, $0x3F800000, v2;
	v61 =	vmul.f32 $1.442695020e+00, v48;
	v62 =	vld.idx.msk [tilespmem:v11+s31+$0x0 ss:$0x1], $0xffff;
	v58 =	vpop (erf);
	(erf) = vpow2.f32 v43  }
0xeb: {  	v42 =	vadd.f32 $-4.992063940e-01, v42;
	v60 =	vpop (erf);
	(erf) = vpow2.f32 v47;
	v45 =	vmul.f32 $1.442695020e+00, v45  }
0xec: {  	v49 =	vadd.f32 v51, v49;
	v63 =	vmul.f32 $1.442695020e+00, v52;
	v52 =	vld.idx.msk [tilespmem:v13+s31+$0x0 ss:$0x1], $0xffff;
	v44 =	vpop (erf);
	(erf) = vpow2.f32 v61  }
0xed: {  	v41 =	vadd.f32 $-5.262395370e-02, v41;
	v47 =	vld.idx.msk [tilespmem:v12+s31+$0x0 ss:$0x1], $0xffff;
	v51 =	vpop (erf);
	v61 =	vmul.f32 $1.442695020e+00, v57;
	(erf) = vpow2.f32 v45  }
0xee: {  	v46 =	vadd.f32 v46, v53;
	v43 =	vmul.f32 $1.442695020e+00, v59;
	v57 =	vld.idx.msk [tilespmem:v14+s31+$0x0 ss:$0x1], $0xffff;
	v53 =	vpop (erf);
	(erf) = vpow2.f32 v63  }
0xef: {  	v54 =	vadd.f32 v55, v54;
	v48 =	vld.idx.msk [tilespmem:v16+s31+$0x0 ss:$0x1], $0xffff;
	v45 =	vmul.f32 $1.442695020e+00, v62;
	v55 =	vpop (erf);
	(erf) = vpow2.f32 v61  }
0xf0: {  	v42 =	vmul.f32 v42, v29;
	v50 =	vadd.f32 v56, v50;
	v59 =	vld.idx.msk [tilespmem:v15+s31+$0x0 ss:$0x1], $0xffff;
	v56 =	vpop (erf);
	(erf) = vpow2.f32 v43  }
0xf1: {  	v27 =	vadd.f32 v31, v27;
	v58 =	vadd.f32 v60, v58;
	v60 =	vpop (erf);
	(erf) = vpow2.f32 v45;
	v45 =	vld.idx.msk [tilespmem:v18+s31+$0x0 ss:$0x1], $0xffff  }
0xf2: {  	v41 =	vmul.f32 v41, v33;
	v42 =	vadd.f32 $9.999574420e-01, v42;
	v43 =	vmul.f32 $1.442695020e+00, v47;
	v47 =	vld.idx.msk [tilespmem:v17+s31+$0x0 ss:$0x1], $0xffff  }
0xf3: {  	v62 =	vmul.f32 $1.442695020e+00, v52;
	v52 =	vadd.f32 v55, v53;
	v55 =	vld.idx.msk [tilespmem:v19+s31+$0x0 ss:$0x1], $0xffff;
	v61 =	vpop (erf);
	v63 =	vmul.f32 $1.442695020e+00, v57  }
0xf4: {  	v46 =	vadd.f32 v46, v49;
	v53 =	vpop (erf);
	(erf) = vpow2.f32 v43;
	v43 =	vmul.f32 $1.442695020e+00, v48;
	v48 =	vld.idx.msk [tilespmem:v21+s31+$0x0 ss:$0x1], $0xffff  }
0xf5: {  	v41 =	vadd.f32 $1.307633520e-01, v41;
	v57 =	vpop (erf);
	(erf) = vpow2.f32 v62;
	v62 =	vmul.f32 $1.442695020e+00, v59;
	v59 =	vld.idx.msk [tilespmem:v20+s31+$0x0 ss:$0x1], $0xffff  }
0xf6: {  	v56 =	vadd.f32 v60, v56;
	v60 =	vld.idx.msk [tilespmem:v23+s31+$0x0 ss:$0x1], $0xffff;
	v49 =	vpop (erf);
	(erf) = vpow2.f32 v63;
	v45 =	vmul.f32 $1.442695020e+00, v45  }
0xf7: {  	v50 =	vadd.f32 v50, v54;
	v54 =	vpop (erf);
	(erf) = vpow2.f32 v62;
	v47 =	vmul.f32 $1.442695020e+00, v47  }
0xf8: {  	v51 =	vadd.f32 v51, v44;
	v63 =	vmul.f32 $1.442695020e+00, v55;
	(erf) = vpow2.f32 v43;
	v43 =	vpop (erf)  }
0xf9: {  	v44 =	vadd.s32 $0xFFFFFF81, v38;
	(erf) = vpow2.f32 v47;
	v38 =	vpop (erf);
	v48 =	vmul.f32 $1.442695020e+00, v48  }
0xfa: {  	v51 =	vadd.f32 v51, v58;
	(erf) = vpow2.f32 v45;
	v62 =	vmul.f32 $1.442695020e+00, v59;
	v45 =	vpop (erf)  }
0xfb: {  	v52 =	vadd.f32 v56, v52;
	(erf) = vpow2.f32 v63;
	v63 =	vmul.f32 $1.442695020e+00, v60;
	v60 =	vld.idx.msk [tilespmem:v24+s31+$0x0 ss:$0x1], $0xffff;
	v47 =	vpop (erf)  }
0xfc: {  	v29 =	vmul.f32 v42, v29;
	v46 =	vadd.f32 v50, v46;
	(erf) = vpow2.f32 v62;
	v55 =	vpop (erf)  }
0xfd: {  	s29 =	sor.u32 $0x70, s24;
	v44 =	vcvt.s32.f32 v44;
	v62 =	vadd.f32 v52, v51;
	(erf) = vpow2.f32 v48;
	v56 =	vpop (erf)  }
0xfe: {  	v53 =	vadd.f32 v53, v61;
	v49 =	vadd.f32 v54, v49;
	v54 =	vld.idx.msk [tilespmem:v6+s29+$0x0 ss:$0x1], $0xffff;
	(erf) = vpow2.f32 v63;
	v58 =	vpop (erf)  }
0xff: {  	v29 =	vadd.f32 $5.629329960e-07, v29;
	v44 =	vmul.f32 $6.931471820e-01, v44;
	v51 =	vld.idx.msk [tilespmem:v25+s30+$0x0 ss:$0x1], $0xffff;
	v46 =	vadd.f32 v62, v46;
	v52 =	vpop (erf)  }
0x100: {  	v53 =	vadd.f32 v57, v53;
	v45 =	vadd.f32 v47, v45;
	v47 =	vld.idx.msk [tilespmem:v7+s29+$0x0 ss:$0x1], $0xffff;
	v48 =	vmul.f32 $1.442695020e+00, v60;
	v59 =	vpop (erf)  }
0x101: {  	v34 =	vmul.f32 v37, v34;
	v29 =	vadd.f32 v29, v44;
	v38 =	vadd.f32 v38, v43;
	v50 =	vpop (erf)  }
0x102: {  	v60 =	vor.u32 v0, v40;
	v40 =	vmul.f32 v41, v33;
	v41 =	vadd.f32 v53, v46;
	v53 =	vld.idx.msk [tilespmem:v22+s29+$0x0 ss:$0x1], $0xffff;
	v57 =	vpop (erf)  }
0x103: {  	v38 =	vadd.f32 v38, v49;
	v49 =	vmul.f32 $1.442695020e+00, v54;
	v55 =	vadd.f32 v56, v55;
	v46 =	vpop (erf)  }
0x104: {  	vm3 =	veq.s32 v51, $0xFF;
	v52 =	vadd.f32 v52, v58;
	(erf) = vpow2.f32 v48;
	v48 =	vpop (erf)  }
0x105: {  	v58 =	vld.idx.msk [tilespmem:v8+s29+$0x0 ss:$0x1], $0xffff;
	v45 =	vadd.f32 v55, v45;
	v51 =	vsel vm3, $0x0, v51;
	v47 =	vmul.f32 $1.442695020e+00, v47;
	v63 =	vpop (erf)  }
0x106: {  	v40 =	vadd.f32 $-2.228347210e-01, v40;
	v51 =	vadd.s32 v5, v51;
	v46 =	vadd.f32 v46, v57;
	v57 =	vld.idx.msk [tilespmem:v9+s29+$0x0 ss:$0x1], $0xffff;
	v61 =	vpop (erf)  }
0x107: {  	v50 =	vadd.f32 v50, v59;
	v48 =	vadd.f32 v63, v48;
	v63 =	vmul.f32 $1.442695020e+00, v53;
	v53 =	vld.idx.msk [tilespmem:v10+s29+$0x0 ss:$0x1], $0xffff;
	v62 =	vpop (erf)  }
0x108: {  	v54 =	vld.idx.msk [tilespmem:v11+s29+$0x0 ss:$0x1], $0xffff;
	v38 =	vadd.f32 v45, v38;
	v56 =	vadd.f32 v62, v61;
	v61 =	vand.u32 $0x7FFFFF, v41  }
0x109: {  	v51 =	vshll.u32 v51, $0xA;
	(erf) = vpow2.f32 v63;
	v59 =	vor.u32 $0x3F800000, v61;
	v61 =	vld.idx.msk [tilespmem:v12+s29+$0x0 ss:$0x1], $0xffff  }
0x10a: {  	v50 =	vadd.f32 v50, v52;
	v62 =	vmul.f32 $1.442695020e+00, v58;
	v58 =	vld.idx.msk [tilespmem:v13+s29+$0x0 ss:$0x1], $0xffff;
	(erf) = vpow2.f32 v49  }
0x10b: {  	v55 =	vld.idx.msk [tilespmem:v14+s29+$0x0 ss:$0x1], $0xffff;
	v46 =	vadd.f32 v48, v46;
	v63 =	vmul.f32 $1.442695020e+00, v57;
	(erf) = vpow2.f32 v47  }
0x10c: {  	v57 =	vld.idx.msk [tilespmem:v25+s31+$0x0 ss:$0x1], $0xffff;
	v43 =	vadd.f32 $-1.000000000e+00, v59;
	(erf) = vpow2.f32 v62;
	v59 =	vmul.f32 $1.442695020e+00, v53  }
0x10d: {  	v46 =	vadd.f32 v46, v50;
	v62 =	vmul.f32 $1.442695020e+00, v54;
	v53 =	vpop (erf);
	(erf) = vpow2.f32 v63  }
0x10e: {  	v48 =	vadd.f32 v53, v56;
	(erf) = vpow2.f32 v59;
	v63 =	vmul.f32 $1.442695020e+00, v61  }
0x10f: {  	v38 =	vadd.f32 v46, v38;
	v54 =	vmul.f32 $1.442695020e+00, v58;
	(erf) = vpow2.f32 v62  }
0x110: {  	v55 =	vmul.f32 $1.442695020e+00, v55;
	v56 =	vadd.s32 s30, v51;
	(erf) = vpow2.f32 v63  }
0x111: {  	vm13 =	veq.s32 v57, $0xFF;
	v38 =	vadd.f32 v48, v38;
	(erf) = vpow2.f32 v54  }
0x112: {  	v58 =	vmul.f32 $1.011890170e-02, v43;
	v57 =	vsel vm13, $0x0, v57;
	v49 =	vpop (erf);
	(erf) = vpow2.f32 v55  }
0x113: {  	v36 =	vld.idx.msk [tilespmem:v35+s5+$0x0], $0xffff;
	v61 =	vmul.f32 v40, v33;
	v47 =	vadd.s32 v5, v57;
	v59 =	vand.u32 $0x7FFFFF, v38;
	v48 =	vpop (erf)  }
0x114: {  	v53 =	vld.idx.msk [tilespmem:v15+s29+$0x0 ss:$0x1], $0xffff;
	v45 =	vadd.f32 $-5.262395370e-02, v58;
	v47 =	vshll.u32 v47, $0xA;
	v62 =	vor.u32 $0x3F800000, v59;
	v50 =	vpop (erf)  }
0x115: {  	v46 =	vor.u32 v0, v56;
	v47 =	vadd.s32 s31, v47;
	v40 =	vadd.f32 $-1.000000000e+00, v62;
	v52 =	vpop (erf)  }
0x116: {  	v63 =	vadd.f32 $3.269723650e-01, v61;
	v45 =	vmul.f32 v45, v43;
	v47 =	vor.u32 v0, v47;
	v51 =	vpop (erf)  }
0x117: {  	v39 =	vadd.f32 v26, v39;
	v27 =	vadd.f32 v30, v27;
	v56 =	vld.idx.msk [tilespmem:v60+s5+$0x0], $0xffff;
	v60 =	vmul.f32 $1.011890170e-02, v40;
	v55 =	vpop (erf)  }
0x118: {  	v29 =	vsub.f32 v29, v36;
	v61 =	vmul.f32 v63, v33;
	v45 =	vadd.f32 $1.307633520e-01, v45;
	v54 =	vpop (erf)  }
0x119: {  	v38 =	vshra.s32 v38, $0x17;
	v53 =	vmul.f32 $1.442695020e+00, v53;
	v62 =	vadd.f32 $-5.262395370e-02, v60;
	v58 =	vpop (erf)  }
0x11a: {  	v38 =	vadd.s32 $0xFFFFFF81, v38;
	v42 =	vld.idx.msk [tilespmem:v46+s5+$0x0], $0xffff;
	v63 =	vadd.f32 $-4.992063940e-01, v61;
	v26 =	vmul.f32 v45, v43;
	v46 =	vpop (erf)  }
0x11b: {  	v48 =	vadd.f32 v48, v49;
	v50 =	vadd.f32 v52, v50;
	v35 =	vld.idx.msk [tilespmem:v47+s5+$0x0], $0xffff;
	v45 =	vmul.f32 v62, v40;
	v47 =	vpop (erf)  }
0x11c: {  	v61 =	vmul.f32 v63, v33;
	v60 =	vadd.f32 $-2.228347210e-01, v26;
	(erf) = vpow2.f32 v53  }
0x11d: {  	v26 =	vsel vm9, $0x0, v1;
	v51 =	vadd.f32 v55, v51;
	v45 =	vadd.f32 $1.307633520e-01, v45;
	v57 =	vld.idx.msk [tilespmem:v16+s29+$0x0 ss:$0x1], $0xffff  }
0x11e: {  	v48 =	vadd.f32 v50, v48;
	v36 =	vadd.f32 $9.999574420e-01, v61;
	v62 =	vmul.f32 v60, v43;
	v53 =	vld.idx.msk [tilespmem:v17+s29+$0x0 ss:$0x1], $0xffff  }
0x11f: {  	v29 =	vmul.f32 v29, v26;
	v26 =	vadd.f32 v26, v27;
	v45 =	vmul.f32 v45, v40;
	v59 =	vld.idx.msk [tilespmem:v18+s29+$0x0 ss:$0x1], $0xffff  }
0x120: {  	v31 =	vmul.f32 v36, v33;
	v36 =	vadd.f32 v37, v28;
	v44 =	vadd.f32 $3.269723650e-01, v62;
	v60 =	vld.idx.msk [tilespmem:v19+s29+$0x0 ss:$0x1], $0xffff  }
0x121: {  	v28 =	vadd.f32 v34, v39;
	vm14 =	vgt.f32 v29, $3.566749390e-01;
	v45 =	vadd.f32 $-2.228347210e-01, v45  }
0x122: {  	v54 =	vadd.f32 v58, v54;
	v44 =	vmul.f32 v44, v43;
	v33 =	vmul.f32 $1.442695020e+00, v57;
	v57 =	vld.idx.msk [tilespmem:v20+s29+$0x0 ss:$0x1], $0xffff  }
0x123: {  	v37 =	vsel vm14, $0x3F800000, v2;
	v31 =	vadd.f32 $5.629329960e-07, v31;
	v61 =	vld.idx.msk [tilespmem:v21+s29+$0x0 ss:$0x1], $0xffff;
	v34 =	vmul.f32 v45, v40  }
0x124: {  	s30 =	sor.u32 $0x80, s24;
	v45 =	vadd.f32 $-4.992063940e-01, v44;
	v63 =	vmul.f32 $1.442695020e+00, v53;
	v53 =	vld.idx.msk [tilespmem:v23+s29+$0x0 ss:$0x1], $0xffff;
	v62 =	vmul.f32 $1.442695020e+00, v59  }
0x125: {  	v46 =	vadd.f32 v47, v46;
	v55 =	vld.idx.msk [tilespmem:v9+s30+$0x0 ss:$0x1], $0xffff;
	v30 =	vmul.f32 $1.442695020e+00, v60;
	(erf) = vpow2.f32 v33  }
0x126: {  	v51 =	vadd.f32 v54, v51;
	v39 =	vmul.f32 v45, v43;
	(erf) = vpow2.f32 v63  }
0x127: {  	v36 =	vadd.f32 v37, v36;
	(erf) = vpow2.f32 v62;
	v63 =	vmul.f32 $1.442695020e+00, v57  }
0x128: {  	v48 =	vadd.f32 v51, v48;
	(erf) = vpow2.f32 v30;
	v30 =	vmul.f32 $1.442695020e+00, v61  }
0x129: {  	v33 =	vld.idx.msk [tilespmem:v24+s29+$0x0 ss:$0x1], $0xffff;
	v59 =	vadd.f32 $9.999574420e-01, v39;
	v53 =	vmul.f32 $1.442695020e+00, v53;
	(erf) = vpow2.f32 v63  }
0x12a: {  	v58 =	vmul.f32 $1.442695020e+00, v55;
	v57 =	vadd.f32 $3.269723650e-01, v34;
	(erf) = vpow2.f32 v30  }
0x12b: {  	v34 =	vmul.f32 v59, v43;
	v63 =	vld.idx.msk [tilespmem:v22+s30+$0x0 ss:$0x1], $0xffff;
	v30 =	vadd.f32 v31, v32;
	(erf) = vpow2.f32 v53  }
0x12c: {  	v61 =	vmul.f32 v57, v40;
	v31 =	vmul.f32 v37, v29;
	v29 =	vshra.s32 v41, $0x17  }
0x12d: {  	v52 =	vld.idx.msk [tilespmem:v8+s30+$0x0 ss:$0x1], $0xffff;
	v44 =	vpop (erf);
	v34 =	vadd.f32 $5.629329960e-07, v34;
	v29 =	vadd.s32 $0xFFFFFF81, v29;
	v60 =	vsub.f32 v30, v56  }
0x12e: {  	v33 =	vmul.f32 $1.442695020e+00, v33;
	v30 =	vsel vm12, $0x0, v1;
	v62 =	vcvt.s32.f32 v29;
	v56 =	vld.idx.msk [tilespmem:v6+s30+$0x0 ss:$0x1], $0xffff;
	v43 =	vpop (erf)  }
0x12f: {  	v32 =	vmul.f32 v60, v30;
	v60 =	vadd.f32 $-4.992063940e-01, v61;
	v41 =	vpop (erf);
	v43 =	vadd.f32 v43, v44;
	v44 =	vld.idx.msk [tilespmem:v16+s30+$0x0 ss:$0x1], $0xffff  }
0x130: {  	v54 =	vld.idx.msk [tilespmem:v17+s30+$0x0 ss:$0x1], $0xffff;
	v29 =	vsel vm3, $0x0, v1;
	(erf) = vpow2.f32 v33;
	v63 =	vmul.f32 $1.442695020e+00, v63;
	v57 =	vpop (erf)  }
0x131: {  	v59 =	vld.idx.msk [tilespmem:v7+s30+$0x0 ss:$0x1], $0xffff;
	v28 =	vadd.f32 v31, v28;
	v45 =	vmul.f32 $6.931471820e-01, v62;
	v39 =	vmul.f32 v60, v40;
	v49 =	vpop (erf)  }
0x132: {  	v47 =	vld.idx.msk [tilespmem:v10+s30+$0x0 ss:$0x1], $0xffff;
	v26 =	vadd.f32 v30, v26;
	v41 =	vadd.f32 v57, v41;
	(erf) = vpow2.f32 v63;
	v61 =	vpop (erf)  }
0x133: {  	v63 =	vmul.f32 $1.442695020e+00, v52;
	v34 =	vadd.f32 v34, v45;
	v39 =	vadd.f32 $9.999574420e-01, v39;
	v62 =	vpop (erf)  }
0x134: {  	v33 =	vadd.f32 v61, v49;
	v61 =	vmul.f32 $1.442695020e+00, v56;
	v56 =	vld.idx.msk [tilespmem:v11+s30+$0x0 ss:$0x1], $0xffff;
	v44 =	vmul.f32 $1.442695020e+00, v44;
	v60 =	vpop (erf)  }
0x135: {  	v57 =	vld.idx.msk [tilespmem:v12+s30+$0x0 ss:$0x1], $0xffff;
	v49 =	vmul.f32 $1.442695020e+00, v54;
	v39 =	vmul.f32 v39, v40;
	v53 =	vadd.f32 v60, v62  }
0x136: {  	v50 =	vld.idx.msk [tilespmem:v13+s30+$0x0 ss:$0x1], $0xffff;
	v62 =	vmul.f32 $1.442695020e+00, v59;
	v33 =	vadd.f32 v33, v41;
	v41 =	vsub.f32 v34, v42  }
0x137: {  	v43 =	vadd.f32 v43, v46;
	(erf) = vpow2.f32 v61;
	v59 =	vld.idx.msk [tilespmem:v14+s30+$0x0 ss:$0x1], $0xffff;
	v60 =	vmul.f32 $1.442695020e+00, v47  }
0x138: {  	v26 =	vadd.f32 v29, v26;
	v61 =	vld.idx.msk [tilespmem:v15+s30+$0x0 ss:$0x1], $0xffff;
	(erf) = vpow2.f32 v62;
	v37 =	vmul.f32 v41, v29  }
0x139: {  	v33 =	vadd.f32 v33, v43;
	v43 =	vld.idx.msk [tilespmem:v25+s29+$0x0 ss:$0x1], $0xffff;
	(erf) = vpow2.f32 v63;
	v62 =	vmul.f32 $1.442695020e+00, v56  }
0x13a: {  	vm6 =	vgt.f32 v32, $3.566749390e-01;
	v63 =	vmul.f32 $1.442695020e+00, v57;
	v57 =	vld.idx.msk [tilespmem:v18+s30+$0x0 ss:$0x1], $0xffff;
	(erf) = vpow2.f32 v58  }
0x13b: {  	v55 =	vpop (erf);
	v39 =	vadd.f32 $5.629329960e-07, v39;
	v56 =	vmul.f32 $1.442695020e+00, v50;
	(erf) = vpow2.f32 v60;
	v60 =	vld.idx.msk [tilespmem:v19+s30+$0x0 ss:$0x1], $0xffff  }
0x13c: {  	v58 =	vadd.f32 v55, v53;
	v33 =	vadd.f32 v33, v48;
	(erf) = vpow2.f32 v62;
	v62 =	vld.idx.msk [tilespmem:v20+s30+$0x0 ss:$0x1], $0xffff  }
0x13d: {  	vm7 =	vgt.f32 v37, $3.566749390e-01;
	v59 =	vmul.f32 $1.442695020e+00, v59;
	(erf) = vpow2.f32 v63;
	v63 =	vld.idx.msk [tilespmem:v21+s30+$0x0 ss:$0x1], $0xffff  }
0x13e: {  	v61 =	vmul.f32 $1.442695020e+00, v61;
	v33 =	vadd.f32 v58, v33;
	(erf) = vpow2.f32 v56;
	v56 =	vld.idx.msk [tilespmem:v23+s30+$0x0 ss:$0x1], $0xffff  }
0x13f: {  	v45 =	vpop (erf);
	vm15 =	veq.s32 v43, $0xFF;
	v57 =	vmul.f32 $1.442695020e+00, v57;
	(erf) = vpow2.f32 v59  }
0x140: {  	v58 =	vand.u32 $0x7FFFFF, v33;
	v48 =	vpop (erf);
	(erf) = vpow2.f32 v61;
	v59 =	vmul.f32 $1.442695020e+00, v60  }
0x141: {  	v60 =	vld.idx.msk [tilespmem:v24+s30+$0x0 ss:$0x1], $0xffff;
	v42 =	vpop (erf);
	(erf) = vpow2.f32 v44;
	v44 =	vor.u32 $0x3F800000, v58;
	v47 =	vmul.f32 $1.442695020e+00, v62  }
0x142: {  	s31 =	sor.u32 $0x90, s24;
	v33 =	vshra.s32 v33, $0x17;
	v52 =	vpop (erf);
	(erf) = vpow2.f32 v49;
	v46 =	vmul.f32 $1.442695020e+00, v63  }
0x143: {  	v34 =	vadd.f32 $-1.000000000e+00, v44;
	v63 =	vld.idx.msk [tilespmem:v22+s31+$0x0 ss:$0x1], $0xffff;
	v51 =	vpop (erf);
	(erf) = vpow2.f32 v57;
	v61 =	vmul.f32 $1.442695020e+00, v56  }
0x144: {  	v33 =	vadd.s32 $0xFFFFFF81, v33;
	v56 =	vld.idx.msk [tilespmem:v7+s31+$0x0 ss:$0x1], $0xffff;
	v57 =	vcvt.s32.f32 v38;
	v44 =	vpop (erf);
	(erf) = vpow2.f32 v59  }
0x145: {  	v45 =	vadd.f32 v48, v45;
	v62 =	vmul.f32 $1.011890170e-02, v34;
	v49 =	vpop (erf);
	(erf) = vpow2.f32 v47;
	v47 =	vld.idx.msk [tilespmem:v6+s31+$0x0 ss:$0x1], $0xffff  }
0x146: {  	v42 =	vadd.f32 v52, v42;
	v53 =	vmul.f32 $1.442695020e+00, v60;
	v54 =	vpop (erf);
	(erf) = vpow2.f32 v46  }
0x147: {  	v58 =	vld.idx.msk [tilespmem:v8+s31+$0x0 ss:$0x1], $0xffff;
	v60 =	vsel vm15, $0x0, v43;
	v50 =	vadd.f32 $-5.262395370e-02, v62;
	v40 =	vpop (erf);
	(erf) = vpow2.f32 v61  }
0x148: {  	v44 =	vadd.f32 v44, v51;
	v46 =	vmul.f32 $1.442695020e+00, v63;
	v55 =	vpop (erf);
	(erf) = vpow2.f32 v53;
	v53 =	vld.idx.msk [tilespmem:v9+s31+$0x0 ss:$0x1], $0xffff  }
0x149: {  	v38 =	vadd.s32 v5, v60;
	v50 =	vmul.f32 v50, v34;
	v60 =	vmul.f32 $1.442695020e+00, v56;
	v56 =	vld.idx.msk [tilespmem:v12+s31+$0x0 ss:$0x1], $0xffff;
	v61 =	vpop (erf)  }
0x14a: {  	v52 =	vld.idx.msk [tilespmem:v10+s31+$0x0 ss:$0x1], $0xffff;
	v42 =	vadd.f32 v42, v45;
	v49 =	vadd.f32 v54, v49;
	v62 =	vpop (erf);
	v47 =	vmul.f32 $1.442695020e+00, v47  }
0x14b: {  	v40 =	vadd.f32 v55, v40;
	(erf) = vpow2.f32 v46;
	v50 =	vadd.f32 $1.307633520e-01, v50;
	v48 =	vpop (erf)  }
0x14c: {  	v54 =	vld.idx.msk [tilespmem:v11+s31+$0x0 ss:$0x1], $0xffff;
	v43 =	vadd.f32 v62, v61;
	v62 =	vmul.f32 $1.442695020e+00, v58;
	v63 =	vpop (erf);
	(erf) = vpow2.f32 v47  }
0x14d: {  	v44 =	vadd.f32 v49, v44;
	v58 =	vld.idx.msk [tilespmem:v13+s31+$0x0 ss:$0x1], $0xffff;
	v41 =	vmul.f32 v50, v34;
	v55 =	vpop (erf);
	(erf) = vpow2.f32 v60  }
0x14e: {  	v48 =	vadd.f32 v63, v48;
	v60 =	vmul.f32 $1.442695020e+00, v53;
	v53 =	vld.idx.msk [tilespmem:v14+s31+$0x0 ss:$0x1], $0xffff;
	v59 =	vmul.f32 $1.442695020e+00, v56;
	v61 =	vpop (erf)  }
0x14f: {  	v40 =	vadd.f32 v43, v40;
	(erf) = vpow2.f32 v62;
	v62 =	vmul.f32 $1.442695020e+00, v52;
	v52 =	vld.idx.msk [tilespmem:v15+s31+$0x0 ss:$0x1], $0xffff;
	v63 =	vpop (erf)  }
0x150: {  	v49 =	vld.idx.msk [tilespmem:v18+s31+$0x0 ss:$0x1], $0xffff;
	v41 =	vadd.f32 $-2.228347210e-01, v41;
	v55 =	vadd.f32 v61, v55;
	(erf) = vpow2.f32 v60;
	v61 =	vpop (erf)  }
0x151: {  	(erf) = vpow2.f32 v62;
	v51 =	vadd.f32 v61, v63;
	v63 =	vmul.f32 $1.442695020e+00, v54;
	v54 =	vld.idx.msk [tilespmem:v16+s31+$0x0 ss:$0x1], $0xffff  }
0x152: {  	v47 =	vld.idx.msk [tilespmem:v17+s31+$0x0 ss:$0x1], $0xffff;
	v60 =	vmul.f32 $1.442695020e+00, v58;
	v41 =	vmul.f32 v41, v34;
	v48 =	vadd.f32 v55, v48  }
0x153: {  	v45 =	vld.idx.msk [tilespmem:v19+s31+$0x0 ss:$0x1], $0xffff;
	v42 =	vadd.f32 v44, v42;
	v61 =	vmul.f32 $1.442695020e+00, v53;
	(erf) = vpow2.f32 v63  }
0x154: {  	v62 =	vpop (erf);
	v63 =	vmul.f32 $1.442695020e+00, v52;
	v52 =	vld.idx.msk [tilespmem:v20+s31+$0x0 ss:$0x1], $0xffff;
	v40 =	vadd.f32 v48, v40;
	(erf) = vpow2.f32 v59  }
0x155: {  	v51 =	vadd.f32 v62, v51;
	v62 =	vmul.f32 $1.442695020e+00, v49;
	v59 =	vld.idx.msk [tilespmem:v21+s31+$0x0 ss:$0x1], $0xffff;
	(erf) = vpow2.f32 v60  }
0x156: {  	v56 =	vshll.u32 v38, $0xA;
	v44 =	vpop (erf);
	(erf) = vpow2.f32 v61;
	v58 =	vmul.f32 $1.442695020e+00, v54;
	v61 =	vld.idx.msk [tilespmem:v23+s31+$0x0 ss:$0x1], $0xffff  }
0x157: {  	v48 =	vpop (erf);
	v60 =	vmul.f32 $1.442695020e+00, v47;
	v40 =	vadd.f32 v40, v42;
	(erf) = vpow2.f32 v63  }
0x158: {  	v42 =	vadd.s32 s29, v56;
	v53 =	vpop (erf);
	v63 =	vmul.f32 $1.442695020e+00, v45;
	(erf) = vpow2.f32 v58  }
0x159: {  	v49 =	vpop (erf);
	v38 =	vadd.f32 v51, v40;
	v58 =	vmul.f32 $1.442695020e+00, v52;
	v52 =	vld.idx.msk [tilespmem:v24+s31+$0x0 ss:$0x1], $0xffff;
	(erf) = vpow2.f32 v60  }
0x15a: {  	s29 =	sor.u32 $0xA0, s24;
	v44 =	vadd.f32 v48, v44;
	v46 =	vpop (erf);
	v59 =	vmul.f32 $1.442695020e+00, v59;
	(erf) = vpow2.f32 v62  }
0x15b: {  	v43 =	vld.idx.msk [tilespmem:v6+s29+$0x0 ss:$0x1], $0xffff;
	v40 =	vpop (erf);
	v62 =	vand.u32 $0x7FFFFF, v38;
	(erf) = vpow2.f32 v63;
	v60 =	vmul.f32 $1.442695020e+00, v61  }
0x15c: {  	v61 =	vmul.f32 $6.931471820e-01, v57;
	v63 =	vld.idx.msk [tilespmem:v22+s29+$0x0 ss:$0x1], $0xffff;
	v54 =	vor.u32 $0x3F800000, v62;
	v45 =	vpop (erf);
	(erf) = vpow2.f32 v58  }
0x15d: {  	v49 =	vadd.f32 v49, v53;
	v40 =	vadd.f32 v40, v46;
	v55 =	vpop (erf);
	(erf) = vpow2.f32 v59  }
0x15e: {  	v38 =	vshra.s32 v38, $0x17;
	v52 =	vmul.f32 $1.442695020e+00, v52;
	v56 =	vpop (erf);
	(erf) = vpow2.f32 v60;
	v60 =	vld.idx.msk [tilespmem:v7+s29+$0x0 ss:$0x1], $0xffff  }
0x15f: {  	v38 =	vadd.s32 $0xFFFFFF81, v38;
	v58 =	vld.idx.msk [tilespmem:v8+s29+$0x0 ss:$0x1], $0xffff;
	v47 =	vadd.f32 v39, v61;
	v39 =	vadd.f32 $-1.000000000e+00, v54;
	v54 =	vpop (erf)  }
0x160: {  	v44 =	vadd.f32 v49, v44;
	v38 =	vcvt.s32.f32 v38;
	(erf) = vpow2.f32 v52;
	v52 =	vld.idx.msk [tilespmem:v9+s29+$0x0 ss:$0x1], $0xffff;
	v61 =	vpop (erf)  }
0x161: {  	v53 =	vld.idx.msk [tilespmem:v10+s29+$0x0 ss:$0x1], $0xffff;
	v43 =	vmul.f32 $1.442695020e+00, v43;
	v45 =	vadd.f32 v55, v45;
	v51 =	vmul.f32 $1.442695020e+00, v63;
	v62 =	vpop (erf)  }
0x162: {  	v55 =	vld.idx.msk [tilespmem:v11+s29+$0x0 ss:$0x1], $0xffff;
	v38 =	vmul.f32 $6.931471820e-01, v38;
	v47 =	vsub.f32 v47, v35;
	v35 =	vmul.f32 $1.011890170e-02, v39;
	v48 =	vpop (erf)  }
0x163: {  	v57 =	vld.idx.msk [tilespmem:v12+s29+$0x0 ss:$0x1], $0xffff;
	v54 =	vadd.f32 v54, v56;
	(erf) = vpow2.f32 v51;
	v63 =	vpop (erf);
	v60 =	vmul.f32 $1.442695020e+00, v60  }
0x164: {  	v50 =	vadd.f32 v62, v61;
	v62 =	vmul.f32 $1.442695020e+00, v58;
	v58 =	vld.idx.msk [tilespmem:v13+s29+$0x0 ss:$0x1], $0xffff;
	(erf) = vpow2.f32 v43;
	v56 =	vpop (erf)  }
0x165: {  	v46 =	vadd.f32 v63, v48;
	v63 =	vmul.f32 $1.442695020e+00, v52;
	v52 =	vld.idx.msk [tilespmem:v14+s29+$0x0 ss:$0x1], $0xffff;
	v61 =	vpop (erf);
	(erf) = vpow2.f32 v60  }
0x166: {  	v49 =	vld.idx.msk [tilespmem:v17+s29+$0x0 ss:$0x1], $0xffff;
	v56 =	vadd.f32 v61, v56;
	(erf) = vpow2.f32 v62;
	v61 =	vmul.f32 $1.442695020e+00, v53  }
0x167: {  	v41 =	vadd.f32 $3.269723650e-01, v41;
	v62 =	vld.idx.msk [tilespmem:v15+s29+$0x0 ss:$0x1], $0xffff;
	(erf) = vpow2.f32 v63;
	v63 =	vmul.f32 $1.442695020e+00, v55  }
0x168: {  	v42 =	vor.u32 v0, v42;
	v57 =	vmul.f32 $1.442695020e+00, v57;
	v48 =	vpop (erf);
	v55 =	vld.idx.msk [tilespmem:v16+s29+$0x0 ss:$0x1], $0xffff;
	(erf) = vpow2.f32 v61  }
0x169: {  	v40 =	vadd.f32 v45, v40;
	v51 =	vld.idx.msk [tilespmem:v18+s29+$0x0 ss:$0x1], $0xffff;
	v60 =	vpop (erf);
	v59 =	vmul.f32 $1.442695020e+00, v58;
	(erf) = vpow2.f32 v63  }
0x16a: {  	v48 =	vadd.f32 v60, v48;
	v60 =	vmul.f32 $1.442695020e+00, v52;
	v52 =	vld.idx.msk [tilespmem:v19+s29+$0x0 ss:$0x1], $0xffff;
	(erf) = vpow2.f32 v57  }
0x16b: {  	v50 =	vadd.f32 v50, v54;
	v46 =	vadd.f32 v56, v46;
	v63 =	vld.idx.msk [tilespmem:v20+s29+$0x0 ss:$0x1], $0xffff;
	(erf) = vpow2.f32 v59  }
0x16c: {  	v40 =	vadd.f32 v40, v44;
	v62 =	vmul.f32 $1.442695020e+00, v62;
	v59 =	vmul.f32 $1.442695020e+00, v49  }
0x16d: {  	v61 =	vpop (erf);
	v46 =	vadd.f32 v46, v50;
	(erf) = vpow2.f32 v60;
	v58 =	vmul.f32 $1.442695020e+00, v55  }
0x16e: {  	v56 =	vpop (erf);
	v48 =	vadd.f32 v61, v48;
	v60 =	vmul.f32 $1.442695020e+00, v51;
	(erf) = vpow2.f32 v62  }
0x16f: {  	v49 =	vld.idx.msk [tilespmem:v21+s29+$0x0 ss:$0x1], $0xffff;
	v54 =	vpop (erf);
	v40 =	vadd.f32 v46, v40;
	(erf) = vpow2.f32 v58;
	v61 =	vmul.f32 $1.442695020e+00, v52  }
0x170: {  	v51 =	vld.idx.msk [tilespmem:v23+s29+$0x0 ss:$0x1], $0xffff;
	v44 =	vpop (erf);
	v62 =	vmul.f32 $1.442695020e+00, v63;
	v63 =	vadd.f32 $-5.262395370e-02, v35;
	v35 =	vsel vm6, $0x3F800000, v2  }
0x171: {  	v48 =	vadd.f32 v48, v40;
	v50 =	vpop (erf);
	(erf) = vpow2.f32 v59;
	v59 =	vmul.f32 v41, v34  }
0x172: {  	v52 =	vld.idx.msk [tilespmem:v24+s29+$0x0 ss:$0x1], $0xffff;
	v40 =	vsel vm13, $0x0, v1;
	v43 =	vmul.f32 v35, v32;
	(erf) = vpow2.f32 v60;
	v55 =	vpop (erf)  }
0x173: {  	v41 =	vsel vm7, $0x3F800000, v2;
	v47 =	vmul.f32 v47, v40;
	(erf) = vpow2.f32 v61;
	v45 =	vpop (erf)  }
0x174: {  	v32 =	vadd.f32 v54, v56;
	v60 =	vmul.f32 $1.442695020e+00, v49;
	(erf) = vpow2.f32 v62;
	v57 =	vpop (erf)  }
0x175: {  	v35 =	vadd.f32 v35, v36;
	v37 =	vmul.f32 v41, v37;
	v51 =	vmul.f32 $1.442695020e+00, v51;
	v58 =	vpop (erf)  }
0x176: {  	v44 =	vadd.f32 v50, v44;
	v61 =	vmul.f32 v63, v39;
	(erf) = vpow2.f32 v60;
	v53 =	vpop (erf)  }
0x177: {  	v26 =	vadd.f32 v40, v26;
	v62 =	vmul.f32 $1.442695020e+00, v52;
	(erf) = vpow2.f32 v51;
	v63 =	vpop (erf)  }
0x178: {  	vm8 =	vgt.f32 v47, $3.566749390e-01;
	v45 =	vadd.f32 v45, v55;
	v32 =	vadd.f32 v44, v32;
	v52 =	vpop (erf)  }
0x179: {  	v44 =	vsel vm8, $0x3F800000, v2;
	v49 =	vadd.f32 $1.307633520e-01, v61;
	v61 =	vand.u32 $0x7FFFFF, v48;
	v54 =	vpop (erf)  }
0x17a: {  	v46 =	vadd.f32 v58, v57;
	v55 =	vor.u32 $0x3F800000, v61;
	(erf) = vpow2.f32 v62;
	v60 =	vpop (erf)  }
0x17b: {  	v48 =	vshra.s32 v48, $0x17;
	v51 =	vadd.f32 $-4.992063940e-01, v59;
	v55 =	vadd.f32 $-1.000000000e+00, v55;
	v62 =	vpop (erf)  }
0x17c: {  	v49 =	vmul.f32 v49, v39;
	v53 =	vadd.f32 v63, v53;
	v45 =	vadd.f32 v46, v45;
	v63 =	vpop (erf)  }
0x17d: {  	v52 =	vadd.f32 v54, v52;
	v50 =	vadd.f32 v62, v60;
	v60 =	vmul.f32 $1.011890170e-02, v55;
	v59 =	vpop (erf)  }
0x17e: {  	v47 =	vmul.f32 v44, v47;
	v49 =	vadd.f32 $-2.228347210e-01, v49;
	v54 =	vadd.f32 v59, v63  }
0x17f: {  	v57 =	vcvt.s32.f32 v33;
	v61 =	vpop (erf);
	v63 =	vadd.f32 v52, v53;
	v56 =	vadd.f32 $-5.262395370e-02, v60  }
0x180: {  	v51 =	vmul.f32 v51, v34;
	v32 =	vadd.f32 v45, v32;
	v62 =	vpop (erf);
	v50 =	vadd.f32 v54, v50  }
0x181: {  	v49 =	vmul.f32 v49, v39;
	v58 =	vadd.f32 v62, v61;
	v61 =	vld.idx.msk [tilespmem:v25+s30+$0x0 ss:$0x1], $0xffff;
	v62 =	vmul.f32 v56, v55  }
0x182: {  	v48 =	vadd.s32 $0xFFFFFF81, v48;
	v60 =	vadd.f32 $9.999574420e-01, v51;
	v59 =	vadd.f32 v50, v63  }
0x183: {  	v48 =	vcvt.s32.f32 v48;
	v56 =	vadd.f32 $3.269723650e-01, v49;
	v63 =	vpop (erf);
	v54 =	vadd.f32 $1.307633520e-01, v62  }
0x184: {  	v34 =	vmul.f32 v60, v34;
	v52 =	vadd.f32 v63, v58;
	v32 =	vadd.f32 v59, v32  }
0x185: {  	v28 =	vadd.f32 v43, v28;
	v63 =	vld.idx.msk [tilespmem:v25+s29+$0x0 ss:$0x1], $0xffff;
	v58 =	vmul.f32 v54, v55;
	v59 =	vmul.f32 v56, v39  }
0x186: {  	v33 =	vadd.f32 $5.629329960e-07, v34;
	vm9 =	veq.s32 v61, $0xFF;
	v49 =	vadd.f32 v52, v32  }
0x187: {  	v50 =	vsel vm9, $0x0, v61;
	v34 =	vadd.f32 $-2.228347210e-01, v58;
	v45 =	vadd.f32 $-4.992063940e-01, v59  }
0x188: {  	v61 =	vld.idx.msk [tilespmem:v25+s31+$0x0 ss:$0x1], $0xffff;
	v32 =	vmul.f32 $6.931471820e-01, v57;
	v50 =	vadd.s32 v5, v50;
	v60 =	vand.u32 $0x7FFFFF, v49  }
0x189: {  	v50 =	vshll.u32 v50, $0xA;
	v34 =	vmul.f32 v34, v55;
	v46 =	vor.u32 $0x3F800000, v60  }
0x18a: {  	v45 =	vmul.f32 v45, v39;
	vm11 =	veq.s32 v63, $0xFF;
	v46 =	vadd.f32 $-1.000000000e+00, v46  }
0x18b: {  	v32 =	vadd.f32 v33, v32;
	v49 =	vshra.s32 v49, $0x17;
	v34 =	vadd.f32 $3.269723650e-01, v34  }
0x18c: {  	v50 =	vadd.s32 s30, v50;
	v57 =	vsel vm11, $0x0, v63;
	v62 =	vmul.f32 $1.011890170e-02, v46  }
0x18d: {  	v60 =	vmul.f32 $6.931471820e-01, v48;
	vm10 =	veq.s32 v61, $0xFF;
	v34 =	vmul.f32 v34, v55  }
0x18e: {  	v42 =	vld.idx.msk [tilespmem:v42+s5+$0x0], $0xffff;
	v45 =	vadd.f32 $9.999574420e-01, v45;
	v51 =	vsel vm10, $0x0, v61;
	v52 =	vadd.f32 $-5.262395370e-02, v62  }
0x18f: {  	v50 =	vor.u32 v0, v50;
	v54 =	vadd.s32 v5, v51;
	v34 =	vadd.f32 $-4.992063940e-01, v34  }
0x190: {  	v39 =	vmul.f32 v45, v39;
	v45 =	vshll.u32 v54, $0xA;
	v56 =	vmul.f32 v52, v46  }
0x191: {  	v48 =	vsel vm15, $0x0, v1;
	s30 =	sor.u32 $0xB0, s24;
	v45 =	vadd.s32 s31, v45;
	v34 =	vmul.f32 v34, v55  }
0x192: {  	v49 =	vadd.s32 $0xFFFFFF81, v49;
	v63 =	vld.idx.msk [tilespmem:v22+s30+$0x0 ss:$0x1], $0xffff;
	v45 =	vor.u32 v0, v45;
	v51 =	vadd.f32 $1.307633520e-01, v56  }
0x193: {  	v32 =	vsub.f32 v32, v42;
	v52 =	vadd.s32 v5, v57;
	v34 =	vadd.f32 $9.999574420e-01, v34  }
0x194: {  	v31 =	vcvt.s32.f32 v49;
	v50 =	vld.idx.msk [tilespmem:v50+s5+$0x0], $0xffff;
	v52 =	vshll.u32 v52, $0xA;
	v51 =	vmul.f32 v51, v46  }
0x195: {  	v39 =	vadd.f32 $5.629329960e-07, v39;
	v54 =	vld.idx.msk [tilespmem:v7+s30+$0x0 ss:$0x1], $0xffff;
	v52 =	vadd.s32 s29, v52;
	v34 =	vmul.f32 v34, v55  }
0x196: {  	v36 =	vmul.f32 $6.931471820e-01, v31;
	v59 =	vor.u32 v0, v52;
	v52 =	vld.idx.msk [tilespmem:v6+s30+$0x0 ss:$0x1], $0xffff;
	v51 =	vadd.f32 $-2.228347210e-01, v51  }
0x197: {  	v27 =	vmul.f32 $1.442695020e+00, v63;
	v38 =	vadd.f32 v39, v38;
	v58 =	vld.idx.msk [tilespmem:v45+s5+$0x0], $0xffff;
	v34 =	vadd.f32 $5.629329960e-07, v34  }
0x198: {  	v35 =	vadd.f32 v41, v35;
	v62 =	vmul.f32 v32, v48;
	v51 =	vmul.f32 v51, v46  }
0x199: {  	(erf) = vpow2.f32 v27;
	v38 =	vsub.f32 v38, v50;
	v34 =	vadd.f32 v34, v60;
	v60 =	vld.idx.msk [tilespmem:v8+s30+$0x0 ss:$0x1], $0xffff  }
0x19a: {  	v29 =	vld.idx.msk [tilespmem:v17+s30+$0x0 ss:$0x1], $0xffff;
	v27 =	vmul.f32 $1.442695020e+00, v54;
	v50 =	vsel vm9, $0x0, v1;
	v61 =	vadd.f32 $3.269723650e-01, v51  }
0x19b: {  	v63 =	vld.idx.msk [tilespmem:v11+s30+$0x0 ss:$0x1], $0xffff;
	vm12 =	vgt.f32 v62, $3.566749390e-01;
	v38 =	vmul.f32 v38, v50;
	v31 =	vmul.f32 $1.442695020e+00, v52  }
0x19c: {  	v33 =	vsub.f32 v34, v58;
	v51 =	vsel vm12, $0x3F800000, v2;
	v42 =	vmul.f32 v61, v46;
	v61 =	vld.idx.msk [tilespmem:v9+s30+$0x0 ss:$0x1], $0xffff  }
0x19d: {  	v34 =	vsel vm10, $0x0, v1;
	(erf) = vpow2.f32 v31;
	v39 =	vmul.f32 v51, v62;
	v62 =	vld.idx.msk [tilespmem:v10+s30+$0x0 ss:$0x1], $0xffff  }
0x19e: {  	v57 =	vld.idx.msk [tilespmem:v15+s30+$0x0 ss:$0x1], $0xffff;
	vm13 =	vgt.f32 v38, $3.566749390e-01;
	v33 =	vmul.f32 v33, v34;
	v30 =	vmul.f32 $1.442695020e+00, v60  }
0x19f: {  	v52 =	vld.idx.msk [tilespmem:v12+s30+$0x0 ss:$0x1], $0xffff;
	v53 =	vsel vm13, $0x3F800000, v2;
	(erf) = vpow2.f32 v27;
	v42 =	vadd.f32 $-4.992063940e-01, v42  }
0x1a0: {  	v54 =	vld.idx.msk [tilespmem:v13+s30+$0x0 ss:$0x1], $0xffff;
	v38 =	vmul.f32 v53, v38;
	vm14 =	vgt.f32 v33, $3.566749390e-01;
	(erf) = vpow2.f32 v30  }
0x1a1: {  	v31 =	vld.idx.msk [tilespmem:v14+s30+$0x0 ss:$0x1], $0xffff;
	v56 =	vsel vm14, $0x3F800000, v2;
	v42 =	vmul.f32 v42, v46;
	v27 =	vmul.f32 $1.442695020e+00, v61  }
0x1a2: {  	v28 =	vadd.f32 v37, v28;
	s31 =	sor.u32 $0xC0, s24;
	v33 =	vmul.f32 v56, v33;
	v30 =	vmul.f32 $1.442695020e+00, v62;
	v62 =	vld.idx.msk [tilespmem:v21+s30+$0x0 ss:$0x1], $0xffff  }
0x1a3: {  	v55 =	vld.idx.msk [tilespmem:v6+s31+$0x0 ss:$0x1], $0xffff;
	v42 =	vadd.f32 $9.999574420e-01, v42;
	(erf) = vpow2.f32 v27;
	v27 =	vmul.f32 $1.442695020e+00, v63  }
0x1a4: {  	v28 =	vadd.f32 v47, v28;
	v58 =	vld.idx.msk [tilespmem:v16+s30+$0x0 ss:$0x1], $0xffff;
	(erf) = vpow2.f32 v30;
	v30 =	vmul.f32 $1.442695020e+00, v52  }
0x1a5: {  	v35 =	vadd.f32 v44, v35;
	v32 =	vld.idx.msk [tilespmem:v59+s5+$0x0], $0xffff;
	v42 =	vmul.f32 v42, v46;
	(erf) = vpow2.f32 v27  }
0x1a6: {  	v59 =	vld.idx.msk [tilespmem:v18+s30+$0x0 ss:$0x1], $0xffff;
	v28 =	vadd.f32 v39, v28;
	v27 =	vmul.f32 $1.442695020e+00, v54;
	(erf) = vpow2.f32 v30  }
0x1a7: {  	v60 =	vld.idx.msk [tilespmem:v19+s30+$0x0 ss:$0x1], $0xffff;
	v30 =	vmul.f32 $1.442695020e+00, v31;
	v31 =	vadd.f32 v51, v35;
	v35 =	vmul.f32 $1.442695020e+00, v62  }
0x1a8: {  	v26 =	vadd.f32 v48, v26;
	v39 =	vpop (erf);
	v61 =	vld.idx.msk [tilespmem:v20+s30+$0x0 ss:$0x1], $0xffff;
	(erf) = vpow2.f32 v27;
	v27 =	vmul.f32 $1.442695020e+00, v57  }
0x1a9: {  	v28 =	vadd.f32 v38, v28;
	v63 =	vld.idx.msk [tilespmem:v23+s30+$0x0 ss:$0x1], $0xffff;
	v41 =	vpop (erf);
	(erf) = vpow2.f32 v30;
	v30 =	vmul.f32 $1.442695020e+00, v58  }
0x1aa: {  	v39 =	vadd.f32 v41, v39;
	v62 =	vld.idx.msk [tilespmem:v11+s31+$0x0 ss:$0x1], $0xffff;
	(erf) = vpow2.f32 v27;
	v27 =	vmul.f32 $1.442695020e+00, v29  }
0x1ab: {  	v46 =	vpop (erf);
	v42 =	vadd.f32 $5.629329960e-07, v42;
	v29 =	vld.idx.msk [tilespmem:v24+s30+$0x0 ss:$0x1], $0xffff;
	(erf) = vpow2.f32 v30;
	v30 =	vmul.f32 $1.442695020e+00, v59  }
0x1ac: {  	v52 =	vadd.f32 v53, v31;
	v53 =	vld.idx.msk [tilespmem:v22+s31+$0x0 ss:$0x1], $0xffff;
	(erf) = vpow2.f32 v27;
	v27 =	vmul.f32 $1.442695020e+00, v60  }
0x1ad: {  	v54 =	vadd.f32 v50, v26;
	v31 =	vld.idx.msk [tilespmem:v25+s30+$0x0 ss:$0x1], $0xffff;
	v38 =	vpop (erf);
	(erf) = vpow2.f32 v30;
	v30 =	vmul.f32 $1.442695020e+00, v61  }
0x1ae: {  	v36 =	vadd.f32 v42, v36;
	v26 =	vadd.f32 v56, v52;
	v56 =	vld.idx.msk [tilespmem:v7+s31+$0x0 ss:$0x1], $0xffff;
	v47 =	vpop (erf);
	(erf) = vpow2.f32 v27  }
0x1af: {  	v57 =	vld.idx.msk [tilespmem:v8+s31+$0x0 ss:$0x1], $0xffff;
	v38 =	vadd.f32 v38, v46;
	v45 =	vpop (erf);
	(erf) = vpow2.f32 v30;
	v30 =	vmul.f32 $1.442695020e+00, v63  }
0x1b0: {  	v59 =	vld.idx.msk [tilespmem:v9+s31+$0x0 ss:$0x1], $0xffff;
	v27 =	vadd.f32 v33, v28;
	v33 =	vpop (erf);
	v29 =	vmul.f32 $1.442695020e+00, v29;
	(erf) = vpow2.f32 v35  }
0x1b1: {  	v60 =	vld.idx.msk [tilespmem:v10+s31+$0x0 ss:$0x1], $0xffff;
	v38 =	vadd.f32 v38, v39;
	v58 =	vpop (erf);
	(erf) = vpow2.f32 v30;
	v30 =	vmul.f32 $1.442695020e+00, v53  }
0x1b2: {  	v51 =	vld.idx.msk [tilespmem:v18+s31+$0x0 ss:$0x1], $0xffff;
	v28 =	vadd.f32 v34, v54;
	v34 =	vpop (erf);
	(erf) = vpow2.f32 v29;
	v29 =	vmul.f32 $1.442695020e+00, v55  }
0x1b3: {  	v52 =	vld.idx.msk [tilespmem:v12+s31+$0x0 ss:$0x1], $0xffff;
	vm15 =	veq.s32 v31, $0xFF;
	v61 =	vpop (erf);
	(erf) = vpow2.f32 v30;
	v30 =	vmul.f32 $1.442695020e+00, v56  }
0x1b4: {  	v54 =	vld.idx.msk [tilespmem:v13+s31+$0x0 ss:$0x1], $0xffff;
	v45 =	vadd.f32 v45, v47;
	v63 =	vpop (erf);
	(erf) = vpow2.f32 v29;
	v29 =	vmul.f32 $1.442695020e+00, v57  }
0x1b5: {  	v31 =	vsel vm15, $0x0, v31;
	v56 =	vld.idx.msk [tilespmem:v14+s31+$0x0 ss:$0x1], $0xffff;
	v53 =	vpop (erf);
	(erf) = vpow2.f32 v30;
	v30 =	vmul.f32 $1.442695020e+00, v59  }
0x1b6: {  	v33 =	vadd.f32 v58, v33;
	v58 =	vld.idx.msk [tilespmem:v15+s31+$0x0 ss:$0x1], $0xffff;
	v55 =	vpop (erf);
	(erf) = vpow2.f32 v29;
	v29 =	vmul.f32 $1.442695020e+00, v60  }
0x1b7: {  	v31 =	vadd.s32 v5, v31;
	v57 =	vpop (erf);
	v60 =	vld.idx.msk [tilespmem:v16+s31+$0x0 ss:$0x1], $0xffff;
	(erf) = vpow2.f32 v30;
	v30 =	vmul.f32 $1.442695020e+00, v62  }
0x1b8: {  	v44 =	vadd.f32 v53, v63;
	v53 =	vld.idx.msk [tilespmem:v19+s31+$0x0 ss:$0x1], $0xffff;
	v59 =	vpop (erf);
	(erf) = vpow2.f32 v29;
	v29 =	vmul.f32 $1.442695020e+00, v52  }
0x1b9: {  	s29 =	sor.u32 $0xD0, s24;
	v34 =	vadd.f32 v61, v34;
	v62 =	vld.idx.msk [tilespmem:v17+s31+$0x0 ss:$0x1], $0xffff;
	v61 =	vpop (erf);
	(erf) = vpow2.f32 v30;
	v30 =	vmul.f32 $1.442695020e+00, v54  }
0x1ba: {  	v42 =	vadd.f32 v61, v59;
	v59 =	vld.idx.msk [tilespmem:v22+s29+$0x0 ss:$0x1], $0xffff;
	(erf) = vpow2.f32 v29;
	v29 =	vmul.f32 $1.442695020e+00, v56  }
0x1bb: {  	v31 =	vshll.u32 v31, $0xA;
	v63 =	vpop (erf);
	v54 =	vld.idx.msk [tilespmem:v20+s31+$0x0 ss:$0x1], $0xffff;
	(erf) = vpow2.f32 v30;
	v30 =	vmul.f32 $1.442695020e+00, v58  }
0x1bc: {  	v33 =	vadd.f32 v33, v45;
	v52 =	vpop (erf);
	v58 =	vld.idx.msk [tilespmem:v24+s31+$0x0 ss:$0x1], $0xffff;
	(erf) = vpow2.f32 v29;
	v29 =	vmul.f32 $1.442695020e+00, v60  }
0x1bd: {  	v46 =	vadd.f32 v57, v55;
	v47 =	vadd.f32 v52, v63;
	v63 =	vld.idx.msk [tilespmem:v9+s29+$0x0 ss:$0x1], $0xffff;
	(erf) = vpow2.f32 v30  }
0x1be: {  	v55 =	vld.idx.msk [tilespmem:v21+s31+$0x0 ss:$0x1], $0xffff;
	v34 =	vadd.f32 v44, v34;
	v56 =	vpop (erf);
	v30 =	vmul.f32 $1.442695020e+00, v62;
	(erf) = vpow2.f32 v29  }
0x1bf: {  	v57 =	vld.idx.msk [tilespmem:v23+s31+$0x0 ss:$0x1], $0xffff;
	v42 =	vadd.f32 v42, v46;
	v29 =	vmul.f32 $1.442695020e+00, v51;
	v35 =	vmul.f32 $1.442695020e+00, v59  }
0x1c0: {  	v33 =	vadd.f32 v33, v38;
	v44 =	vpop (erf);
	v60 =	vld.idx.msk [tilespmem:v6+s29+$0x0 ss:$0x1], $0xffff;
	(erf) = vpow2.f32 v30;
	v30 =	vmul.f32 $1.442695020e+00, v53  }
0x1c1: {  	v61 =	vld.idx.msk [tilespmem:v7+s29+$0x0 ss:$0x1], $0xffff;
	v45 =	vpop (erf);
	v34 =	vadd.f32 v42, v34;
	(erf) = vpow2.f32 v29;
	v29 =	vmul.f32 $1.442695020e+00, v54  }
0x1c2: {  	v31 =	vadd.s32 s30, v31;
	v62 =	vld.idx.msk [tilespmem:v8+s29+$0x0 ss:$0x1], $0xffff;
	v38 =	vpop (erf);
	v37 =	vmul.f32 $1.442695020e+00, v58;
	v59 =	vmul.f32 $1.442695020e+00, v63  }
0x1c3: {  	v52 =	vld.idx.msk [tilespmem:v10+s29+$0x0 ss:$0x1], $0xffff;
	v42 =	vpop (erf);
	v33 =	vadd.f32 v34, v33;
	(erf) = vpow2.f32 v30;
	v30 =	vmul.f32 $1.442695020e+00, v55  }
0x1c4: {  	v31 =	vor.u32 v0, v31;
	v46 =	vpop (erf);
	v54 =	vld.idx.msk [tilespmem:v11+s29+$0x0 ss:$0x1], $0xffff;
	(erf) = vpow2.f32 v29;
	v29 =	vmul.f32 $1.442695020e+00, v57  }
0x1c5: {  	v40 =	vadd.f32 v56, v47;
	v63 =	vld.idx.msk [tilespmem:v16+s29+$0x0 ss:$0x1], $0xffff;
	v34 =	vpop (erf);
	v53 =	vmul.f32 $1.442695020e+00, v60;
	(erf) = vpow2.f32 v30  }
0x1c6: {  	v56 =	vld.idx.msk [tilespmem:v12+s29+$0x0 ss:$0x1], $0xffff;
	v55 =	vmul.f32 $1.442695020e+00, v61;
	v30 =	vsub.f32 v36, v32;
	v32 =	vpop (erf);
	(erf) = vpow2.f32 v29  }
0x1c7: {  	v61 =	vld.idx.msk [tilespmem:v15+s29+$0x0 ss:$0x1], $0xffff;
	v57 =	vmul.f32 $1.442695020e+00, v62;
	v29 =	vadd.f32 v40, v33;
	v33 =	vpop (erf);
	(erf) = vpow2.f32 v37  }
0x1c8: {  	v44 =	vadd.f32 v45, v44;
	v58 =	vld.idx.msk [tilespmem:v13+s29+$0x0 ss:$0x1], $0xffff;
	v36 =	vmul.f32 $1.442695020e+00, v52;
	v43 =	vpop (erf);
	(erf) = vpow2.f32 v35  }
0x1c9: {  	v38 =	vadd.f32 v42, v38;
	v60 =	vld.idx.msk [tilespmem:v14+s29+$0x0 ss:$0x1], $0xffff;
	v62 =	vmul.f32 $1.442695020e+00, v54;
	v48 =	vpop (erf);
	(erf) = vpow2.f32 v53  }
0x1ca: {  	v34 =	vadd.f32 v34, v46;
	v63 =	vmul.f32 $1.442695020e+00, v63;
	v35 =	vld.idx.msk [tilespmem:v20+s29+$0x0 ss:$0x1], $0xffff;
	v49 =	vpop (erf);
	(erf) = vpow2.f32 v55  }
0x1cb: {  	v38 =	vadd.f32 v38, v44;
	v50 =	vpop (erf);
	v55 =	vmul.f32 $1.442695020e+00, v56;
	v56 =	vld.idx.msk [tilespmem:v17+s29+$0x0 ss:$0x1], $0xffff;
	(erf) = vpow2.f32 v57  }
0x1cc: {  	v32 =	vadd.f32 v33, v32;
	v54 =	vld.idx.msk [tilespmem:v21+s29+$0x0 ss:$0x1], $0xffff;
	v61 =	vmul.f32 $1.442695020e+00, v61;
	v51 =	vpop (erf);
	(erf) = vpow2.f32 v59  }
0x1cd: {  	v43 =	vadd.f32 v48, v43;
	v57 =	vmul.f32 $1.442695020e+00, v58;
	v58 =	vld.idx.msk [tilespmem:v18+s29+$0x0 ss:$0x1], $0xffff;
	v52 =	vpop (erf);
	(erf) = vpow2.f32 v36  }
0x1ce: {  	s30 =	sor.u32 $0xE0, s24;
	s24 =	sor.u32 $0xF0, s24;
	v32 =	vadd.f32 v32, v34;
	v59 =	vmul.f32 $1.442695020e+00, v60;
	v60 =	vld.idx.msk [tilespmem:v19+s29+$0x0 ss:$0x1], $0xffff;
	v45 =	vpop (erf);
	(erf) = vpow2.f32 v62  }
0x1cf: {  	v49 =	vadd.f32 v50, v49;
	v35 =	vmul.f32 $1.442695020e+00, v35;
	v36 =	vld.idx.msk [tilespmem:v12+s24+$0x0 ss:$0x1], $0xffff;
	v42 =	vpop (erf);
	(erf) = vpow2.f32 v55  }
0x1d0: {  	v32 =	vadd.f32 v32, v38;
	v47 =	vpop (erf);
	v55 =	vmul.f32 $1.442695020e+00, v56;
	v56 =	vld.idx.msk [tilespmem:v23+s29+$0x0 ss:$0x1], $0xffff;
	(erf) = vpow2.f32 v57  }
0x1d1: {  	v42 =	vadd.f32 v42, v45;
	v62 =	vpop (erf);
	v57 =	vadd.f32 v52, v51;
	(erf) = vpow2.f32 v59;
	v59 =	vld.idx.msk [tilespmem:v24+s29+$0x0 ss:$0x1], $0xffff  }
0x1d2: {  	v58 =	vmul.f32 $1.442695020e+00, v58;
	v48 =	vpop (erf);
	v37 =	vadd.f32 v62, v47;
	v62 =	vld.idx.msk [tilespmem:v6+s30+$0x0 ss:$0x1], $0xffff;
	(erf) = vpow2.f32 v61  }
0x1d3: {  	v43 =	vadd.f32 v49, v43;
	v52 =	vld.idx.msk [tilespmem:v7+s30+$0x0 ss:$0x1], $0xffff;
	v60 =	vmul.f32 $1.442695020e+00, v60;
	v51 =	vpop (erf);
	(erf) = vpow2.f32 v63  }
0x1d4: {  	v61 =	vld.idx.msk [tilespmem:v22+s30+$0x0 ss:$0x1], $0xffff;
	v42 =	vadd.f32 v42, v57;
	v36 =	vmul.f32 $1.442695020e+00, v36;
	v45 =	vpop (erf);
	(erf) = vpow2.f32 v55  }
0x1d5: {  	v63 =	vmul.f32 $1.442695020e+00, v54;
	v54 =	vld.idx.msk [tilespmem:v8+s30+$0x0 ss:$0x1], $0xffff;
	v37 =	vadd.f32 v48, v37;
	v47 =	vpop (erf);
	(erf) = vpow2.f32 v58  }
0x1d6: {  	v41 =	vld.idx.msk [tilespmem:v19+s30+$0x0 ss:$0x1], $0xffff;
	v53 =	vmul.f32 $1.442695020e+00, v56;
	v42 =	vadd.f32 v42, v43;
	v44 =	vpop (erf);
	(erf) = vpow2.f32 v60  }
0x1d7: {  	v56 =	vld.idx.msk [tilespmem:v9+s30+$0x0 ss:$0x1], $0xffff;
	v45 =	vadd.f32 v45, v51;
	v55 =	vmul.f32 $1.442695020e+00, v59;
	v59 =	vmul.f32 $1.442695020e+00, v62  }
0x1d8: {  	v58 =	vld.idx.msk [tilespmem:v10+s30+$0x0 ss:$0x1], $0xffff;
	v34 =	vpop (erf);
	v32 =	vadd.f32 v42, v32;
	v44 =	vadd.f32 v44, v47;
	(erf) = vpow2.f32 v35  }
0x1d9: {  	v39 =	vld.idx.msk [tilespmem:v13+s30+$0x0 ss:$0x1], $0xffff;
	v57 =	vmul.f32 $1.442695020e+00, v61;
	v61 =	vmul.f32 $1.442695020e+00, v52;
	v52 =	vand.u32 $0x7FFFFF, v29  }
0x1da: {  	v60 =	vld.idx.msk [tilespmem:v11+s30+$0x0 ss:$0x1], $0xffff;
	v49 =	vpop (erf);
	v29 =	vshra.s32 v29, $0x17;
	(erf) = vpow2.f32 v63;
	v63 =	vmul.f32 $1.442695020e+00, v54  }
0x1db: {  	v62 =	vld.idx.msk [tilespmem:v12+s30+$0x0 ss:$0x1], $0xffff;
	v50 =	vpop (erf);
	v54 =	vmul.f32 $1.442695020e+00, v41;
	v29 =	vadd.s32 $0xFFFFFF81, v29;
	(erf) = vpow2.f32 v53  }
0x1dc: {  	v32 =	vadd.f32 v37, v32;
	v38 =	vpop (erf);
	v56 =	vmul.f32 $1.442695020e+00, v56;
	v29 =	vcvt.s32.f32 v29  }
0x1dd: {  	v34 =	vadd.f32 v49, v34;
	(erf) = vpow2.f32 v55;
	v43 =	vpop (erf);
	v58 =	vmul.f32 $1.442695020e+00, v58  }
0x1de: {  	v44 =	vadd.f32 v44, v45;
	v55 =	vmul.f32 $1.442695020e+00, v39;
	(erf) = vpow2.f32 v57;
	v48 =	vpop (erf);
	v57 =	vld.idx.msk [tilespmem:v14+s30+$0x0 ss:$0x1], $0xffff  }
0x1df: {  	v52 =	vor.u32 $0x3F800000, v52;
	v60 =	vmul.f32 $1.442695020e+00, v60;
	(erf) = vpow2.f32 v59;
	v42 =	vpop (erf);
	v59 =	vld.idx.msk [tilespmem:v15+s30+$0x0 ss:$0x1], $0xffff  }
0x1e0: {  	v38 =	vadd.f32 v38, v50;
	v62 =	vmul.f32 $1.442695020e+00, v62;
	(erf) = vpow2.f32 v61;
	v53 =	vpop (erf);
	v61 =	vld.idx.msk [tilespmem:v16+s30+$0x0 ss:$0x1], $0xffff  }
0x1e1: {  	v52 =	vadd.f32 $-1.000000000e+00, v52;
	v29 =	vmul.f32 $6.931471820e-01, v29;
	(erf) = vpow2.f32 v63;
	v37 =	vpop (erf);
	v63 =	vld.idx.msk [tilespmem:v17+s30+$0x0 ss:$0x1], $0xffff  }
0x1e2: {  	v43 =	vadd.f32 v48, v43;
	v34 =	vadd.f32 v38, v34;
	(erf) = vpow2.f32 v56;
	v51 =	vpop (erf)  }
0x1e3: {  	v39 =	vld.idx.msk [tilespmem:v18+s30+$0x0 ss:$0x1], $0xffff;
	v42 =	vadd.f32 v53, v42;
	(erf) = vpow2.f32 v58;
	v47 =	vpop (erf);
	v56 =	vmul.f32 $1.442695020e+00, v57  }
0x1e4: {  	v34 =	vadd.f32 v34, v44;
	v58 =	vld.idx.msk [tilespmem:v20+s30+$0x0 ss:$0x1], $0xffff;
	(erf) = vpow2.f32 v60;
	v49 =	vpop (erf);
	v57 =	vmul.f32 $1.442695020e+00, v59  }
0x1e5: {  	v37 =	vadd.f32 v51, v37;
	(erf) = vpow2.f32 v62;
	v50 =	vpop (erf);
	v60 =	vmul.f32 $1.442695020e+00, v61;
	v61 =	vld.idx.msk [tilespmem:v21+s30+$0x0 ss:$0x1], $0xffff  }
0x1e6: {  	v47 =	vadd.f32 v49, v47;
	(erf) = vpow2.f32 v55;
	v59 =	vpop (erf);
	v62 =	vmul.f32 $1.442695020e+00, v63;
	v63 =	vld.idx.msk [tilespmem:v23+s30+$0x0 ss:$0x1], $0xffff  }
0x1e7: {  	v42 =	vadd.f32 v42, v43;
	(erf) = vpow2.f32 v56;
	v48 =	vadd.f32 v59, v50;
	v59 =	vld.idx.msk [tilespmem:v6+s24+$0x0 ss:$0x1], $0xffff  }
0x1e8: {  	v53 =	vpop (erf);
	v56 =	vmul.f32 $1.442695020e+00, v39;
	v37 =	vadd.f32 v47, v37;
	(erf) = vpow2.f32 v57;
	v57 =	vld.idx.msk [tilespmem:v24+s30+$0x0 ss:$0x1], $0xffff  }
0x1e9: {  	v55 =	vld.idx.msk [tilespmem:v22+s24+$0x0 ss:$0x1], $0xffff;
	v51 =	vpop (erf);
	v58 =	vmul.f32 $1.442695020e+00, v58;
	(erf) = vpow2.f32 v60;
	v48 =	vadd.f32 v53, v48  }
0x1ea: {  	v49 =	vpop (erf);
	v37 =	vadd.f32 v37, v42;
	(erf) = vpow2.f32 v62;
	v60 =	vmul.f32 $1.442695020e+00, v61;
	v61 =	vld.idx.msk [tilespmem:v7+s24+$0x0 ss:$0x1], $0xffff  }
0x1eb: {  	v50 =	vpop (erf);
	v49 =	vadd.f32 v49, v51;
	(erf) = vpow2.f32 v56;
	v62 =	vmul.f32 $1.442695020e+00, v63;
	v63 =	vld.idx.msk [tilespmem:v8+s24+$0x0 ss:$0x1], $0xffff  }
0x1ec: {  	v45 =	vpop (erf);
	v34 =	vadd.f32 v37, v34;
	v37 =	vld.idx.msk [tilespmem:v25+s29+$0x0 ss:$0x1], $0xffff;
	(erf) = vpow2.f32 v54;
	v59 =	vmul.f32 $1.442695020e+00, v59  }
0x1ed: {  	v38 =	vpop (erf);
	v45 =	vadd.f32 v45, v50;
	(erf) = vpow2.f32 v58;
	v56 =	vmul.f32 $1.442695020e+00, v57;
	v57 =	vld.idx.msk [tilespmem:v9+s24+$0x0 ss:$0x1], $0xffff  }
0x1ee: {  	v41 =	vld.idx.msk [tilespmem:v10+s24+$0x0 ss:$0x1], $0xffff;
	v43 =	vpop (erf);
	v58 =	vmul.f32 $1.442695020e+00, v55;
	v48 =	vadd.f32 v48, v34;
	(erf) = vpow2.f32 v60  }
0x1ef: {  	v47 =	vpop (erf);
	v60 =	vld.idx.msk [tilespmem:v11+s24+$0x0 ss:$0x1], $0xffff;
	v38 =	vadd.f32 v43, v38;
	(erf) = vpow2.f32 v62;
	v61 =	vmul.f32 $1.442695020e+00, v61  }
0x1f0: {  	v45 =	vadd.f32 v45, v49;
	v53 =	vpop (erf);
	(erf) = vpow2.f32 v56;
	v62 =	vmul.f32 $1.442695020e+00, v63  }
0x1f1: {  	v44 =	vpop (erf);
	v63 =	vld.idx.msk [tilespmem:v13+s24+$0x0 ss:$0x1], $0xffff;
	v47 =	vadd.f32 v53, v47;
	vm7 =	veq.s32 v37, $0xFF;
	(erf) = vpow2.f32 v58  }
0x1f2: {  	v53 =	vld.idx.msk [tilespmem:v25+s31+$0x0 ss:$0x1], $0xffff;
	v42 =	vpop (erf);
	v37 =	vsel vm7, $0x0, v37;
	(erf) = vpow2.f32 v59;
	v56 =	vmul.f32 $1.442695020e+00, v57  }
0x1f3: {  	v40 =	vld.idx.msk [tilespmem:v17+s24+$0x0 ss:$0x1], $0xffff;
	v51 =	vpop (erf);
	v59 =	vmul.f32 $1.442695020e+00, v41;
	v42 =	vadd.f32 v42, v44;
	v38 =	vadd.f32 v47, v38  }
0x1f4: {  	v57 =	vld.idx.msk [tilespmem:v14+s24+$0x0 ss:$0x1], $0xffff;
	v37 =	vadd.s32 v5, v37;
	(erf) = vpow2.f32 v61;
	v58 =	vpop (erf);
	v60 =	vmul.f32 $1.442695020e+00, v60  }
0x1f5: {  	v41 =	vld.idx.msk [tilespmem:v15+s24+$0x0 ss:$0x1], $0xffff;
	v37 =	vshll.u32 v37, $0xA;
	(erf) = vpow2.f32 v62;
	v50 =	vadd.f32 v58, v51  }
0x1f6: {  	v61 =	vld.idx.msk [tilespmem:v16+s24+$0x0 ss:$0x1], $0xffff;
	v43 =	vpop (erf);
	v38 =	vadd.f32 v38, v45;
	v37 =	vadd.s32 s29, v37;
	(erf) = vpow2.f32 v56  }
0x1f7: {  	v58 =	vld.idx.msk [tilespmem:v18+s24+$0x0 ss:$0x1], $0xffff;
	v62 =	vpop (erf);
	v63 =	vmul.f32 $1.442695020e+00, v63;
	vm6 =	veq.s32 v53, $0xFF;
	v37 =	vor.u32 v0, v37  }
0x1f8: {  	(erf) = vpow2.f32 v59;
	v35 =	vadd.f32 v62, v43;
	v53 =	vsel vm6, $0x0, v53  }
0x1f9: {  	v44 =	vpop (erf);
	v62 =	vld.idx.msk [tilespmem:v19+s24+$0x0 ss:$0x1], $0xffff;
	v42 =	vadd.f32 v50, v42;
	(erf) = vpow2.f32 v60;
	v57 =	vmul.f32 $1.442695020e+00, v57  }
0x1fa: {  	v56 =	vpop (erf);
	v41 =	vmul.f32 $1.442695020e+00, v41;
	v53 =	vadd.s32 v5, v53;
	(erf) = vpow2.f32 v36  }
0x1fb: {  	v59 =	vpop (erf);
	v61 =	vmul.f32 $1.442695020e+00, v61;
	v44 =	vadd.f32 v56, v44;
	v56 =	vmul.f32 $1.442695020e+00, v40  }
0x1fc: {  	v53 =	vshll.u32 v53, $0xA;
	(erf) = vpow2.f32 v63;
	v60 =	vpop (erf);
	v63 =	vld.idx.msk [tilespmem:v20+s24+$0x0 ss:$0x1], $0xffff;
	v39 =	vmul.f32 $1.442695020e+00, v58  }
0x1fd: {  	v58 =	vld.idx.msk [tilespmem:v23+s24+$0x0 ss:$0x1], $0xffff;
	(erf) = vpow2.f32 v57;
	v51 =	vpop (erf);
	v33 =	vadd.f32 v60, v59;
	v60 =	vmul.f32 $1.011890170e-02, v52  }
0x1fe: {  	v35 =	vadd.f32 v44, v35;
	(erf) = vpow2.f32 v41;
	v43 =	vpop (erf);
	v59 =	vmul.f32 $1.442695020e+00, v62  }
0x1ff: {  	v57 =	vld.idx.msk [tilespmem:v21+s24+$0x0 ss:$0x1], $0xffff;
	v62 =	vand.u32 $0x7FFFFF, v32;
	v32 =	vshra.s32 v32, $0x17;
	(erf) = vpow2.f32 v61;
	v47 =	vpop (erf)  }
0x200: {  	v35 =	vadd.f32 v35, v42;
	v50 =	vadd.f32 $-5.262395370e-02, v60;
	(erf) = vpow2.f32 v56;
	v49 =	vpop (erf)  }
0x201: {  	v40 =	vor.u32 $0x3F800000, v62;
	v33 =	vadd.f32 v51, v33;
	(erf) = vpow2.f32 v39;
	v46 =	vpop (erf)  }
0x202: {  	v40 =	vadd.f32 $-1.000000000e+00, v40;
	v41 =	vmul.f32 $1.442695020e+00, v63;
	v36 =	vmul.f32 $1.442695020e+00, v58;
	v44 =	vpop (erf)  }
0x203: {  	v35 =	vadd.f32 v35, v38;
	v50 =	vmul.f32 v50, v52;
	(erf) = vpow2.f32 v59;
	v45 =	vpop (erf)  }
0x204: {  	v43 =	vadd.f32 v47, v43;
	v63 =	vld.idx.msk [tilespmem:v24+s24+$0x0 ss:$0x1], $0xffff;
	v61 =	vmul.f32 $1.442695020e+00, v57;
	v59 =	vmul.f32 $1.011890170e-02, v40;
	v42 =	vpop (erf)  }
0x205: {  	v46 =	vadd.f32 v46, v49;
	(erf) = vpow2.f32 v41;
	v33 =	vadd.f32 v33, v35;
	v39 =	vpop (erf)  }
0x206: {  	(erf) = vpow2.f32 v61;
	v61 =	vadd.f32 $1.307633520e-01, v50;
	v35 =	vadd.f32 $-5.262395370e-02, v59;
	v51 =	vpop (erf)  }
0x207: {  	v32 =	vadd.s32 $0xFFFFFF81, v32;
	v44 =	vadd.f32 v45, v44;
	v43 =	vadd.f32 v46, v43;
	v56 =	vpop (erf)  }
0x208: {  	(erf) = vpow2.f32 v36;
	v36 =	vadd.s32 s31, v53;
	v34 =	vmul.f32 v61, v52;
	v38 =	vpop (erf)  }
0x209: {  	v57 =	vmul.f32 $1.442695020e+00, v63;
	v39 =	vadd.f32 v39, v42;
	v35 =	vmul.f32 v35, v40;
	v58 =	vpop (erf)  }
0x20a: {  	v36 =	vor.u32 v0, v36;
	v55 =	vadd.f32 v56, v51;
	v34 =	vadd.f32 $-2.228347210e-01, v34;
	v60 =	vpop (erf)  }
0x20b: {  	v35 =	vadd.f32 $1.307633520e-01, v35;
	v39 =	vadd.f32 v39, v44;
	(erf) = vpow2.f32 v57;
	v62 =	vpop (erf)  }
0x20c: {  	v38 =	vadd.f32 v58, v38;
	v57 =	vadd.f32 v62, v60;
	v60 =	vand.u32 $0x7FFFFF, v48  }
0x20d: {  	v61 =	vmul.f32 v34, v52;
	v35 =	vmul.f32 v35, v40;
	v63 =	vpop (erf);
	v47 =	vor.u32 $0x3F800000, v60  }
0x20e: {  	v34 =	vsel vm11, $0x0, v1;
	v39 =	vadd.f32 v39, v43;
	v54 =	vpop (erf);
	v46 =	vadd.f32 $-1.000000000e+00, v47  }
0x20f: {  	v30 =	vmul.f32 v30, v34;
	v28 =	vadd.f32 v34, v28;
	v42 =	vadd.f32 v54, v63  }
0x210: {  	v50 =	vld.idx.msk [tilespmem:v25+s24+$0x0 ss:$0x1], $0xffff;
	v62 =	vadd.f32 $3.269723650e-01, v61;
	v35 =	vadd.f32 $-2.228347210e-01, v35;
	v63 =	vmul.f32 $1.011890170e-02, v46  }
0x211: {  	v38 =	vadd.f32 v38, v55;
	vm8 =	vgt.f32 v30, $3.566749390e-01;
	v56 =	vpop (erf);
	v41 =	vadd.f32 v42, v57  }
0x212: {  	v54 =	vmul.f32 v62, v52;
	v35 =	vmul.f32 v35, v40;
	v58 =	vpop (erf);
	v44 =	vadd.f32 $-5.262395370e-02, v63  }
0x213: {  	v47 =	vsel vm8, $0x3F800000, v2;
	v59 =	vadd.f32 v58, v56;
	v38 =	vadd.f32 v41, v38  }
0x214: {  	v26 =	vadd.f32 v47, v26;
	v42 =	vadd.f32 $-4.992063940e-01, v54;
	v53 =	vpop (erf);
	v55 =	vmul.f32 v44, v46  }
0x215: {  	vm11 =	veq.s32 v50, $0xFF;
	v45 =	vadd.f32 v53, v59;
	v38 =	vadd.f32 v38, v39  }
0x216: {  	v30 =	vmul.f32 v47, v30;
	v35 =	vadd.f32 $3.269723650e-01, v35;
	v41 =	vadd.f32 $1.307633520e-01, v55  }
0x217: {  	v56 =	vand.u32 $0x7FFFFF, v33;
	v33 =	vshra.s32 v33, $0x17;
	v38 =	vadd.f32 v45, v38  }
0x218: {  	v42 =	vmul.f32 v42, v52;
	v39 =	vor.u32 $0x3F800000, v56;
	v41 =	vmul.f32 v41, v46  }
0x219: {  	v35 =	vmul.f32 v35, v40;
	v39 =	vadd.f32 $-1.000000000e+00, v39;
	v58 =	vand.u32 $0x7FFFFF, v38  }
0x21a: {  	v42 =	vadd.f32 $9.999574420e-01, v42;
	v44 =	vor.u32 $0x3F800000, v58;
	v41 =	vadd.f32 $-2.228347210e-01, v41  }
0x21b: {  	v35 =	vadd.f32 $-4.992063940e-01, v35;
	v57 =	vmul.f32 $1.011890170e-02, v39;
	v44 =	vadd.f32 $-1.000000000e+00, v44  }
0x21c: {  	v27 =	vadd.f32 v30, v27;
	v42 =	vmul.f32 v42, v52;
	v41 =	vmul.f32 v41, v46  }
0x21d: {  	v31 =	vld.idx.msk [tilespmem:v31+s5+$0x0], $0xffff;
	v35 =	vmul.f32 v35, v40;
	v43 =	vadd.f32 $-5.262395370e-02, v57;
	v60 =	vmul.f32 $1.011890170e-02, v44  }
0x21e: {  	v33 =	vadd.s32 $0xFFFFFF81, v33;
	v42 =	vadd.f32 $5.629329960e-07, v42;
	v41 =	vadd.f32 $3.269723650e-01, v41  }
0x21f: {  	v35 =	vadd.f32 $9.999574420e-01, v35;
	v59 =	vmul.f32 v43, v39;
	v43 =	vadd.f32 $-5.262395370e-02, v60  }
0x220: {  	v45 =	vshra.s32 v48, $0x17;
	v29 =	vadd.f32 v42, v29;
	v41 =	vmul.f32 v41, v46  }
0x221: {  	v48 =	vld.idx.msk [tilespmem:v25+s30+$0x0 ss:$0x1], $0xffff;
	v35 =	vmul.f32 v35, v40;
	v42 =	vadd.f32 $1.307633520e-01, v59;
	v63 =	vmul.f32 v43, v44  }
0x222: {  	v29 =	vsub.f32 v29, v31;
	v31 =	vcvt.s32.f32 v32;
	v61 =	vadd.f32 $-4.992063940e-01, v41  }
0x223: {  	v33 =	vcvt.s32.f32 v33;
	v62 =	vmul.f32 v42, v39;
	v42 =	vadd.f32 $1.307633520e-01, v63  }
0x224: {  	v36 =	vld.idx.msk [tilespmem:v36+s5+$0x0], $0xffff;
	v35 =	vadd.f32 $5.629329960e-07, v35;
	v31 =	vmul.f32 $6.931471820e-01, v31;
	v32 =	vmul.f32 v61, v46  }
0x225: {  	v33 =	vmul.f32 $6.931471820e-01, v33;
	v41 =	vadd.f32 $-2.228347210e-01, v62;
	v42 =	vmul.f32 v42, v44  }
0x226: {  	vm10 =	veq.s32 v48, $0xFF;
	v31 =	vadd.f32 v35, v31;
	v32 =	vadd.f32 $9.999574420e-01, v32  }
0x227: {  	v35 =	vadd.s32 $0xFFFFFF81, v45;
	v41 =	vmul.f32 v41, v39;
	v42 =	vadd.f32 $-2.228347210e-01, v42  }
0x228: {  	v51 =	vsel vm10, $0x0, v48;
	v35 =	vcvt.s32.f32 v35;
	v32 =	vmul.f32 v32, v46  }
0x229: {  	v31 =	vsub.f32 v31, v36;
	v41 =	vadd.f32 $3.269723650e-01, v41;
	v42 =	vmul.f32 v42, v44  }
0x22a: {  	v36 =	vsel vm11, $0x0, v50;
	v35 =	vmul.f32 $6.931471820e-01, v35;
	v32 =	vadd.f32 $5.629329960e-07, v32  }
0x22b: {  	v36 =	vadd.s32 v5, v36;
	v41 =	vmul.f32 v41, v39;
	v42 =	vadd.f32 $3.269723650e-01, v42  }
0x22c: {  	v37 =	vld.idx.msk [tilespmem:v37+s5+$0x0], $0xffff;
	v36 =	vshll.u32 v36, $0xA;
	v32 =	vadd.f32 v32, v35;
	v35 =	vadd.s32 v5, v51  }
0x22d: {  	v41 =	vadd.f32 $-4.992063940e-01, v41;
	v54 =	vmul.f32 v42, v44;
	v35 =	vshll.u32 v35, $0xA  }
0x22e: {  	v38 =	vshra.s32 v38, $0x17;
	v36 =	vadd.s32 s24, v36;
	v35 =	vadd.s32 s30, v35  }
0x22f: {  	v53 =	vmul.f32 v41, v39;
	v41 =	vadd.f32 $-4.992063940e-01, v54;
	v35 =	vor.u32 v0, v35  }
0x230: {  	v38 =	vadd.s32 $0xFFFFFF81, v38;
	v40 =	vsel vm15, $0x0, v1;
	v36 =	vor.u32 v0, v36  }
0x231: {  	v32 =	vsub.f32 v32, v37;
	v37 =	vadd.f32 $9.999574420e-01, v53;
	v56 =	vmul.f32 v41, v44  }
0x232: {  	v52 =	vsel vm6, $0x0, v1;
	v38 =	vcvt.s32.f32 v38;
	v29 =	vmul.f32 v29, v40  }
0x233: {  	v55 =	vsel vm7, $0x0, v1;
	v37 =	vmul.f32 v37, v39;
	v39 =	vadd.f32 $9.999574420e-01, v56  }
0x234: {  	v28 =	vadd.f32 v40, v28;
	v60 =	vmul.f32 $6.931471820e-01, v38;
	vm9 =	vgt.f32 v29, $3.566749390e-01;
	v35 =	vld.idx.msk [tilespmem:v35+s5+$0x0], $0xffff  }
0x235: {  	v49 =	vsel vm9, $0x3F800000, v2;
	v37 =	vadd.f32 $5.629329960e-07, v37;
	v39 =	vmul.f32 v39, v44  }
0x236: {  	v26 =	vadd.f32 v49, v26;
	v29 =	vmul.f32 v49, v29;
	v31 =	vmul.f32 v31, v52;
	v30 =	vld.idx.msk [tilespmem:v36+s5+$0x0], $0xffff  }
0x237: {  	v63 =	vsel vm11, $0x0, v1;
	v33 =	vadd.f32 v37, v33;
	v59 =	vadd.f32 $5.629329960e-07, v39  }
0x238: {  	v61 =	vsel vm10, $0x0, v1;
	vm12 =	vgt.f32 v31, $3.566749390e-01;
	v32 =	vmul.f32 v32, v55  }
0x239: {  	v57 =	vsel vm12, $0x3F800000, v2;
	v62 =	vadd.f32 v59, v60;
	v33 =	vsub.f32 v33, v35  }
0x23a: {  	v27 =	vadd.f32 v29, v27;
	v29 =	vmul.f32 v57, v31;
	vm13 =	vgt.f32 v32, $3.566749390e-01  }
0x23b: {  	v58 =	vsel vm13, $0x3F800000, v2;
	v30 =	vsub.f32 v62, v30;
	v31 =	vmul.f32 v33, v61  }
0x23c: {  	v26 =	vadd.f32 v57, v26;
	v27 =	vadd.f32 v29, v27;
	v29 =	vmul.f32 v58, v32  }
0x23d: {  	v28 =	vadd.f32 v52, v28;
	v30 =	vmul.f32 v30, v63;
	vm14 =	vgt.f32 v31, $3.566749390e-01  }
0x23e: {  	p0 =	slt.u32 s23, $0x30;
	v26 =	vadd.f32 v58, v26;
	v27 =	vadd.f32 v29, v27;
	v29 =	vsel vm14, $0x3F800000, v2  }
.Ltmp0:
0x23f: {  	v28 =	vadd.f32 v55, v28;
	vm15 =	vgt.f32 v30, $3.566749390e-01;
	v31 =	vmul.f32 v29, v31;
	(pc) =	sbr.rel @p0 .LBB2_3-.Ltmp0, $4  }
0x240: {  	v26 =	vadd.f32 v29, v26;
	v29 =	vsel vm15, $0x3F800000, v2  }
0x241: {  	v30 =	vmul.f32 v29, v30;
	v27 =	vadd.f32 v31, v27;
	v31 =	vadd.f32 v61, v28  }
0x242: {  	s31 =	sadd.s32 $0x10, s23;
	v28 =	vadd.f32 v29, v26  }
0x243: {  	s23 =	smov.u32 s31;
	v27 =	vadd.f32 v30, v27;
	v26 =	vadd.f32 v63, v31  }
0x244: {  	s22 =	sadd.s32 $0x1, s22  }
0x245: {  	p0 =	sne.s32 s22, $0x40  }
.Ltmp1:
0x246: {  	_ = 	snop;
	(pc) =	sbr.rel @p0 .LBB2_2-.Ltmp1, $1  }
0x247: {  	_ =	sdelay $0x3  }
0x248: {  	[tilespmem:$0xF000] =	vst v28  }
0x249: {  	[tilespmem:$0xF010] =	vst v27  }
0x24a: {  	[tilespmem:$0xF020] =	vst v26  }
0x24b: {  	[tilespmem:$0xF030] =	vst v2  }
0x24c: {  	[tilespmem:$0xF040] =	vst v2  }
0x24d: {  	[tilespmem:$0xF050] =	vst v2;
	s21 =	sadd.s32 $0x1, s21  }
0x24e: {  	[tilespmem:$0xF060] =	vst v2;
	p0 =	sne.s32 s21, s12  }
.Ltmp2:
0x24f: {  	[tilespmem:$0xF070] =	vst v2;
	(pc) =	sbr.rel @p0 .LBB2_1-.Ltmp2, $4  }
0x250: {  	[hbm4b:s11+s5] =	stream.linear.scatter [tilespmem:s19], [sflag:$0x2], $0x80, $0x38;
	[tilespmem:$0xF080] =	vst v63  }
0x251: {  	_ =	swait.ge [sflag:s20], $0x80  }
0x252: {  	[sflag:s20] =	ssyncset.done $0x0  }
0x253: {  	[sflag:s20] =	ssyncadd.s32 $0xFFFFFF80  }
0x254: {  	_ =	sfence.sel $0x180000  }
0x255: {  	[bflag:$0x0] =	sbarrier.arrive $0xFFFF  }
0x256: {  	p0 =	sne.s32 s0, $0x0;
	_ =	strace $0x90000047  }
0x257: {  	s0 =	sadd.s32 @!p0 $0x100000, s2;
	[bflag:$0x2] =	sbarrier.arrive $0xFFFF  }
0x258: {  	[sflag:s0] =	ssyncadd.tile.s32 @!p0 $0x1;
	_ =	shalt  }
.Lfunc_end2:
_tile_overlayer_lowered:
.L_overlay_start_2:
0x259: {  	(tag) =	ssettag $0x2  }
0x25a: {  	s0 =	rddreg [dreg:$0x0];
	s2 =	stileid.u32  }
0x25b: {  	s1 =	rddreg [dreg:$0x1];
	p0 =	sne.s32 s2, $0x0  }
0x25c: {  	s3 =	rddreg [dreg:$0x2];
	[bflag:$0x3] =	sbarrier.arrive $0xFFFF;
	s2 =	simm.s32 @!p0 $0x1C02  }
0x25d: {  	[timem:s3], [sflag:s2] =	dma.local @!p0 [hbm:s0], s1  }
0x25e: {  	s0 =	simm.s32 @!p0 $0x2  }
0x25f: {  	_ =	swait.ge @!p0 [sflag:s0], s1  }
0x260: {  	s1 =	ssub.s32 @!p0 $0x0, s1;
	[sflag:s0] =	ssyncset.done @!p0 $0x0  }
0x261: {  	[sflag:s0] =	ssyncadd.s32 @!p0 s1  }
0x262: {  	[bflag:$0x3] =	sbarrier.arrive $0xFFFF  }
0x263: {  	_ =	shalt  }

</sc_bundles>
